<compile_context>
chip_gen: v7x
topology: tpu7x:2x2x1
jax: 0.10.2.dev20260603
libtpu: 0.0.44.dev20260713+nightly
codegen_flags: <defaults>
</compile_context>

<pallas_src>
import jax
import jax.numpy as jnp
from jax import lax
from jax.experimental import pallas as pl
from jax.experimental.pallas import tpu as pltpu
from jax.experimental.pallas import tpu_sc as plsc

_B, _NIN, _NHID, _E = 2048, 1024, 1024, 8
_TILE = 128
_NT = 24
_C = _NT * _TILE

_NC, _NS = 2, 16
_NW = _NC * _NS
_TPW = _B // _NW
_G = _TPW // 16

_MESH = plsc.VectorSubcoreMesh(core_axis_name="c", subcore_axis_name="s",
                               num_cores=_NC, num_subcores=_NS)


def _i16(v):
    return jnp.full((16,), v, jnp.int32)


def _route_body(slct_t, x_hbm, xs_hbm, slot_hbm, te_hbm,
                sbuf, fbuf, idxb, rankb, slotb, cntv, cntf, cntall, svm, endm,
                teb, rows, csh, sem, rsem, fsem):
    cid = lax.axis_index("c")
    sid = lax.axis_index("s")
    wid = cid * _NS + sid
    fwid = (1 - cid) * _NS + sid
    base = wid * _TPW
    fbase = fwid * _TPW
    lane = lax.iota(jnp.int32, 16)
    zero16 = jnp.zeros((16,), jnp.int32)
    ones16 = jnp.ones((16,), jnp.int32)

    rowcp = pltpu.async_copy(x_hbm.at[pl.ds(base, _TPW)], rows, rsem)
    fcps = [pltpu.async_copy(slct_t.at[e, pl.ds(fbase, _TPW)], fbuf.at[e], fsem)
            for e in range(_E)]

    for e in range(_E):
        pltpu.sync_copy(slct_t.at[e, pl.ds(base, _TPW)], sbuf.at[e])

    cntv[...] = zero16
    for g in range(_G):
        sl = pl.ds(g * 16, 16)
        best = sbuf[0, sl]
        bidx = zero16
        for e in range(1, _E):
            v = sbuf[e, sl]
            m = v > best
            bidx = jnp.where(m, _i16(e), bidx)
            best = jnp.where(m, v, best)
        prior = plsc.load_gather(cntv, [bidx])
        lr = zero16
        for e in range(_E):
            me = (bidx == _i16(e)).astype(jnp.int32)
            pfx = plsc.cumsum(me)
            lr = lr + me * (pfx - me)
        plsc.addupdate_scatter(cntv, [bidx], ones16)
        idxb[sl] = bidx
        rankb[sl] = prior + lr

    for cp in fcps:
        cp.wait()
    cntf[...] = zero16
    for g in range(_G):
        sl = pl.ds(g * 16, 16)
        best = fbuf[0, sl]
        bidx = zero16
        for e in range(1, _E):
            v = fbuf[e, sl]
            m = v > best
            bidx = jnp.where(m, _i16(e), bidx)
            best = jnp.where(m, v, best)
        plsc.addupdate_scatter(cntf, [bidx], ones16)

    pltpu.sync_copy(cntv, csh.at[pl.ds(wid * 16, 16)])
    pltpu.sync_copy(cntf, csh.at[pl.ds(fwid * 16, 16)])
    plsc.subcore_barrier()
    pltpu.sync_copy(csh, cntall)

    widv = jnp.full((16,), wid, jnp.int32)
    acc = zero16
    accp = zero16
    for w in range(_NW):
        ch = cntall[pl.ds(16 * w, 16)]
        acc = acc + ch
        accp = accp + jnp.where(_i16(w) < widv, ch, zero16)

    padded = (acc + _i16(_TILE - 1)) & _i16(~(_TILE - 1))
    ends = plsc.cumsum(padded)
    svm[...] = ends - padded + accp
    endm[pl.ds(1, 16)] = ends

    for g in range(_G):
        sl = pl.ds(g * 16, 16)
        bidx = idxb[sl]
        slotb[sl] = rankb[sl] + plsc.load_gather(svm, [bidx])
    pltpu.sync_copy(slotb, slot_hbm.at[pl.ds(base, _TPW)])

    rowcp.wait()
    pltpu.async_copy(rows, xs_hbm.at[slotb], sem).wait()

    @pl.when(wid == 0)
    def _():
        ts0 = lane * _i16(_TILE)
        ts1 = (lane + _i16(16)) * _i16(_TILE)
        tev0 = zero16
        tev1 = zero16
        for e in range(_E - 1):
            endv = plsc.load_gather(endm, [_i16(e + 1)])
            tev0 = tev0 + (ts0 >= endv).astype(jnp.int32)
            tev1 = tev1 + (ts1 >= endv).astype(jnp.int32)
        used = plsc.load_gather(endm, [_i16(_E)])
        teb[pl.ds(0, 16)] = tev0
        teb[pl.ds(16, 16)] = tev1
        teb[pl.ds(32, 16)] = (lane == zero16).astype(jnp.int32) * used
        pltpu.sync_copy(teb, te_hbm)


def _route_scratch():
    return [
        pltpu.VMEM((_E, _TPW), jnp.float32),
        pltpu.VMEM((_E, _TPW), jnp.float32),
        pltpu.VMEM((_TPW,), jnp.int32),
        pltpu.VMEM((_TPW,), jnp.int32),
        pltpu.VMEM((_TPW,), jnp.int32),
        pltpu.VMEM((16,), jnp.int32),
        pltpu.VMEM((16,), jnp.int32),
        pltpu.VMEM((_NW * 16,), jnp.int32),
        pltpu.VMEM((16,), jnp.int32),
        pltpu.VMEM((32,), jnp.int32),
        pltpu.VMEM((48,), jnp.int32),
        pltpu.VMEM((_TPW, _NIN), jnp.float32),
        pltpu.VMEM_SHARED((_NW * 16,), jnp.int32),
        pltpu.SemaphoreType.DMA,
        pltpu.SemaphoreType.DMA,
        pltpu.SemaphoreType.DMA,
    ]


_route = pl.kernel(
    _route_body,
    out_type=[
        jax.ShapeDtypeStruct((_C, _NIN), jnp.float32),
        jax.ShapeDtypeStruct((_B,), jnp.int32),
        jax.ShapeDtypeStruct((48,), jnp.int32),
    ],
    mesh=_MESH,
    compiler_params=pltpu.CompilerParams(needs_layout_passes=False),
    scratch_types=_route_scratch(),
)


def _gather_body(slot_hbm, ys_hbm, out_hbm, slotv, rows, sem):
    wid = lax.axis_index("s") * _NC + lax.axis_index("c")
    base = wid * _TPW
    pltpu.sync_copy(slot_hbm.at[pl.ds(base, _TPW)], slotv)
    pltpu.async_copy(ys_hbm.at[slotv], rows, sem).wait()
    pltpu.sync_copy(rows, out_hbm.at[pl.ds(base, _TPW)])


_gather = pl.kernel(
    _gather_body,
    out_type=jax.ShapeDtypeStruct((_B, _NHID), jnp.float32),
    mesh=_MESH,
    compiler_params=pltpu.CompilerParams(needs_layout_passes=False),
    scratch_types=[
        pltpu.VMEM((_TPW,), jnp.int32),
        pltpu.VMEM((_TPW, _NHID), jnp.float32),
        pltpu.SemaphoreType.DMA,
    ],
)


def _mm_body(te_ref, used_ref, x_ref, w_ref, b_ref, o_ref):
    @pl.when(pl.program_id(0) * _TILE < used_ref[0])
    def _():
        y = lax.dot_general(
            x_ref[...], w_ref[0],
            dimension_numbers=(((1,), (1,)), ((), ())),
            preferred_element_type=jnp.float32)
        o_ref[...] = jnp.maximum(y + b_ref[0], 0.0)


def _expert_matmul(x_sorted, tile_expert, used, W, b):
    def _cap(t, u):
        return jnp.minimum(t, (u[0] + _TILE - 1) // _TILE - 1)

    grid_spec = pltpu.PrefetchScalarGridSpec(
        num_scalar_prefetch=2,
        grid=(_NT,),
        in_specs=[
            pl.BlockSpec((_TILE, _NIN), lambda t, te, u: (_cap(t, u), 0)),
            pl.BlockSpec((1, _NHID, _NIN), lambda t, te, u: (te[t], 0, 0)),
            pl.BlockSpec((1, 1, _NHID), lambda t, te, u: (te[t], 0, 0)),
        ],
        out_specs=pl.BlockSpec((_TILE, _NHID), lambda t, te, u: (_cap(t, u), 0)),
    )
    return pl.pallas_call(
        _mm_body,
        grid_spec=grid_spec,
        out_shape=jax.ShapeDtypeStruct((_C, _NHID), jnp.float32),
    )(tile_expert, used, x_sorted, W, b.reshape(_E, 1, _NHID))


def kernel(x, slct, W, b):
    x_sorted, slot, te = _route(slct.T, x)
    y_sorted = _expert_matmul(x_sorted, te[:32], te[32:40], W, b)
    return _gather(slot, y_sorted)

# --- scband reference (transcript-rebuilt; emitter-appended) ---
"""Pipeline reference for scband-my-linear-slct-75015898792455 (READ-ONLY COPY).

The authoritative reference and input builder live on the scoring server;
editing this copy changes nothing except your own understanding.
"""

import jax, jax.numpy as jnp
import numpy as np

B, NIN, NHID, E = 2048, 1024, 1024, 8

def setup_inputs(seed: int = 0) -> dict:
    key = jax.random.key(seed)
    k1, k2, k3, k4 = jax.random.split(key, 4)
    x = jax.random.normal(k1, (B, NIN), dtype=jnp.float32)
    slct = jax.random.normal(k2, (B, E), dtype=jnp.float32)
    # Expert Linear params, torch nn.Linear default init: U(-1/sqrt(nin), 1/sqrt(nin))
    bound = 1.0 / np.sqrt(NIN)
    W = jax.random.uniform(k3, (E, NHID, NIN), dtype=jnp.float32, minval=-bound, maxval=bound)
    b = jax.random.uniform(k4, (E, NHID), dtype=jnp.float32, minval=-bound, maxval=bound)
    return {"x": x, "slct": slct, "W": W, "b": b}

def reference(x, slct, W, b):
    # Original: for each row i, apply Linear layer indexed by slct[i].argmax()
    # y[i] = W[e_i] @ x[i] + b[e_i], then ReLU (activ='relu', drop=0, no batchnorm)
    idx = jnp.argmax(slct, axis=1)  # [B] expert selection per token
    onehot = jax.nn.one_hot(idx, E, dtype=x.dtype)  # [B, E]
    all_out = jnp.einsum('bi,eoi->beo', x, W) + b[None, :, :]  # [B, E, NHID]
    y = jnp.einsum('be,beo->bo', onehot, all_out)  # select chosen expert's output
    y = jax.nn.relu(y)
    return y

if __name__ == "__main__":
    import jax
    _d = setup_inputs()
    print(jax.jit(kernel)(*tuple(_d.values())))

</pallas_src>

<mosaic_0001>
#map = affine_map<(d0, d1) -> (0, 0)>
#map1 = affine_map<(d0, d1) -> (0)>
module attributes {stable_mosaic.version = 14 : i64} {
  func.func @_route_body(%arg0: i32, %arg1: i32, %arg2: memref<8x2048xf32, #tpu.memory_space<hbm>>, %arg3: memref<2048x1024xf32, #tpu.memory_space<hbm>>, %arg4: memref<3072x1024xf32, #tpu.memory_space<hbm>>, %arg5: memref<2048xi32, #tpu.memory_space<hbm>>, %arg6: memref<48xi32, #tpu.memory_space<hbm>>, %arg7: memref<8x64xf32, #tpu.memory_space<vmem>>, %arg8: memref<8x64xf32, #tpu.memory_space<vmem>>, %arg9: memref<64xi32, #tpu.memory_space<vmem>>, %arg10: memref<64xi32, #tpu.memory_space<vmem>>, %arg11: memref<64xi32, #tpu.memory_space<vmem>>, %arg12: memref<16xi32, #tpu.memory_space<vmem>>, %arg13: memref<16xi32, #tpu.memory_space<vmem>>, %arg14: memref<512xi32, #tpu.memory_space<vmem>>, %arg15: memref<16xi32, #tpu.memory_space<vmem>>, %arg16: memref<32xi32, #tpu.memory_space<vmem>>, %arg17: memref<48xi32, #tpu.memory_space<vmem>>, %arg18: memref<64x1024xf32, #tpu.memory_space<vmem>>, %arg19: memref<512xi32, #tpu.memory_space<vmem_shared>>, %arg20: memref<!tpu.dma_semaphore, #tpu.memory_space<semaphore_mem>>, %arg21: memref<!tpu.dma_semaphore, #tpu.memory_space<semaphore_mem>>, %arg22: memref<!tpu.dma_semaphore, #tpu.memory_space<semaphore_mem>>) attributes {dimension_semantics = [#tpu.dimension_semantics<core_parallel>, #tpu.dimension_semantics<subcore_parallel>], iteration_bounds = array<i64: 2, 16>, scalar_prefetch = 0 : i64, scratch_operands = 16 : i64, tpu.core_type = #tpu.core_type<sc_vector_subcore>, window_params = [{transform_indices = #map}, {transform_indices = #map}, {transform_indices = #map}, {transform_indices = #map1}, {transform_indices = #map1}]} {
    %mul3A = arith.constant 16 : i32
    %mul3A_0 = arith.muli %arg0, %mul3A : i32
    %add3A = arith.addi %mul3A_0, %arg1 : i32
    %sub3A = arith.constant 1 : i32
    %sub3A_1 = arith.subi %sub3A, %arg0 : i32
    %mul3A_2 = arith.constant 16 : i32
    %mul3A_3 = arith.muli %sub3A_1, %mul3A_2 : i32
    %add3A_4 = arith.addi %mul3A_3, %arg1 : i32
    %mul3A_5 = arith.constant 64 : i32
    %mul3A_6 = arith.muli %add3A, %mul3A_5 : i32
    %mul3A_7 = arith.constant 64 : i32
    %mul3A_8 = arith.muli %add3A_4, %mul3A_7 : i32
    %iota3A = tpu.iota {dimensions = array<i32: 0>} : vector<16xi32>
    %broadcast_in_dim3A = arith.constant 0 : i32
    %broadcast_in_dim3A_9 = vector.broadcast %broadcast_in_dim3A : i32 to vector<16xi32>
    %broadcast_in_dim3A_10 = arith.constant 1 : i32
    %broadcast_in_dim3A_11 = vector.broadcast %broadcast_in_dim3A_10 : i32 to vector<16xi32>
    %dma_start3A = arith.constant 0 : i32
    %dma_start3A_12 = tpu.memref_slice %arg3[%mul3A_6, %dma_start3A] : memref<2048x1024xf32, #tpu.memory_space<hbm>> -> memref<64x1024xf32, #tpu.memory_space<hbm>>
    %dma_start3A_13 = arith.constant 0 : i32
    %dma_start3A_14 = tpu.memref_slice %arg3[%mul3A_6, %dma_start3A_13] : memref<2048x1024xf32, #tpu.memory_space<hbm>> -> memref<64x1024xf32, #tpu.memory_space<hbm>>
    tpu.enqueue_dma source(%dma_start3A_14 : memref<64x1024xf32, #tpu.memory_space<hbm>>) target(%arg18 : memref<64x1024xf32, #tpu.memory_space<vmem>>) target_semaphore(%arg21 : memref<!tpu.dma_semaphore, #tpu.memory_space<semaphore_mem>>)
    %dma_start3A_15 = arith.constant 0 : i32
    %dma_start3A_16 = arith.constant 0 : i32
    %dma_start3A_17 = arith.constant 0 : i32
    %dma_start3A_18 = tpu.memref_slice %arg8[%dma_start3A_16, %dma_start3A_17] : memref<8x64xf32, #tpu.memory_space<vmem>> -> memref<1x64xf32, #tpu.memory_space<vmem>>
    %dma_start3A_19 = tpu.memref_squeeze %dma_start3A_18 : memref<1x64xf32, #tpu.memory_space<vmem>> -> memref<64xf32, #tpu.memory_space<vmem>>
    %dma_start3A_20 = tpu.memref_slice %arg2[%dma_start3A_15, %mul3A_8] : memref<8x2048xf32, #tpu.memory_space<hbm>> -> memref<1x64xf32, #tpu.memory_space<hbm>>
    %dma_start3A_21 = tpu.memref_squeeze %dma_start3A_20 : memref<1x64xf32, #tpu.memory_space<hbm>> -> memref<64xf32, #tpu.memory_space<hbm>>
    %dma_start3A_22 = arith.constant 0 : i32
    %dma_start3A_23 = tpu.memref_slice %arg8[%dma_start3A_16, %dma_start3A_22] : memref<8x64xf32, #tpu.memory_space<vmem>> -> memref<1x64xf32, #tpu.memory_space<vmem>>
    %dma_start3A_24 = tpu.memref_squeeze %dma_start3A_23 : memref<1x64xf32, #tpu.memory_space<vmem>> -> memref<64xf32, #tpu.memory_space<vmem>>
    %dma_start3A_25 = tpu.memref_slice %arg2[%dma_start3A_15, %mul3A_8] : memref<8x2048xf32, #tpu.memory_space<hbm>> -> memref<1x64xf32, #tpu.memory_space<hbm>>
    %dma_start3A_26 = tpu.memref_squeeze %dma_start3A_25 : memref<1x64xf32, #tpu.memory_space<hbm>> -> memref<64xf32, #tpu.memory_space<hbm>>
    tpu.enqueue_dma source(%dma_start3A_26 : memref<64xf32, #tpu.memory_space<hbm>>) target(%dma_start3A_24 : memref<64xf32, #tpu.memory_space<vmem>>) target_semaphore(%arg22 : memref<!tpu.dma_semaphore, #tpu.memory_space<semaphore_mem>>)
    %dma_start3A_27 = arith.constant 1 : i32
    %dma_start3A_28 = arith.constant 1 : i32
    %dma_start3A_29 = arith.constant 0 : i32
    %dma_start3A_30 = tpu.memref_slice %arg8[%dma_start3A_28, %dma_start3A_29] : memref<8x64xf32, #tpu.memory_space<vmem>> -> memref<1x64xf32, #tpu.memory_space<vmem>>
    %dma_start3A_31 = tpu.memref_squeeze %dma_start3A_30 : memref<1x64xf32, #tpu.memory_space<vmem>> -> memref<64xf32, #tpu.memory_space<vmem>>
    %dma_start3A_32 = tpu.memref_slice %arg2[%dma_start3A_27, %mul3A_8] : memref<8x2048xf32, #tpu.memory_space<hbm>> -> memref<1x64xf32, #tpu.memory_space<hbm>>
    %dma_start3A_33 = tpu.memref_squeeze %dma_start3A_32 : memref<1x64xf32, #tpu.memory_space<hbm>> -> memref<64xf32, #tpu.memory_space<hbm>>
    %dma_start3A_34 = arith.constant 0 : i32
    %dma_start3A_35 = tpu.memref_slice %arg8[%dma_start3A_28, %dma_start3A_34] : memref<8x64xf32, #tpu.memory_space<vmem>> -> memref<1x64xf32, #tpu.memory_space<vmem>>
    %dma_start3A_36 = tpu.memref_squeeze %dma_start3A_35 : memref<1x64xf32, #tpu.memory_space<vmem>> -> memref<64xf32, #tpu.memory_space<vmem>>
    %dma_start3A_37 = tpu.memref_slice %arg2[%dma_start3A_27, %mul3A_8] : memref<8x2048xf32, #tpu.memory_space<hbm>> -> memref<1x64xf32, #tpu.memory_space<hbm>>
    %dma_start3A_38 = tpu.memref_squeeze %dma_start3A_37 : memref<1x64xf32, #tpu.memory_space<hbm>> -> memref<64xf32, #tpu.memory_space<hbm>>
    tpu.enqueue_dma source(%dma_start3A_38 : memref<64xf32, #tpu.memory_space<hbm>>) target(%dma_start3A_36 : memref<64xf32, #tpu.memory_space<vmem>>) target_semaphore(%arg22 : memref<!tpu.dma_semaphore, #tpu.memory_space<semaphore_mem>>)
    %dma_start3A_39 = arith.constant 2 : i32
    %dma_start3A_40 = arith.constant 2 : i32
    %dma_start3A_41 = arith.constant 0 : i32
    %dma_start3A_42 = tpu.memref_slice %arg8[%dma_start3A_40, %dma_start3A_41] : memref<8x64xf32, #tpu.memory_space<vmem>> -> memref<1x64xf32, #tpu.memory_space<vmem>>
    %dma_start3A_43 = tpu.memref_squeeze %dma_start3A_42 : memref<1x64xf32, #tpu.memory_space<vmem>> -> memref<64xf32, #tpu.memory_space<vmem>>
    %dma_start3A_44 = tpu.memref_slice %arg2[%dma_start3A_39, %mul3A_8] : memref<8x2048xf32, #tpu.memory_space<hbm>> -> memref<1x64xf32, #tpu.memory_space<hbm>>
    %dma_start3A_45 = tpu.memref_squeeze %dma_start3A_44 : memref<1x64xf32, #tpu.memory_space<hbm>> -> memref<64xf32, #tpu.memory_space<hbm>>
    %dma_start3A_46 = arith.constant 0 : i32
    %dma_start3A_47 = tpu.memref_slice %arg8[%dma_start3A_40, %dma_start3A_46] : memref<8x64xf32, #tpu.memory_space<vmem>> -> memref<1x64xf32, #tpu.memory_space<vmem>>
    %dma_start3A_48 = tpu.memref_squeeze %dma_start3A_47 : memref<1x64xf32, #tpu.memory_space<vmem>> -> memref<64xf32, #tpu.memory_space<vmem>>
    %dma_start3A_49 = tpu.memref_slice %arg2[%dma_start3A_39, %mul3A_8] : memref<8x2048xf32, #tpu.memory_space<hbm>> -> memref<1x64xf32, #tpu.memory_space<hbm>>
    %dma_start3A_50 = tpu.memref_squeeze %dma_start3A_49 : memref<1x64xf32, #tpu.memory_space<hbm>> -> memref<64xf32, #tpu.memory_space<hbm>>
    tpu.enqueue_dma source(%dma_start3A_50 : memref<64xf32, #tpu.memory_space<hbm>>) target(%dma_start3A_48 : memref<64xf32, #tpu.memory_space<vmem>>) target_semaphore(%arg22 : memref<!tpu.dma_semaphore, #tpu.memory_space<semaphore_mem>>)
    %dma_start3A_51 = arith.constant 3 : i32
    %dma_start3A_52 = arith.constant 3 : i32
    %dma_start3A_53 = arith.constant 0 : i32
    %dma_start3A_54 = tpu.memref_slice %arg8[%dma_start3A_52, %dma_start3A_53] : memref<8x64xf32, #tpu.memory_space<vmem>> -> memref<1x64xf32, #tpu.memory_space<vmem>>
    %dma_start3A_55 = tpu.memref_squeeze %dma_start3A_54 : memref<1x64xf32, #tpu.memory_space<vmem>> -> memref<64xf32, #tpu.memory_space<vmem>>
    %dma_start3A_56 = tpu.memref_slice %arg2[%dma_start3A_51, %mul3A_8] : memref<8x2048xf32, #tpu.memory_space<hbm>> -> memref<1x64xf32, #tpu.memory_space<hbm>>
    %dma_start3A_57 = tpu.memref_squeeze %dma_start3A_56 : memref<1x64xf32, #tpu.memory_space<hbm>> -> memref<64xf32, #tpu.memory_space<hbm>>
    %dma_start3A_58 = arith.constant 0 : i32
    %dma_start3A_59 = tpu.memref_slice %arg8[%dma_start3A_52, %dma_start3A_58] : memref<8x64xf32, #tpu.memory_space<vmem>> -> memref<1x64xf32, #tpu.memory_space<vmem>>
    %dma_start3A_60 = tpu.memref_squeeze %dma_start3A_59 : memref<1x64xf32, #tpu.memory_space<vmem>> -> memref<64xf32, #tpu.memory_space<vmem>>
    %dma_start3A_61 = tpu.memref_slice %arg2[%dma_start3A_51, %mul3A_8] : memref<8x2048xf32, #tpu.memory_space<hbm>> -> memref<1x64xf32, #tpu.memory_space<hbm>>
    %dma_start3A_62 = tpu.memref_squeeze %dma_start3A_61 : memref<1x64xf32, #tpu.memory_space<hbm>> -> memref<64xf32, #tpu.memory_space<hbm>>
    tpu.enqueue_dma source(%dma_start3A_62 : memref<64xf32, #tpu.memory_space<hbm>>) target(%dma_start3A_60 : memref<64xf32, #tpu.memory_space<vmem>>) target_semaphore(%arg22 : memref<!tpu.dma_semaphore, #tpu.memory_space<semaphore_mem>>)
    %dma_start3A_63 = arith.constant 4 : i32
    %dma_start3A_64 = arith.constant 4 : i32
    %dma_start3A_65 = arith.constant 0 : i32
    %dma_start3A_66 = tpu.memref_slice %arg8[%dma_start3A_64, %dma_start3A_65] : memref<8x64xf32, #tpu.memory_space<vmem>> -> memref<1x64xf32, #tpu.memory_space<vmem>>
    %dma_start3A_67 = tpu.memref_squeeze %dma_start3A_66 : memref<1x64xf32, #tpu.memory_space<vmem>> -> memref<64xf32, #tpu.memory_space<vmem>>
    %dma_start3A_68 = tpu.memref_slice %arg2[%dma_start3A_63, %mul3A_8] : memref<8x2048xf32, #tpu.memory_space<hbm>> -> memref<1x64xf32, #tpu.memory_space<hbm>>
    %dma_start3A_69 = tpu.memref_squeeze %dma_start3A_68 : memref<1x64xf32, #tpu.memory_space<hbm>> -> memref<64xf32, #tpu.memory_space<hbm>>
    %dma_start3A_70 = arith.constant 0 : i32
    %dma_start3A_71 = tpu.memref_slice %arg8[%dma_start3A_64, %dma_start3A_70] : memref<8x64xf32, #tpu.memory_space<vmem>> -> memref<1x64xf32, #tpu.memory_space<vmem>>
    %dma_start3A_72 = tpu.memref_squeeze %dma_start3A_71 : memref<1x64xf32, #tpu.memory_space<vmem>> -> memref<64xf32, #tpu.memory_space<vmem>>
    %dma_start3A_73 = tpu.memref_slice %arg2[%dma_start3A_63, %mul3A_8] : memref<8x2048xf32, #tpu.memory_space<hbm>> -> memref<1x64xf32, #tpu.memory_space<hbm>>
    %dma_start3A_74 = tpu.memref_squeeze %dma_start3A_73 : memref<1x64xf32, #tpu.memory_space<hbm>> -> memref<64xf32, #tpu.memory_space<hbm>>
    tpu.enqueue_dma source(%dma_start3A_74 : memref<64xf32, #tpu.memory_space<hbm>>) target(%dma_start3A_72 : memref<64xf32, #tpu.memory_space<vmem>>) target_semaphore(%arg22 : memref<!tpu.dma_semaphore, #tpu.memory_space<semaphore_mem>>)
    %dma_start3A_75 = arith.constant 5 : i32
    %dma_start3A_76 = arith.constant 5 : i32
    %dma_start3A_77 = arith.constant 0 : i32
    %dma_start3A_78 = tpu.memref_slice %arg8[%dma_start3A_76, %dma_start3A_77] : memref<8x64xf32, #tpu.memory_space<vmem>> -> memref<1x64xf32, #tpu.memory_space<vmem>>
    %dma_start3A_79 = tpu.memref_squeeze %dma_start3A_78 : memref<1x64xf32, #tpu.memory_space<vmem>> -> memref<64xf32, #tpu.memory_space<vmem>>
    %dma_start3A_80 = tpu.memref_slice %arg2[%dma_start3A_75, %mul3A_8] : memref<8x2048xf32, #tpu.memory_space<hbm>> -> memref<1x64xf32, #tpu.memory_space<hbm>>
    %dma_start3A_81 = tpu.memref_squeeze %dma_start3A_80 : memref<1x64xf32, #tpu.memory_space<hbm>> -> memref<64xf32, #tpu.memory_space<hbm>>
    %dma_start3A_82 = arith.constant 0 : i32
    %dma_start3A_83 = tpu.memref_slice %arg8[%dma_start3A_76, %dma_start3A_82] : memref<8x64xf32, #tpu.memory_space<vmem>> -> memref<1x64xf32, #tpu.memory_space<vmem>>
    %dma_start3A_84 = tpu.memref_squeeze %dma_start3A_83 : memref<1x64xf32, #tpu.memory_space<vmem>> -> memref<64xf32, #tpu.memory_space<vmem>>
    %dma_start3A_85 = tpu.memref_slice %arg2[%dma_start3A_75, %mul3A_8] : memref<8x2048xf32, #tpu.memory_space<hbm>> -> memref<1x64xf32, #tpu.memory_space<hbm>>
    %dma_start3A_86 = tpu.memref_squeeze %dma_start3A_85 : memref<1x64xf32, #tpu.memory_space<hbm>> -> memref<64xf32, #tpu.memory_space<hbm>>
    tpu.enqueue_dma source(%dma_start3A_86 : memref<64xf32, #tpu.memory_space<hbm>>) target(%dma_start3A_84 : memref<64xf32, #tpu.memory_space<vmem>>) target_semaphore(%arg22 : memref<!tpu.dma_semaphore, #tpu.memory_space<semaphore_mem>>)
    %dma_start3A_87 = arith.constant 6 : i32
    %dma_start3A_88 = arith.constant 6 : i32
    %dma_start3A_89 = arith.constant 0 : i32
    %dma_start3A_90 = tpu.memref_slice %arg8[%dma_start3A_88, %dma_start3A_89] : memref<8x64xf32, #tpu.memory_space<vmem>> -> memref<1x64xf32, #tpu.memory_space<vmem>>
    %dma_start3A_91 = tpu.memref_squeeze %dma_start3A_90 : memref<1x64xf32, #tpu.memory_space<vmem>> -> memref<64xf32, #tpu.memory_space<vmem>>
    %dma_start3A_92 = tpu.memref_slice %arg2[%dma_start3A_87, %mul3A_8] : memref<8x2048xf32, #tpu.memory_space<hbm>> -> memref<1x64xf32, #tpu.memory_space<hbm>>
    %dma_start3A_93 = tpu.memref_squeeze %dma_start3A_92 : memref<1x64xf32, #tpu.memory_space<hbm>> -> memref<64xf32, #tpu.memory_space<hbm>>
    %dma_start3A_94 = arith.constant 0 : i32
    %dma_start3A_95 = tpu.memref_slice %arg8[%dma_start3A_88, %dma_start3A_94] : memref<8x64xf32, #tpu.memory_space<vmem>> -> memref<1x64xf32, #tpu.memory_space<vmem>>
    %dma_start3A_96 = tpu.memref_squeeze %dma_start3A_95 : memref<1x64xf32, #tpu.memory_space<vmem>> -> memref<64xf32, #tpu.memory_space<vmem>>
    %dma_start3A_97 = tpu.memref_slice %arg2[%dma_start3A_87, %mul3A_8] : memref<8x2048xf32, #tpu.memory_space<hbm>> -> memref<1x64xf32, #tpu.memory_space<hbm>>
    %dma_start3A_98 = tpu.memref_squeeze %dma_start3A_97 : memref<1x64xf32, #tpu.memory_space<hbm>> -> memref<64xf32, #tpu.memory_space<hbm>>
    tpu.enqueue_dma source(%dma_start3A_98 : memref<64xf32, #tpu.memory_space<hbm>>) target(%dma_start3A_96 : memref<64xf32, #tpu.memory_space<vmem>>) target_semaphore(%arg22 : memref<!tpu.dma_semaphore, #tpu.memory_space<semaphore_mem>>)
    %dma_start3A_99 = arith.constant 7 : i32
    %dma_start3A_100 = arith.constant 7 : i32
    %dma_start3A_101 = arith.constant 0 : i32
    %dma_start3A_102 = tpu.memref_slice %arg8[%dma_start3A_100, %dma_start3A_101] : memref<8x64xf32, #tpu.memory_space<vmem>> -> memref<1x64xf32, #tpu.memory_space<vmem>>
    %dma_start3A_103 = tpu.memref_squeeze %dma_start3A_102 : memref<1x64xf32, #tpu.memory_space<vmem>> -> memref<64xf32, #tpu.memory_space<vmem>>
    %dma_start3A_104 = tpu.memref_slice %arg2[%dma_start3A_99, %mul3A_8] : memref<8x2048xf32, #tpu.memory_space<hbm>> -> memref<1x64xf32, #tpu.memory_space<hbm>>
    %dma_start3A_105 = tpu.memref_squeeze %dma_start3A_104 : memref<1x64xf32, #tpu.memory_space<hbm>> -> memref<64xf32, #tpu.memory_space<hbm>>
    %dma_start3A_106 = arith.constant 0 : i32
    %dma_start3A_107 = tpu.memref_slice %arg8[%dma_start3A_100, %dma_start3A_106] : memref<8x64xf32, #tpu.memory_space<vmem>> -> memref<1x64xf32, #tpu.memory_space<vmem>>
    %dma_start3A_108 = tpu.memref_squeeze %dma_start3A_107 : memref<1x64xf32, #tpu.memory_space<vmem>> -> memref<64xf32, #tpu.memory_space<vmem>>
    %dma_start3A_109 = tpu.memref_slice %arg2[%dma_start3A_99, %mul3A_8] : memref<8x2048xf32, #tpu.memory_space<hbm>> -> memref<1x64xf32, #tpu.memory_space<hbm>>
    %dma_start3A_110 = tpu.memref_squeeze %dma_start3A_109 : memref<1x64xf32, #tpu.memory_space<hbm>> -> memref<64xf32, #tpu.memory_space<hbm>>
    tpu.enqueue_dma source(%dma_start3A_110 : memref<64xf32, #tpu.memory_space<hbm>>) target(%dma_start3A_108 : memref<64xf32, #tpu.memory_space<vmem>>) target_semaphore(%arg22 : memref<!tpu.dma_semaphore, #tpu.memory_space<semaphore_mem>>)
    %run_scoped3A = arith.constant 0 : i32
    %run_scoped3A_111 = arith.constant 0 : i32
    "tpu.region"() ({
      %run_scoped3A_1417 = tpu.sem_alloc : memref<!tpu.dma_semaphore, #tpu.memory_space<semaphore_mem>>
      %dma_start3A_1418 = arith.constant 0 : i32
      %dma_start3A_1419 = tpu.memref_slice %arg7[%run_scoped3A_111, %dma_start3A_1418] : memref<8x64xf32, #tpu.memory_space<vmem>> -> memref<1x64xf32, #tpu.memory_space<vmem>>
      %dma_start3A_1420 = tpu.memref_squeeze %dma_start3A_1419 : memref<1x64xf32, #tpu.memory_space<vmem>> -> memref<64xf32, #tpu.memory_space<vmem>>
      %dma_start3A_1421 = tpu.memref_slice %arg2[%run_scoped3A, %mul3A_6] : memref<8x2048xf32, #tpu.memory_space<hbm>> -> memref<1x64xf32, #tpu.memory_space<hbm>>
      %dma_start3A_1422 = tpu.memref_squeeze %dma_start3A_1421 : memref<1x64xf32, #tpu.memory_space<hbm>> -> memref<64xf32, #tpu.memory_space<hbm>>
      %dma_start3A_1423 = arith.constant 0 : i32
      %dma_start3A_1424 = tpu.memref_slice %arg7[%run_scoped3A_111, %dma_start3A_1423] : memref<8x64xf32, #tpu.memory_space<vmem>> -> memref<1x64xf32, #tpu.memory_space<vmem>>
      %dma_start3A_1425 = tpu.memref_squeeze %dma_start3A_1424 : memref<1x64xf32, #tpu.memory_space<vmem>> -> memref<64xf32, #tpu.memory_space<vmem>>
      %dma_start3A_1426 = tpu.memref_slice %arg2[%run_scoped3A, %mul3A_6] : memref<8x2048xf32, #tpu.memory_space<hbm>> -> memref<1x64xf32, #tpu.memory_space<hbm>>
      %dma_start3A_1427 = tpu.memref_squeeze %dma_start3A_1426 : memref<1x64xf32, #tpu.memory_space<hbm>> -> memref<64xf32, #tpu.memory_space<hbm>>
      tpu.enqueue_dma source(%dma_start3A_1427 : memref<64xf32, #tpu.memory_space<hbm>>) target(%dma_start3A_1425 : memref<64xf32, #tpu.memory_space<vmem>>) target_semaphore(%run_scoped3A_1417 : memref<!tpu.dma_semaphore, #tpu.memory_space<semaphore_mem>>)
      %dma_wait3A_1428 = arith.constant 0 : i32
      %dma_wait3A_1429 = tpu.memref_slice %arg7[%run_scoped3A_111, %dma_wait3A_1428] : memref<8x64xf32, #tpu.memory_space<vmem>> -> memref<1x64xf32, #tpu.memory_space<vmem>>
      %dma_wait3A_1430 = tpu.memref_squeeze %dma_wait3A_1429 : memref<1x64xf32, #tpu.memory_space<vmem>> -> memref<64xf32, #tpu.memory_space<vmem>>
      %dma_wait3A_1431 = tpu.memref_slice %arg2[%run_scoped3A, %mul3A_6] : memref<8x2048xf32, #tpu.memory_space<hbm>> -> memref<1x64xf32, #tpu.memory_space<hbm>>
      %dma_wait3A_1432 = tpu.memref_squeeze %dma_wait3A_1431 : memref<1x64xf32, #tpu.memory_space<hbm>> -> memref<64xf32, #tpu.memory_space<hbm>>
      %dma_wait3A_1433 = arith.constant 0 : i32
      %dma_wait3A_1434 = tpu.memref_slice %arg7[%run_scoped3A_111, %dma_wait3A_1433] : memref<8x64xf32, #tpu.memory_space<vmem>> -> memref<1x64xf32, #tpu.memory_space<vmem>>
      %dma_wait3A_1435 = tpu.memref_squeeze %dma_wait3A_1434 : memref<1x64xf32, #tpu.memory_space<vmem>> -> memref<64xf32, #tpu.memory_space<vmem>>
      %dma_wait3A_1436 = tpu.memref_slice %arg2[%run_scoped3A, %mul3A_6] : memref<8x2048xf32, #tpu.memory_space<hbm>> -> memref<1x64xf32, #tpu.memory_space<hbm>>
      %dma_wait3A_1437 = tpu.memref_squeeze %dma_wait3A_1436 : memref<1x64xf32, #tpu.memory_space<hbm>> -> memref<64xf32, #tpu.memory_space<hbm>>
      tpu.wait_dma2 semaphore(%run_scoped3A_1417 : memref<!tpu.dma_semaphore, #tpu.memory_space<semaphore_mem>>) src(%dma_wait3A_1437 : memref<64xf32, #tpu.memory_space<hbm>>) dst(%dma_wait3A_1435 : memref<64xf32, #tpu.memory_space<vmem>>)
      tpu.yield
    }) : () -> ()
    %run_scoped3A_112 = arith.constant 1 : i32
    %run_scoped3A_113 = arith.constant 1 : i32
    "tpu.region"() ({
      %run_scoped3A_1417 = tpu.sem_alloc : memref<!tpu.dma_semaphore, #tpu.memory_space<semaphore_mem>>
      %dma_start3A_1418 = arith.constant 0 : i32
      %dma_start3A_1419 = tpu.memref_slice %arg7[%run_scoped3A_113, %dma_start3A_1418] : memref<8x64xf32, #tpu.memory_space<vmem>> -> memref<1x64xf32, #tpu.memory_space<vmem>>
      %dma_start3A_1420 = tpu.memref_squeeze %dma_start3A_1419 : memref<1x64xf32, #tpu.memory_space<vmem>> -> memref<64xf32, #tpu.memory_space<vmem>>
      %dma_start3A_1421 = tpu.memref_slice %arg2[%run_scoped3A_112, %mul3A_6] : memref<8x2048xf32, #tpu.memory_space<hbm>> -> memref<1x64xf32, #tpu.memory_space<hbm>>
      %dma_start3A_1422 = tpu.memref_squeeze %dma_start3A_1421 : memref<1x64xf32, #tpu.memory_space<hbm>> -> memref<64xf32, #tpu.memory_space<hbm>>
      %dma_start3A_1423 = arith.constant 0 : i32
      %dma_start3A_1424 = tpu.memref_slice %arg7[%run_scoped3A_113, %dma_start3A_1423] : memref<8x64xf32, #tpu.memory_space<vmem>> -> memref<1x64xf32, #tpu.memory_space<vmem>>
      %dma_start3A_1425 = tpu.memref_squeeze %dma_start3A_1424 : memref<1x64xf32, #tpu.memory_space<vmem>> -> memref<64xf32, #tpu.memory_space<vmem>>
      %dma_start3A_1426 = tpu.memref_slice %arg2[%run_scoped3A_112, %mul3A_6] : memref<8x2048xf32, #tpu.memory_space<hbm>> -> memref<1x64xf32, #tpu.memory_space<hbm>>
      %dma_start3A_1427 = tpu.memref_squeeze %dma_start3A_1426 : memref<1x64xf32, #tpu.memory_space<hbm>> -> memref<64xf32, #tpu.memory_space<hbm>>
      tpu.enqueue_dma source(%dma_start3A_1427 : memref<64xf32, #tpu.memory_space<hbm>>) target(%dma_start3A_1425 : memref<64xf32, #tpu.memory_space<vmem>>) target_semaphore(%run_scoped3A_1417 : memref<!tpu.dma_semaphore, #tpu.memory_space<semaphore_mem>>)
      %dma_wait3A_1428 = arith.constant 0 : i32
      %dma_wait3A_1429 = tpu.memref_slice %arg7[%run_scoped3A_113, %dma_wait3A_1428] : memref<8x64xf32, #tpu.memory_space<vmem>> -> memref<1x64xf32, #tpu.memory_space<vmem>>
      %dma_wait3A_1430 = tpu.memref_squeeze %dma_wait3A_1429 : memref<1x64xf32, #tpu.memory_space<vmem>> -> memref<64xf32, #tpu.memory_space<vmem>>
      %dma_wait3A_1431 = tpu.memref_slice %arg2[%run_scoped3A_112, %mul3A_6] : memref<8x2048xf32, #tpu.memory_space<hbm>> -> memref<1x64xf32, #tpu.memory_space<hbm>>
      %dma_wait3A_1432 = tpu.memref_squeeze %dma_wait3A_1431 : memref<1x64xf32, #tpu.memory_space<hbm>> -> memref<64xf32, #tpu.memory_space<hbm>>
      %dma_wait3A_1433 = arith.constant 0 : i32
      %dma_wait3A_1434 = tpu.memref_slice %arg7[%run_scoped3A_113, %dma_wait3A_1433] : memref<8x64xf32, #tpu.memory_space<vmem>> -> memref<1x64xf32, #tpu.memory_space<vmem>>
      %dma_wait3A_1435 = tpu.memref_squeeze %dma_wait3A_1434 : memref<1x64xf32, #tpu.memory_space<vmem>> -> memref<64xf32, #tpu.memory_space<vmem>>
      %dma_wait3A_1436 = tpu.memref_slice %arg2[%run_scoped3A_112, %mul3A_6] : memref<8x2048xf32, #tpu.memory_space<hbm>> -> memref<1x64xf32, #tpu.memory_space<hbm>>
      %dma_wait3A_1437 = tpu.memref_squeeze %dma_wait3A_1436 : memref<1x64xf32, #tpu.memory_space<hbm>> -> memref<64xf32, #tpu.memory_space<hbm>>
      tpu.wait_dma2 semaphore(%run_scoped3A_1417 : memref<!tpu.dma_semaphore, #tpu.memory_space<semaphore_mem>>) src(%dma_wait3A_1437 : memref<64xf32, #tpu.memory_space<hbm>>) dst(%dma_wait3A_1435 : memref<64xf32, #tpu.memory_space<vmem>>)
      tpu.yield
    }) : () -> ()
    %run_scoped3A_114 = arith.constant 2 : i32
    %run_scoped3A_115 = arith.constant 2 : i32
    "tpu.region"() ({
      %run_scoped3A_1417 = tpu.sem_alloc : memref<!tpu.dma_semaphore, #tpu.memory_space<semaphore_mem>>
      %dma_start3A_1418 = arith.constant 0 : i32
      %dma_start3A_1419 = tpu.memref_slice %arg7[%run_scoped3A_115, %dma_start3A_1418] : memref<8x64xf32, #tpu.memory_space<vmem>> -> memref<1x64xf32, #tpu.memory_space<vmem>>
      %dma_start3A_1420 = tpu.memref_squeeze %dma_start3A_1419 : memref<1x64xf32, #tpu.memory_space<vmem>> -> memref<64xf32, #tpu.memory_space<vmem>>
      %dma_start3A_1421 = tpu.memref_slice %arg2[%run_scoped3A_114, %mul3A_6] : memref<8x2048xf32, #tpu.memory_space<hbm>> -> memref<1x64xf32, #tpu.memory_space<hbm>>
      %dma_start3A_1422 = tpu.memref_squeeze %dma_start3A_1421 : memref<1x64xf32, #tpu.memory_space<hbm>> -> memref<64xf32, #tpu.memory_space<hbm>>
      %dma_start3A_1423 = arith.constant 0 : i32
      %dma_start3A_1424 = tpu.memref_slice %arg7[%run_scoped3A_115, %dma_start3A_1423] : memref<8x64xf32, #tpu.memory_space<vmem>> -> memref<1x64xf32, #tpu.memory_space<vmem>>
      %dma_start3A_1425 = tpu.memref_squeeze %dma_start3A_1424 : memref<1x64xf32, #tpu.memory_space<vmem>> -> memref<64xf32, #tpu.memory_space<vmem>>
      %dma_start3A_1426 = tpu.memref_slice %arg2[%run_scoped3A_114, %mul3A_6] : memref<8x2048xf32, #tpu.memory_space<hbm>> -> memref<1x64xf32, #tpu.memory_space<hbm>>
      %dma_start3A_1427 = tpu.memref_squeeze %dma_start3A_1426 : memref<1x64xf32, #tpu.memory_space<hbm>> -> memref<64xf32, #tpu.memory_space<hbm>>
      tpu.enqueue_dma source(%dma_start3A_1427 : memref<64xf32, #tpu.memory_space<hbm>>) target(%dma_start3A_1425 : memref<64xf32, #tpu.memory_space<vmem>>) target_semaphore(%run_scoped3A_1417 : memref<!tpu.dma_semaphore, #tpu.memory_space<semaphore_mem>>)
      %dma_wait3A_1428 = arith.constant 0 : i32
      %dma_wait3A_1429 = tpu.memref_slice %arg7[%run_scoped3A_115, %dma_wait3A_1428] : memref<8x64xf32, #tpu.memory_space<vmem>> -> memref<1x64xf32, #tpu.memory_space<vmem>>
      %dma_wait3A_1430 = tpu.memref_squeeze %dma_wait3A_1429 : memref<1x64xf32, #tpu.memory_space<vmem>> -> memref<64xf32, #tpu.memory_space<vmem>>
      %dma_wait3A_1431 = tpu.memref_slice %arg2[%run_scoped3A_114, %mul3A_6] : memref<8x2048xf32, #tpu.memory_space<hbm>> -> memref<1x64xf32, #tpu.memory_space<hbm>>
      %dma_wait3A_1432 = tpu.memref_squeeze %dma_wait3A_1431 : memref<1x64xf32, #tpu.memory_space<hbm>> -> memref<64xf32, #tpu.memory_space<hbm>>
      %dma_wait3A_1433 = arith.constant 0 : i32
      %dma_wait3A_1434 = tpu.memref_slice %arg7[%run_scoped3A_115, %dma_wait3A_1433] : memref<8x64xf32, #tpu.memory_space<vmem>> -> memref<1x64xf32, #tpu.memory_space<vmem>>
      %dma_wait3A_1435 = tpu.memref_squeeze %dma_wait3A_1434 : memref<1x64xf32, #tpu.memory_space<vmem>> -> memref<64xf32, #tpu.memory_space<vmem>>
      %dma_wait3A_1436 = tpu.memref_slice %arg2[%run_scoped3A_114, %mul3A_6] : memref<8x2048xf32, #tpu.memory_space<hbm>> -> memref<1x64xf32, #tpu.memory_space<hbm>>
      %dma_wait3A_1437 = tpu.memref_squeeze %dma_wait3A_1436 : memref<1x64xf32, #tpu.memory_space<hbm>> -> memref<64xf32, #tpu.memory_space<hbm>>
      tpu.wait_dma2 semaphore(%run_scoped3A_1417 : memref<!tpu.dma_semaphore, #tpu.memory_space<semaphore_mem>>) src(%dma_wait3A_1437 : memref<64xf32, #tpu.memory_space<hbm>>) dst(%dma_wait3A_1435 : memref<64xf32, #tpu.memory_space<vmem>>)
      tpu.yield
    }) : () -> ()
    %run_scoped3A_116 = arith.constant 3 : i32
    %run_scoped3A_117 = arith.constant 3 : i32
    "tpu.region"() ({
      %run_scoped3A_1417 = tpu.sem_alloc : memref<!tpu.dma_semaphore, #tpu.memory_space<semaphore_mem>>
      %dma_start3A_1418 = arith.constant 0 : i32
      %dma_start3A_1419 = tpu.memref_slice %arg7[%run_scoped3A_117, %dma_start3A_1418] : memref<8x64xf32, #tpu.memory_space<vmem>> -> memref<1x64xf32, #tpu.memory_space<vmem>>
      %dma_start3A_1420 = tpu.memref_squeeze %dma_start3A_1419 : memref<1x64xf32, #tpu.memory_space<vmem>> -> memref<64xf32, #tpu.memory_space<vmem>>
      %dma_start3A_1421 = tpu.memref_slice %arg2[%run_scoped3A_116, %mul3A_6] : memref<8x2048xf32, #tpu.memory_space<hbm>> -> memref<1x64xf32, #tpu.memory_space<hbm>>
      %dma_start3A_1422 = tpu.memref_squeeze %dma_start3A_1421 : memref<1x64xf32, #tpu.memory_space<hbm>> -> memref<64xf32, #tpu.memory_space<hbm>>
      %dma_start3A_1423 = arith.constant 0 : i32
      %dma_start3A_1424 = tpu.memref_slice %arg7[%run_scoped3A_117, %dma_start3A_1423] : memref<8x64xf32, #tpu.memory_space<vmem>> -> memref<1x64xf32, #tpu.memory_space<vmem>>
      %dma_start3A_1425 = tpu.memref_squeeze %dma_start3A_1424 : memref<1x64xf32, #tpu.memory_space<vmem>> -> memref<64xf32, #tpu.memory_space<vmem>>
      %dma_start3A_1426 = tpu.memref_slice %arg2[%run_scoped3A_116, %mul3A_6] : memref<8x2048xf32, #tpu.memory_space<hbm>> -> memref<1x64xf32, #tpu.memory_space<hbm>>
      %dma_start3A_1427 = tpu.memref_squeeze %dma_start3A_1426 : memref<1x64xf32, #tpu.memory_space<hbm>> -> memref<64xf32, #tpu.memory_space<hbm>>
      tpu.enqueue_dma source(%dma_start3A_1427 : memref<64xf32, #tpu.memory_space<hbm>>) target(%dma_start3A_1425 : memref<64xf32, #tpu.memory_space<vmem>>) target_semaphore(%run_scoped3A_1417 : memref<!tpu.dma_semaphore, #tpu.memory_space<semaphore_mem>>)
      %dma_wait3A_1428 = arith.constant 0 : i32
      %dma_wait3A_1429 = tpu.memref_slice %arg7[%run_scoped3A_117, %dma_wait3A_1428] : memref<8x64xf32, #tpu.memory_space<vmem>> -> memref<1x64xf32, #tpu.memory_space<vmem>>
      %dma_wait3A_1430 = tpu.memref_squeeze %dma_wait3A_1429 : memref<1x64xf32, #tpu.memory_space<vmem>> -> memref<64xf32, #tpu.memory_space<vmem>>
      %dma_wait3A_1431 = tpu.memref_slice %arg2[%run_scoped3A_116, %mul3A_6] : memref<8x2048xf32, #tpu.memory_space<hbm>> -> memref<1x64xf32, #tpu.memory_space<hbm>>
      %dma_wait3A_1432 = tpu.memref_squeeze %dma_wait3A_1431 : memref<1x64xf32, #tpu.memory_space<hbm>> -> memref<64xf32, #tpu.memory_space<hbm>>
      %dma_wait3A_1433 = arith.constant 0 : i32
      %dma_wait3A_1434 = tpu.memref_slice %arg7[%run_scoped3A_117, %dma_wait3A_1433] : memref<8x64xf32, #tpu.memory_space<vmem>> -> memref<1x64xf32, #tpu.memory_space<vmem>>
      %dma_wait3A_1435 = tpu.memref_squeeze %dma_wait3A_1434 : memref<1x64xf32, #tpu.memory_space<vmem>> -> memref<64xf32, #tpu.memory_space<vmem>>
      %dma_wait3A_1436 = tpu.memref_slice %arg2[%run_scoped3A_116, %mul3A_6] : memref<8x2048xf32, #tpu.memory_space<hbm>> -> memref<1x64xf32, #tpu.memory_space<hbm>>
      %dma_wait3A_1437 = tpu.memref_squeeze %dma_wait3A_1436 : memref<1x64xf32, #tpu.memory_space<hbm>> -> memref<64xf32, #tpu.memory_space<hbm>>
      tpu.wait_dma2 semaphore(%run_scoped3A_1417 : memref<!tpu.dma_semaphore, #tpu.memory_space<semaphore_mem>>) src(%dma_wait3A_1437 : memref<64xf32, #tpu.memory_space<hbm>>) dst(%dma_wait3A_1435 : memref<64xf32, #tpu.memory_space<vmem>>)
      tpu.yield
    }) : () -> ()
    %run_scoped3A_118 = arith.constant 4 : i32
    %run_scoped3A_119 = arith.constant 4 : i32
    "tpu.region"() ({
      %run_scoped3A_1417 = tpu.sem_alloc : memref<!tpu.dma_semaphore, #tpu.memory_space<semaphore_mem>>
      %dma_start3A_1418 = arith.constant 0 : i32
      %dma_start3A_1419 = tpu.memref_slice %arg7[%run_scoped3A_119, %dma_start3A_1418] : memref<8x64xf32, #tpu.memory_space<vmem>> -> memref<1x64xf32, #tpu.memory_space<vmem>>
      %dma_start3A_1420 = tpu.memref_squeeze %dma_start3A_1419 : memref<1x64xf32, #tpu.memory_space<vmem>> -> memref<64xf32, #tpu.memory_space<vmem>>
      %dma_start3A_1421 = tpu.memref_slice %arg2[%run_scoped3A_118, %mul3A_6] : memref<8x2048xf32, #tpu.memory_space<hbm>> -> memref<1x64xf32, #tpu.memory_space<hbm>>
      %dma_start3A_1422 = tpu.memref_squeeze %dma_start3A_1421 : memref<1x64xf32, #tpu.memory_space<hbm>> -> memref<64xf32, #tpu.memory_space<hbm>>
      %dma_start3A_1423 = arith.constant 0 : i32
      %dma_start3A_1424 = tpu.memref_slice %arg7[%run_scoped3A_119, %dma_start3A_1423] : memref<8x64xf32, #tpu.memory_space<vmem>> -> memref<1x64xf32, #tpu.memory_space<vmem>>
      %dma_start3A_1425 = tpu.memref_squeeze %dma_start3A_1424 : memref<1x64xf32, #tpu.memory_space<vmem>> -> memref<64xf32, #tpu.memory_space<vmem>>
      %dma_start3A_1426 = tpu.memref_slice %arg2[%run_scoped3A_118, %mul3A_6] : memref<8x2048xf32, #tpu.memory_space<hbm>> -> memref<1x64xf32, #tpu.memory_space<hbm>>
      %dma_start3A_1427 = tpu.memref_squeeze %dma_start3A_1426 : memref<1x64xf32, #tpu.memory_space<hbm>> -> memref<64xf32, #tpu.memory_space<hbm>>
      tpu.enqueue_dma source(%dma_start3A_1427 : memref<64xf32, #tpu.memory_space<hbm>>) target(%dma_start3A_1425 : memref<64xf32, #tpu.memory_space<vmem>>) target_semaphore(%run_scoped3A_1417 : memref<!tpu.dma_semaphore, #tpu.memory_space<semaphore_mem>>)
      %dma_wait3A_1428 = arith.constant 0 : i32
      %dma_wait3A_1429 = tpu.memref_slice %arg7[%run_scoped3A_119, %dma_wait3A_1428] : memref<8x64xf32, #tpu.memory_space<vmem>> -> memref<1x64xf32, #tpu.memory_space<vmem>>
      %dma_wait3A_1430 = tpu.memref_squeeze %dma_wait3A_1429 : memref<1x64xf32, #tpu.memory_space<vmem>> -> memref<64xf32, #tpu.memory_space<vmem>>
      %dma_wait3A_1431 = tpu.memref_slice %arg2[%run_scoped3A_118, %mul3A_6] : memref<8x2048xf32, #tpu.memory_space<hbm>> -> memref<1x64xf32, #tpu.memory_space<hbm>>
      %dma_wait3A_1432 = tpu.memref_squeeze %dma_wait3A_1431 : memref<1x64xf32, #tpu.memory_space<hbm>> -> memref<64xf32, #tpu.memory_space<hbm>>
      %dma_wait3A_1433 = arith.constant 0 : i32
      %dma_wait3A_1434 = tpu.memref_slice %arg7[%run_scoped3A_119, %dma_wait3A_1433] : memref<8x64xf32, #tpu.memory_space<vmem>> -> memref<1x64xf32, #tpu.memory_space<vmem>>
      %dma_wait3A_1435 = tpu.memref_squeeze %dma_wait3A_1434 : memref<1x64xf32, #tpu.memory_space<vmem>> -> memref<64xf32, #tpu.memory_space<vmem>>
      %dma_wait3A_1436 = tpu.memref_slice %arg2[%run_scoped3A_118, %mul3A_6] : memref<8x2048xf32, #tpu.memory_space<hbm>> -> memref<1x64xf32, #tpu.memory_space<hbm>>
      %dma_wait3A_1437 = tpu.memref_squeeze %dma_wait3A_1436 : memref<1x64xf32, #tpu.memory_space<hbm>> -> memref<64xf32, #tpu.memory_space<hbm>>
      tpu.wait_dma2 semaphore(%run_scoped3A_1417 : memref<!tpu.dma_semaphore, #tpu.memory_space<semaphore_mem>>) src(%dma_wait3A_1437 : memref<64xf32, #tpu.memory_space<hbm>>) dst(%dma_wait3A_1435 : memref<64xf32, #tpu.memory_space<vmem>>)
      tpu.yield
    }) : () -> ()
    %run_scoped3A_120 = arith.constant 5 : i32
    %run_scoped3A_121 = arith.constant 5 : i32
    "tpu.region"() ({
      %run_scoped3A_1417 = tpu.sem_alloc : memref<!tpu.dma_semaphore, #tpu.memory_space<semaphore_mem>>
      %dma_start3A_1418 = arith.constant 0 : i32
      %dma_start3A_1419 = tpu.memref_slice %arg7[%run_scoped3A_121, %dma_start3A_1418] : memref<8x64xf32, #tpu.memory_space<vmem>> -> memref<1x64xf32, #tpu.memory_space<vmem>>
      %dma_start3A_1420 = tpu.memref_squeeze %dma_start3A_1419 : memref<1x64xf32, #tpu.memory_space<vmem>> -> memref<64xf32, #tpu.memory_space<vmem>>
      %dma_start3A_1421 = tpu.memref_slice %arg2[%run_scoped3A_120, %mul3A_6] : memref<8x2048xf32, #tpu.memory_space<hbm>> -> memref<1x64xf32, #tpu.memory_space<hbm>>
      %dma_start3A_1422 = tpu.memref_squeeze %dma_start3A_1421 : memref<1x64xf32, #tpu.memory_space<hbm>> -> memref<64xf32, #tpu.memory_space<hbm>>
      %dma_start3A_1423 = arith.constant 0 : i32
      %dma_start3A_1424 = tpu.memref_slice %arg7[%run_scoped3A_121, %dma_start3A_1423] : memref<8x64xf32, #tpu.memory_space<vmem>> -> memref<1x64xf32, #tpu.memory_space<vmem>>
      %dma_start3A_1425 = tpu.memref_squeeze %dma_start3A_1424 : memref<1x64xf32, #tpu.memory_space<vmem>> -> memref<64xf32, #tpu.memory_space<vmem>>
      %dma_start3A_1426 = tpu.memref_slice %arg2[%run_scoped3A_120, %mul3A_6] : memref<8x2048xf32, #tpu.memory_space<hbm>> -> memref<1x64xf32, #tpu.memory_space<hbm>>
      %dma_start3A_1427 = tpu.memref_squeeze %dma_start3A_1426 : memref<1x64xf32, #tpu.memory_space<hbm>> -> memref<64xf32, #tpu.memory_space<hbm>>
      tpu.enqueue_dma source(%dma_start3A_1427 : memref<64xf32, #tpu.memory_space<hbm>>) target(%dma_start3A_1425 : memref<64xf32, #tpu.memory_space<vmem>>) target_semaphore(%run_scoped3A_1417 : memref<!tpu.dma_semaphore, #tpu.memory_space<semaphore_mem>>)
      %dma_wait3A_1428 = arith.constant 0 : i32
      %dma_wait3A_1429 = tpu.memref_slice %arg7[%run_scoped3A_121, %dma_wait3A_1428] : memref<8x64xf32, #tpu.memory_space<vmem>> -> memref<1x64xf32, #tpu.memory_space<vmem>>
      %dma_wait3A_1430 = tpu.memref_squeeze %dma_wait3A_1429 : memref<1x64xf32, #tpu.memory_space<vmem>> -> memref<64xf32, #tpu.memory_space<vmem>>
      %dma_wait3A_1431 = tpu.memref_slice %arg2[%run_scoped3A_120, %mul3A_6] : memref<8x2048xf32, #tpu.memory_space<hbm>> -> memref<1x64xf32, #tpu.memory_space<hbm>>
      %dma_wait3A_1432 = tpu.memref_squeeze %dma_wait3A_1431 : memref<1x64xf32, #tpu.memory_space<hbm>> -> memref<64xf32, #tpu.memory_space<hbm>>
      %dma_wait3A_1433 = arith.constant 0 : i32
      %dma_wait3A_1434 = tpu.memref_slice %arg7[%run_scoped3A_121, %dma_wait3A_1433] : memref<8x64xf32, #tpu.memory_space<vmem>> -> memref<1x64xf32, #tpu.memory_space<vmem>>
      %dma_wait3A_1435 = tpu.memref_squeeze %dma_wait3A_1434 : memref<1x64xf32, #tpu.memory_space<vmem>> -> memref<64xf32, #tpu.memory_space<vmem>>
      %dma_wait3A_1436 = tpu.memref_slice %arg2[%run_scoped3A_120, %mul3A_6] : memref<8x2048xf32, #tpu.memory_space<hbm>> -> memref<1x64xf32, #tpu.memory_space<hbm>>
      %dma_wait3A_1437 = tpu.memref_squeeze %dma_wait3A_1436 : memref<1x64xf32, #tpu.memory_space<hbm>> -> memref<64xf32, #tpu.memory_space<hbm>>
      tpu.wait_dma2 semaphore(%run_scoped3A_1417 : memref<!tpu.dma_semaphore, #tpu.memory_space<semaphore_mem>>) src(%dma_wait3A_1437 : memref<64xf32, #tpu.memory_space<hbm>>) dst(%dma_wait3A_1435 : memref<64xf32, #tpu.memory_space<vmem>>)
      tpu.yield
    }) : () -> ()
    %run_scoped3A_122 = arith.constant 6 : i32
    %run_scoped3A_123 = arith.constant 6 : i32
    "tpu.region"() ({
      %run_scoped3A_1417 = tpu.sem_alloc : memref<!tpu.dma_semaphore, #tpu.memory_space<semaphore_mem>>
      %dma_start3A_1418 = arith.constant 0 : i32
      %dma_start3A_1419 = tpu.memref_slice %arg7[%run_scoped3A_123, %dma_start3A_1418] : memref<8x64xf32, #tpu.memory_space<vmem>> -> memref<1x64xf32, #tpu.memory_space<vmem>>
      %dma_start3A_1420 = tpu.memref_squeeze %dma_start3A_1419 : memref<1x64xf32, #tpu.memory_space<vmem>> -> memref<64xf32, #tpu.memory_space<vmem>>
      %dma_start3A_1421 = tpu.memref_slice %arg2[%run_scoped3A_122, %mul3A_6] : memref<8x2048xf32, #tpu.memory_space<hbm>> -> memref<1x64xf32, #tpu.memory_space<hbm>>
      %dma_start3A_1422 = tpu.memref_squeeze %dma_start3A_1421 : memref<1x64xf32, #tpu.memory_space<hbm>> -> memref<64xf32, #tpu.memory_space<hbm>>
      %dma_start3A_1423 = arith.constant 0 : i32
      %dma_start3A_1424 = tpu.memref_slice %arg7[%run_scoped3A_123, %dma_start3A_1423] : memref<8x64xf32, #tpu.memory_space<vmem>> -> memref<1x64xf32, #tpu.memory_space<vmem>>
      %dma_start3A_1425 = tpu.memref_squeeze %dma_start3A_1424 : memref<1x64xf32, #tpu.memory_space<vmem>> -> memref<64xf32, #tpu.memory_space<vmem>>
      %dma_start3A_1426 = tpu.memref_slice %arg2[%run_scoped3A_122, %mul3A_6] : memref<8x2048xf32, #tpu.memory_space<hbm>> -> memref<1x64xf32, #tpu.memory_space<hbm>>
      %dma_start3A_1427 = tpu.memref_squeeze %dma_start3A_1426 : memref<1x64xf32, #tpu.memory_space<hbm>> -> memref<64xf32, #tpu.memory_space<hbm>>
      tpu.enqueue_dma source(%dma_start3A_1427 : memref<64xf32, #tpu.memory_space<hbm>>) target(%dma_start3A_1425 : memref<64xf32, #tpu.memory_space<vmem>>) target_semaphore(%run_scoped3A_1417 : memref<!tpu.dma_semaphore, #tpu.memory_space<semaphore_mem>>)
      %dma_wait3A_1428 = arith.constant 0 : i32
      %dma_wait3A_1429 = tpu.memref_slice %arg7[%run_scoped3A_123, %dma_wait3A_1428] : memref<8x64xf32, #tpu.memory_space<vmem>> -> memref<1x64xf32, #tpu.memory_space<vmem>>
      %dma_wait3A_1430 = tpu.memref_squeeze %dma_wait3A_1429 : memref<1x64xf32, #tpu.memory_space<vmem>> -> memref<64xf32, #tpu.memory_space<vmem>>
      %dma_wait3A_1431 = tpu.memref_slice %arg2[%run_scoped3A_122, %mul3A_6] : memref<8x2048xf32, #tpu.memory_space<hbm>> -> memref<1x64xf32, #tpu.memory_space<hbm>>
      %dma_wait3A_1432 = tpu.memref_squeeze %dma_wait3A_1431 : memref<1x64xf32, #tpu.memory_space<hbm>> -> memref<64xf32, #tpu.memory_space<hbm>>
      %dma_wait3A_1433 = arith.constant 0 : i32
      %dma_wait3A_1434 = tpu.memref_slice %arg7[%run_scoped3A_123, %dma_wait3A_1433] : memref<8x64xf32, #tpu.memory_space<vmem>> -> memref<1x64xf32, #tpu.memory_space<vmem>>
      %dma_wait3A_1435 = tpu.memref_squeeze %dma_wait3A_1434 : memref<1x64xf32, #tpu.memory_space<vmem>> -> memref<64xf32, #tpu.memory_space<vmem>>
      %dma_wait3A_1436 = tpu.memref_slice %arg2[%run_scoped3A_122, %mul3A_6] : memref<8x2048xf32, #tpu.memory_space<hbm>> -> memref<1x64xf32, #tpu.memory_space<hbm>>
      %dma_wait3A_1437 = tpu.memref_squeeze %dma_wait3A_1436 : memref<1x64xf32, #tpu.memory_space<hbm>> -> memref<64xf32, #tpu.memory_space<hbm>>
      tpu.wait_dma2 semaphore(%run_scoped3A_1417 : memref<!tpu.dma_semaphore, #tpu.memory_space<semaphore_mem>>) src(%dma_wait3A_1437 : memref<64xf32, #tpu.memory_space<hbm>>) dst(%dma_wait3A_1435 : memref<64xf32, #tpu.memory_space<vmem>>)
      tpu.yield
    }) : () -> ()
    %run_scoped3A_124 = arith.constant 7 : i32
    %run_scoped3A_125 = arith.constant 7 : i32
    "tpu.region"() ({
      %run_scoped3A_1417 = tpu.sem_alloc : memref<!tpu.dma_semaphore, #tpu.memory_space<semaphore_mem>>
      %dma_start3A_1418 = arith.constant 0 : i32
      %dma_start3A_1419 = tpu.memref_slice %arg7[%run_scoped3A_125, %dma_start3A_1418] : memref<8x64xf32, #tpu.memory_space<vmem>> -> memref<1x64xf32, #tpu.memory_space<vmem>>
      %dma_start3A_1420 = tpu.memref_squeeze %dma_start3A_1419 : memref<1x64xf32, #tpu.memory_space<vmem>> -> memref<64xf32, #tpu.memory_space<vmem>>
      %dma_start3A_1421 = tpu.memref_slice %arg2[%run_scoped3A_124, %mul3A_6] : memref<8x2048xf32, #tpu.memory_space<hbm>> -> memref<1x64xf32, #tpu.memory_space<hbm>>
      %dma_start3A_1422 = tpu.memref_squeeze %dma_start3A_1421 : memref<1x64xf32, #tpu.memory_space<hbm>> -> memref<64xf32, #tpu.memory_space<hbm>>
      %dma_start3A_1423 = arith.constant 0 : i32
      %dma_start3A_1424 = tpu.memref_slice %arg7[%run_scoped3A_125, %dma_start3A_1423] : memref<8x64xf32, #tpu.memory_space<vmem>> -> memref<1x64xf32, #tpu.memory_space<vmem>>
      %dma_start3A_1425 = tpu.memref_squeeze %dma_start3A_1424 : memref<1x64xf32, #tpu.memory_space<vmem>> -> memref<64xf32, #tpu.memory_space<vmem>>
      %dma_start3A_1426 = tpu.memref_slice %arg2[%run_scoped3A_124, %mul3A_6] : memref<8x2048xf32, #tpu.memory_space<hbm>> -> memref<1x64xf32, #tpu.memory_space<hbm>>
      %dma_start3A_1427 = tpu.memref_squeeze %dma_start3A_1426 : memref<1x64xf32, #tpu.memory_space<hbm>> -> memref<64xf32, #tpu.memory_space<hbm>>
      tpu.enqueue_dma source(%dma_start3A_1427 : memref<64xf32, #tpu.memory_space<hbm>>) target(%dma_start3A_1425 : memref<64xf32, #tpu.memory_space<vmem>>) target_semaphore(%run_scoped3A_1417 : memref<!tpu.dma_semaphore, #tpu.memory_space<semaphore_mem>>)
      %dma_wait3A_1428 = arith.constant 0 : i32
      %dma_wait3A_1429 = tpu.memref_slice %arg7[%run_scoped3A_125, %dma_wait3A_1428] : memref<8x64xf32, #tpu.memory_space<vmem>> -> memref<1x64xf32, #tpu.memory_space<vmem>>
      %dma_wait3A_1430 = tpu.memref_squeeze %dma_wait3A_1429 : memref<1x64xf32, #tpu.memory_space<vmem>> -> memref<64xf32, #tpu.memory_space<vmem>>
      %dma_wait3A_1431 = tpu.memref_slice %arg2[%run_scoped3A_124, %mul3A_6] : memref<8x2048xf32, #tpu.memory_space<hbm>> -> memref<1x64xf32, #tpu.memory_space<hbm>>
      %dma_wait3A_1432 = tpu.memref_squeeze %dma_wait3A_1431 : memref<1x64xf32, #tpu.memory_space<hbm>> -> memref<64xf32, #tpu.memory_space<hbm>>
      %dma_wait3A_1433 = arith.constant 0 : i32
      %dma_wait3A_1434 = tpu.memref_slice %arg7[%run_scoped3A_125, %dma_wait3A_1433] : memref<8x64xf32, #tpu.memory_space<vmem>> -> memref<1x64xf32, #tpu.memory_space<vmem>>
      %dma_wait3A_1435 = tpu.memref_squeeze %dma_wait3A_1434 : memref<1x64xf32, #tpu.memory_space<vmem>> -> memref<64xf32, #tpu.memory_space<vmem>>
      %dma_wait3A_1436 = tpu.memref_slice %arg2[%run_scoped3A_124, %mul3A_6] : memref<8x2048xf32, #tpu.memory_space<hbm>> -> memref<1x64xf32, #tpu.memory_space<hbm>>
      %dma_wait3A_1437 = tpu.memref_squeeze %dma_wait3A_1436 : memref<1x64xf32, #tpu.memory_space<hbm>> -> memref<64xf32, #tpu.memory_space<hbm>>
      tpu.wait_dma2 semaphore(%run_scoped3A_1417 : memref<!tpu.dma_semaphore, #tpu.memory_space<semaphore_mem>>) src(%dma_wait3A_1437 : memref<64xf32, #tpu.memory_space<hbm>>) dst(%dma_wait3A_1435 : memref<64xf32, #tpu.memory_space<vmem>>)
      tpu.yield
    }) : () -> ()
    %swap3A = arith.constant 0 : index
    %swap3A_126 = tpu.vector_load %arg12[%swap3A] {strides = array<i32>} : memref<16xi32, #tpu.memory_space<vmem>>, vector<16xi32>,
    tpu.vector_store %arg12[%swap3A], %broadcast_in_dim3A_9 {strides = array<i32>} : memref<16xi32, #tpu.memory_space<vmem>>, vector<16xi32>,
    %get3A = arith.constant 0 : i32
    %get3A_127 = arith.index_cast %get3A : i32 to index
    %get3A_128 = arith.constant 0 : index
    %get3A_129 = tpu.vector_load %arg7[%get3A_127, %get3A_128] {strides = array<i32>} : memref<8x64xf32, #tpu.memory_space<vmem>>, vector<16xf32>,
    %get3A_130 = arith.constant 1 : i32
    %get3A_131 = arith.index_cast %get3A_130 : i32 to index
    %get3A_132 = arith.constant 0 : index
    %get3A_133 = tpu.vector_load %arg7[%get3A_131, %get3A_132] {strides = array<i32>} : memref<8x64xf32, #tpu.memory_space<vmem>>, vector<16xf32>,
    %gt3A = arith.cmpf ogt, %get3A_133, %get3A_129 : vector<16xf32>
    %broadcast_in_dim3A_134 = arith.constant 1 : i32
    %broadcast_in_dim3A_135 = vector.broadcast %broadcast_in_dim3A_134 : i32 to vector<16xi32>
    %select_n3A = arith.select %gt3A, %broadcast_in_dim3A_135, %broadcast_in_dim3A_9 : vector<16xi1>, vector<16xi32>
    %select_n3A_136 = arith.select %gt3A, %get3A_133, %get3A_129 : vector<16xi1>, vector<16xf32>
    %get3A_137 = arith.constant 2 : i32
    %get3A_138 = arith.index_cast %get3A_137 : i32 to index
    %get3A_139 = arith.constant 0 : index
    %get3A_140 = tpu.vector_load %arg7[%get3A_138, %get3A_139] {strides = array<i32>} : memref<8x64xf32, #tpu.memory_space<vmem>>, vector<16xf32>,
    %gt3A_141 = arith.cmpf ogt, %get3A_140, %select_n3A_136 : vector<16xf32>
    %broadcast_in_dim3A_142 = arith.constant 2 : i32
    %broadcast_in_dim3A_143 = vector.broadcast %broadcast_in_dim3A_142 : i32 to vector<16xi32>
    %select_n3A_144 = arith.select %gt3A_141, %broadcast_in_dim3A_143, %select_n3A : vector<16xi1>, vector<16xi32>
    %select_n3A_145 = arith.select %gt3A_141, %get3A_140, %select_n3A_136 : vector<16xi1>, vector<16xf32>
    %get3A_146 = arith.constant 3 : i32
    %get3A_147 = arith.index_cast %get3A_146 : i32 to index
    %get3A_148 = arith.constant 0 : index
    %get3A_149 = tpu.vector_load %arg7[%get3A_147, %get3A_148] {strides = array<i32>} : memref<8x64xf32, #tpu.memory_space<vmem>>, vector<16xf32>,
    %gt3A_150 = arith.cmpf ogt, %get3A_149, %select_n3A_145 : vector<16xf32>
    %broadcast_in_dim3A_151 = arith.constant 3 : i32
    %broadcast_in_dim3A_152 = vector.broadcast %broadcast_in_dim3A_151 : i32 to vector<16xi32>
    %select_n3A_153 = arith.select %gt3A_150, %broadcast_in_dim3A_152, %select_n3A_144 : vector<16xi1>, vector<16xi32>
    %select_n3A_154 = arith.select %gt3A_150, %get3A_149, %select_n3A_145 : vector<16xi1>, vector<16xf32>
    %get3A_155 = arith.constant 4 : i32
    %get3A_156 = arith.index_cast %get3A_155 : i32 to index
    %get3A_157 = arith.constant 0 : index
    %get3A_158 = tpu.vector_load %arg7[%get3A_156, %get3A_157] {strides = array<i32>} : memref<8x64xf32, #tpu.memory_space<vmem>>, vector<16xf32>,
    %gt3A_159 = arith.cmpf ogt, %get3A_158, %select_n3A_154 : vector<16xf32>
    %broadcast_in_dim3A_160 = arith.constant 4 : i32
    %broadcast_in_dim3A_161 = vector.broadcast %broadcast_in_dim3A_160 : i32 to vector<16xi32>
    %select_n3A_162 = arith.select %gt3A_159, %broadcast_in_dim3A_161, %select_n3A_153 : vector<16xi1>, vector<16xi32>
    %select_n3A_163 = arith.select %gt3A_159, %get3A_158, %select_n3A_154 : vector<16xi1>, vector<16xf32>
    %get3A_164 = arith.constant 5 : i32
    %get3A_165 = arith.index_cast %get3A_164 : i32 to index
    %get3A_166 = arith.constant 0 : index
    %get3A_167 = tpu.vector_load %arg7[%get3A_165, %get3A_166] {strides = array<i32>} : memref<8x64xf32, #tpu.memory_space<vmem>>, vector<16xf32>,
    %gt3A_168 = arith.cmpf ogt, %get3A_167, %select_n3A_163 : vector<16xf32>
    %broadcast_in_dim3A_169 = arith.constant 5 : i32
    %broadcast_in_dim3A_170 = vector.broadcast %broadcast_in_dim3A_169 : i32 to vector<16xi32>
    %select_n3A_171 = arith.select %gt3A_168, %broadcast_in_dim3A_170, %select_n3A_162 : vector<16xi1>, vector<16xi32>
    %select_n3A_172 = arith.select %gt3A_168, %get3A_167, %select_n3A_163 : vector<16xi1>, vector<16xf32>
    %get3A_173 = arith.constant 6 : i32
    %get3A_174 = arith.index_cast %get3A_173 : i32 to index
    %get3A_175 = arith.constant 0 : index
    %get3A_176 = tpu.vector_load %arg7[%get3A_174, %get3A_175] {strides = array<i32>} : memref<8x64xf32, #tpu.memory_space<vmem>>, vector<16xf32>,
    %gt3A_177 = arith.cmpf ogt, %get3A_176, %select_n3A_172 : vector<16xf32>
    %broadcast_in_dim3A_178 = arith.constant 6 : i32
    %broadcast_in_dim3A_179 = vector.broadcast %broadcast_in_dim3A_178 : i32 to vector<16xi32>
    %select_n3A_180 = arith.select %gt3A_177, %broadcast_in_dim3A_179, %select_n3A_171 : vector<16xi1>, vector<16xi32>
    %select_n3A_181 = arith.select %gt3A_177, %get3A_176, %select_n3A_172 : vector<16xi1>, vector<16xf32>
    %get3A_182 = arith.constant 7 : i32
    %get3A_183 = arith.index_cast %get3A_182 : i32 to index
    %get3A_184 = arith.constant 0 : index
    %get3A_185 = tpu.vector_load %arg7[%get3A_183, %get3A_184] {strides = array<i32>} : memref<8x64xf32, #tpu.memory_space<vmem>>, vector<16xf32>,
    %gt3A_186 = arith.cmpf ogt, %get3A_185, %select_n3A_181 : vector<16xf32>
    %broadcast_in_dim3A_187 = arith.constant 7 : i32
    %broadcast_in_dim3A_188 = vector.broadcast %broadcast_in_dim3A_187 : i32 to vector<16xi32>
    %select_n3A_189 = arith.select %gt3A_186, %broadcast_in_dim3A_188, %select_n3A_180 : vector<16xi1>, vector<16xi32>
    %select_n3A_190 = arith.select %gt3A_186, %get3A_185, %select_n3A_181 : vector<16xi1>, vector<16xf32>
    %gather3A = tpu.vector_load_idx %arg12[%select_n3A_189] : memref<16xi32, #tpu.memory_space<vmem>>[vector<16xi32>], vector<16xi32>,
    %broadcast_in_dim3A_191 = arith.constant 0 : i32
    %broadcast_in_dim3A_192 = vector.broadcast %broadcast_in_dim3A_191 : i32 to vector<16xi32>
    %eq3A = arith.cmpi eq, %select_n3A_189, %broadcast_in_dim3A_192 : vector<16xi32>
    %convert_element_type3A = arith.extui %eq3A : vector<16xi1> to vector<16xi32>
    %broadcast_in_dim3A_193 = arith.constant true
    %broadcast_in_dim3A_194 = vector.broadcast %broadcast_in_dim3A_193 : i1 to vector<16xi1>
    %masked_cumsum3A = tpu.scan <sum>, %convert_element_type3A masked %broadcast_in_dim3A_194 : vector<16xi32>, vector<16xi1> -> vector<16xi32>
    %sub3A_195 = arith.subi %masked_cumsum3A, %convert_element_type3A : vector<16xi32>
    %mul3A_196 = arith.muli %convert_element_type3A, %sub3A_195 : vector<16xi32>
    %add3A_197 = arith.addi %broadcast_in_dim3A_9, %mul3A_196 : vector<16xi32>
    %broadcast_in_dim3A_198 = arith.constant 1 : i32
    %broadcast_in_dim3A_199 = vector.broadcast %broadcast_in_dim3A_198 : i32 to vector<16xi32>
    %eq3A_200 = arith.cmpi eq, %select_n3A_189, %broadcast_in_dim3A_199 : vector<16xi32>
    %convert_element_type3A_201 = arith.extui %eq3A_200 : vector<16xi1> to vector<16xi32>
    %broadcast_in_dim3A_202 = arith.constant true
    %broadcast_in_dim3A_203 = vector.broadcast %broadcast_in_dim3A_202 : i1 to vector<16xi1>
    %masked_cumsum3A_204 = tpu.scan <sum>, %convert_element_type3A_201 masked %broadcast_in_dim3A_203 : vector<16xi32>, vector<16xi1> -> vector<16xi32>
    %sub3A_205 = arith.subi %masked_cumsum3A_204, %convert_element_type3A_201 : vector<16xi32>
    %mul3A_206 = arith.muli %convert_element_type3A_201, %sub3A_205 : vector<16xi32>
    %add3A_207 = arith.addi %add3A_197, %mul3A_206 : vector<16xi32>
    %broadcast_in_dim3A_208 = arith.constant 2 : i32
    %broadcast_in_dim3A_209 = vector.broadcast %broadcast_in_dim3A_208 : i32 to vector<16xi32>
    %eq3A_210 = arith.cmpi eq, %select_n3A_189, %broadcast_in_dim3A_209 : vector<16xi32>
    %convert_element_type3A_211 = arith.extui %eq3A_210 : vector<16xi1> to vector<16xi32>
    %broadcast_in_dim3A_212 = arith.constant true
    %broadcast_in_dim3A_213 = vector.broadcast %broadcast_in_dim3A_212 : i1 to vector<16xi1>
    %masked_cumsum3A_214 = tpu.scan <sum>, %convert_element_type3A_211 masked %broadcast_in_dim3A_213 : vector<16xi32>, vector<16xi1> -> vector<16xi32>
    %sub3A_215 = arith.subi %masked_cumsum3A_214, %convert_element_type3A_211 : vector<16xi32>
    %mul3A_216 = arith.muli %convert_element_type3A_211, %sub3A_215 : vector<16xi32>
    %add3A_217 = arith.addi %add3A_207, %mul3A_216 : vector<16xi32>
    %broadcast_in_dim3A_218 = arith.constant 3 : i32
    %broadcast_in_dim3A_219 = vector.broadcast %broadcast_in_dim3A_218 : i32 to vector<16xi32>
    %eq3A_220 = arith.cmpi eq, %select_n3A_189, %broadcast_in_dim3A_219 : vector<16xi32>
    %convert_element_type3A_221 = arith.extui %eq3A_220 : vector<16xi1> to vector<16xi32>
    %broadcast_in_dim3A_222 = arith.constant true
    %broadcast_in_dim3A_223 = vector.broadcast %broadcast_in_dim3A_222 : i1 to vector<16xi1>
    %masked_cumsum3A_224 = tpu.scan <sum>, %convert_element_type3A_221 masked %broadcast_in_dim3A_223 : vector<16xi32>, vector<16xi1> -> vector<16xi32>
    %sub3A_225 = arith.subi %masked_cumsum3A_224, %convert_element_type3A_221 : vector<16xi32>
    %mul3A_226 = arith.muli %convert_element_type3A_221, %sub3A_225 : vector<16xi32>
    %add3A_227 = arith.addi %add3A_217, %mul3A_226 : vector<16xi32>
    %broadcast_in_dim3A_228 = arith.constant 4 : i32
    %broadcast_in_dim3A_229 = vector.broadcast %broadcast_in_dim3A_228 : i32 to vector<16xi32>
    %eq3A_230 = arith.cmpi eq, %select_n3A_189, %broadcast_in_dim3A_229 : vector<16xi32>
    %convert_element_type3A_231 = arith.extui %eq3A_230 : vector<16xi1> to vector<16xi32>
    %broadcast_in_dim3A_232 = arith.constant true
    %broadcast_in_dim3A_233 = vector.broadcast %broadcast_in_dim3A_232 : i1 to vector<16xi1>
    %masked_cumsum3A_234 = tpu.scan <sum>, %convert_element_type3A_231 masked %broadcast_in_dim3A_233 : vector<16xi32>, vector<16xi1> -> vector<16xi32>
    %sub3A_235 = arith.subi %masked_cumsum3A_234, %convert_element_type3A_231 : vector<16xi32>
    %mul3A_236 = arith.muli %convert_element_type3A_231, %sub3A_235 : vector<16xi32>
    %add3A_237 = arith.addi %add3A_227, %mul3A_236 : vector<16xi32>
    %broadcast_in_dim3A_238 = arith.constant 5 : i32
    %broadcast_in_dim3A_239 = vector.broadcast %broadcast_in_dim3A_238 : i32 to vector<16xi32>
    %eq3A_240 = arith.cmpi eq, %select_n3A_189, %broadcast_in_dim3A_239 : vector<16xi32>
    %convert_element_type3A_241 = arith.extui %eq3A_240 : vector<16xi1> to vector<16xi32>
    %broadcast_in_dim3A_242 = arith.constant true
    %broadcast_in_dim3A_243 = vector.broadcast %broadcast_in_dim3A_242 : i1 to vector<16xi1>
    %masked_cumsum3A_244 = tpu.scan <sum>, %convert_element_type3A_241 masked %broadcast_in_dim3A_243 : vector<16xi32>, vector<16xi1> -> vector<16xi32>
    %sub3A_245 = arith.subi %masked_cumsum3A_244, %convert_element_type3A_241 : vector<16xi32>
    %mul3A_246 = arith.muli %convert_element_type3A_241, %sub3A_245 : vector<16xi32>
    %add3A_247 = arith.addi %add3A_237, %mul3A_246 : vector<16xi32>
    %broadcast_in_dim3A_248 = arith.constant 6 : i32
    %broadcast_in_dim3A_249 = vector.broadcast %broadcast_in_dim3A_248 : i32 to vector<16xi32>
    %eq3A_250 = arith.cmpi eq, %select_n3A_189, %broadcast_in_dim3A_249 : vector<16xi32>
    %convert_element_type3A_251 = arith.extui %eq3A_250 : vector<16xi1> to vector<16xi32>
    %broadcast_in_dim3A_252 = arith.constant true
    %broadcast_in_dim3A_253 = vector.broadcast %broadcast_in_dim3A_252 : i1 to vector<16xi1>
    %masked_cumsum3A_254 = tpu.scan <sum>, %convert_element_type3A_251 masked %broadcast_in_dim3A_253 : vector<16xi32>, vector<16xi1> -> vector<16xi32>
    %sub3A_255 = arith.subi %masked_cumsum3A_254, %convert_element_type3A_251 : vector<16xi32>
    %mul3A_256 = arith.muli %convert_element_type3A_251, %sub3A_255 : vector<16xi32>
    %add3A_257 = arith.addi %add3A_247, %mul3A_256 : vector<16xi32>
    %broadcast_in_dim3A_258 = arith.constant 7 : i32
    %broadcast_in_dim3A_259 = vector.broadcast %broadcast_in_dim3A_258 : i32 to vector<16xi32>
    %eq3A_260 = arith.cmpi eq, %select_n3A_189, %broadcast_in_dim3A_259 : vector<16xi32>
    %convert_element_type3A_261 = arith.extui %eq3A_260 : vector<16xi1> to vector<16xi32>
    %broadcast_in_dim3A_262 = arith.constant true
    %broadcast_in_dim3A_263 = vector.broadcast %broadcast_in_dim3A_262 : i1 to vector<16xi1>
    %masked_cumsum3A_264 = tpu.scan <sum>, %convert_element_type3A_261 masked %broadcast_in_dim3A_263 : vector<16xi32>, vector<16xi1> -> vector<16xi32>
    %sub3A_265 = arith.subi %masked_cumsum3A_264, %convert_element_type3A_261 : vector<16xi32>
    %mul3A_266 = arith.muli %convert_element_type3A_261, %sub3A_265 : vector<16xi32>
    %add3A_267 = arith.addi %add3A_257, %mul3A_266 : vector<16xi32>
    tpu.vector_store_idx %arg12[%select_n3A_189], %broadcast_in_dim3A_11 {add = true} : memref<16xi32, #tpu.memory_space<vmem>>[vector<16xi32>], vector<16xi32>,
    %swap3A_268 = arith.constant 0 : index
    %swap3A_269 = tpu.vector_load %arg9[%swap3A_268] {strides = array<i32>} : memref<64xi32, #tpu.memory_space<vmem>>, vector<16xi32>,
    tpu.vector_store %arg9[%swap3A_268], %select_n3A_189 {strides = array<i32>} : memref<64xi32, #tpu.memory_space<vmem>>, vector<16xi32>,
    %add3A_270 = arith.addi %gather3A, %add3A_267 : vector<16xi32>
    %swap3A_271 = arith.constant 0 : index
    %swap3A_272 = tpu.vector_load %arg10[%swap3A_271] {strides = array<i32>} : memref<64xi32, #tpu.memory_space<vmem>>, vector<16xi32>,
    tpu.vector_store %arg10[%swap3A_271], %add3A_270 {strides = array<i32>} : memref<64xi32, #tpu.memory_space<vmem>>, vector<16xi32>,
    %get3A_273 = arith.constant 0 : i32
    %get3A_274 = arith.index_cast %get3A_273 : i32 to index
    %get3A_275 = arith.constant 16 : index
    %get3A_276 = tpu.vector_load %arg7[%get3A_274, %get3A_275] {strides = array<i32>} : memref<8x64xf32, #tpu.memory_space<vmem>>, vector<16xf32>,
    %get3A_277 = arith.constant 1 : i32
    %get3A_278 = arith.index_cast %get3A_277 : i32 to index
    %get3A_279 = arith.constant 16 : index
    %get3A_280 = tpu.vector_load %arg7[%get3A_278, %get3A_279] {strides = array<i32>} : memref<8x64xf32, #tpu.memory_space<vmem>>, vector<16xf32>,
    %gt3A_281 = arith.cmpf ogt, %get3A_280, %get3A_276 : vector<16xf32>
    %broadcast_in_dim3A_282 = arith.constant 1 : i32
    %broadcast_in_dim3A_283 = vector.broadcast %broadcast_in_dim3A_282 : i32 to vector<16xi32>
    %select_n3A_284 = arith.select %gt3A_281, %broadcast_in_dim3A_283, %broadcast_in_dim3A_9 : vector<16xi1>, vector<16xi32>
    %select_n3A_285 = arith.select %gt3A_281, %get3A_280, %get3A_276 : vector<16xi1>, vector<16xf32>
    %get3A_286 = arith.constant 2 : i32
    %get3A_287 = arith.index_cast %get3A_286 : i32 to index
    %get3A_288 = arith.constant 16 : index
    %get3A_289 = tpu.vector_load %arg7[%get3A_287, %get3A_288] {strides = array<i32>} : memref<8x64xf32, #tpu.memory_space<vmem>>, vector<16xf32>,
    %gt3A_290 = arith.cmpf ogt, %get3A_289, %select_n3A_285 : vector<16xf32>
    %broadcast_in_dim3A_291 = arith.constant 2 : i32
    %broadcast_in_dim3A_292 = vector.broadcast %broadcast_in_dim3A_291 : i32 to vector<16xi32>
    %select_n3A_293 = arith.select %gt3A_290, %broadcast_in_dim3A_292, %select_n3A_284 : vector<16xi1>, vector<16xi32>
    %select_n3A_294 = arith.select %gt3A_290, %get3A_289, %select_n3A_285 : vector<16xi1>, vector<16xf32>
    %get3A_295 = arith.constant 3 : i32
    %get3A_296 = arith.index_cast %get3A_295 : i32 to index
    %get3A_297 = arith.constant 16 : index
    %get3A_298 = tpu.vector_load %arg7[%get3A_296, %get3A_297] {strides = array<i32>} : memref<8x64xf32, #tpu.memory_space<vmem>>, vector<16xf32>,
    %gt3A_299 = arith.cmpf ogt, %get3A_298, %select_n3A_294 : vector<16xf32>
    %broadcast_in_dim3A_300 = arith.constant 3 : i32
    %broadcast_in_dim3A_301 = vector.broadcast %broadcast_in_dim3A_300 : i32 to vector<16xi32>
    %select_n3A_302 = arith.select %gt3A_299, %broadcast_in_dim3A_301, %select_n3A_293 : vector<16xi1>, vector<16xi32>
    %select_n3A_303 = arith.select %gt3A_299, %get3A_298, %select_n3A_294 : vector<16xi1>, vector<16xf32>
    %get3A_304 = arith.constant 4 : i32
    %get3A_305 = arith.index_cast %get3A_304 : i32 to index
    %get3A_306 = arith.constant 16 : index
    %get3A_307 = tpu.vector_load %arg7[%get3A_305, %get3A_306] {strides = array<i32>} : memref<8x64xf32, #tpu.memory_space<vmem>>, vector<16xf32>,
    %gt3A_308 = arith.cmpf ogt, %get3A_307, %select_n3A_303 : vector<16xf32>
    %broadcast_in_dim3A_309 = arith.constant 4 : i32
    %broadcast_in_dim3A_310 = vector.broadcast %broadcast_in_dim3A_309 : i32 to vector<16xi32>
    %select_n3A_311 = arith.select %gt3A_308, %broadcast_in_dim3A_310, %select_n3A_302 : vector<16xi1>, vector<16xi32>
    %select_n3A_312 = arith.select %gt3A_308, %get3A_307, %select_n3A_303 : vector<16xi1>, vector<16xf32>
    %get3A_313 = arith.constant 5 : i32
    %get3A_314 = arith.index_cast %get3A_313 : i32 to index
    %get3A_315 = arith.constant 16 : index
    %get3A_316 = tpu.vector_load %arg7[%get3A_314, %get3A_315] {strides = array<i32>} : memref<8x64xf32, #tpu.memory_space<vmem>>, vector<16xf32>,
    %gt3A_317 = arith.cmpf ogt, %get3A_316, %select_n3A_312 : vector<16xf32>
    %broadcast_in_dim3A_318 = arith.constant 5 : i32
    %broadcast_in_dim3A_319 = vector.broadcast %broadcast_in_dim3A_318 : i32 to vector<16xi32>
    %select_n3A_320 = arith.select %gt3A_317, %broadcast_in_dim3A_319, %select_n3A_311 : vector<16xi1>, vector<16xi32>
    %select_n3A_321 = arith.select %gt3A_317, %get3A_316, %select_n3A_312 : vector<16xi1>, vector<16xf32>
    %get3A_322 = arith.constant 6 : i32
    %get3A_323 = arith.index_cast %get3A_322 : i32 to index
    %get3A_324 = arith.constant 16 : index
    %get3A_325 = tpu.vector_load %arg7[%get3A_323, %get3A_324] {strides = array<i32>} : memref<8x64xf32, #tpu.memory_space<vmem>>, vector<16xf32>,
    %gt3A_326 = arith.cmpf ogt, %get3A_325, %select_n3A_321 : vector<16xf32>
    %broadcast_in_dim3A_327 = arith.constant 6 : i32
    %broadcast_in_dim3A_328 = vector.broadcast %broadcast_in_dim3A_327 : i32 to vector<16xi32>
    %select_n3A_329 = arith.select %gt3A_326, %broadcast_in_dim3A_328, %select_n3A_320 : vector<16xi1>, vector<16xi32>
    %select_n3A_330 = arith.select %gt3A_326, %get3A_325, %select_n3A_321 : vector<16xi1>, vector<16xf32>
    %get3A_331 = arith.constant 7 : i32
    %get3A_332 = arith.index_cast %get3A_331 : i32 to index
    %get3A_333 = arith.constant 16 : index
    %get3A_334 = tpu.vector_load %arg7[%get3A_332, %get3A_333] {strides = array<i32>} : memref<8x64xf32, #tpu.memory_space<vmem>>, vector<16xf32>,
    %gt3A_335 = arith.cmpf ogt, %get3A_334, %select_n3A_330 : vector<16xf32>
    %broadcast_in_dim3A_336 = arith.constant 7 : i32
    %broadcast_in_dim3A_337 = vector.broadcast %broadcast_in_dim3A_336 : i32 to vector<16xi32>
    %select_n3A_338 = arith.select %gt3A_335, %broadcast_in_dim3A_337, %select_n3A_329 : vector<16xi1>, vector<16xi32>
    %select_n3A_339 = arith.select %gt3A_335, %get3A_334, %select_n3A_330 : vector<16xi1>, vector<16xf32>
    %gather3A_340 = tpu.vector_load_idx %arg12[%select_n3A_338] : memref<16xi32, #tpu.memory_space<vmem>>[vector<16xi32>], vector<16xi32>,
    %broadcast_in_dim3A_341 = arith.constant 0 : i32
    %broadcast_in_dim3A_342 = vector.broadcast %broadcast_in_dim3A_341 : i32 to vector<16xi32>
    %eq3A_343 = arith.cmpi eq, %select_n3A_338, %broadcast_in_dim3A_342 : vector<16xi32>
    %convert_element_type3A_344 = arith.extui %eq3A_343 : vector<16xi1> to vector<16xi32>
    %broadcast_in_dim3A_345 = arith.constant true
    %broadcast_in_dim3A_346 = vector.broadcast %broadcast_in_dim3A_345 : i1 to vector<16xi1>
    %masked_cumsum3A_347 = tpu.scan <sum>, %convert_element_type3A_344 masked %broadcast_in_dim3A_346 : vector<16xi32>, vector<16xi1> -> vector<16xi32>
    %sub3A_348 = arith.subi %masked_cumsum3A_347, %convert_element_type3A_344 : vector<16xi32>
    %mul3A_349 = arith.muli %convert_element_type3A_344, %sub3A_348 : vector<16xi32>
    %add3A_350 = arith.addi %broadcast_in_dim3A_9, %mul3A_349 : vector<16xi32>
    %broadcast_in_dim3A_351 = arith.constant 1 : i32
    %broadcast_in_dim3A_352 = vector.broadcast %broadcast_in_dim3A_351 : i32 to vector<16xi32>
    %eq3A_353 = arith.cmpi eq, %select_n3A_338, %broadcast_in_dim3A_352 : vector<16xi32>
    %convert_element_type3A_354 = arith.extui %eq3A_353 : vector<16xi1> to vector<16xi32>
    %broadcast_in_dim3A_355 = arith.constant true
    %broadcast_in_dim3A_356 = vector.broadcast %broadcast_in_dim3A_355 : i1 to vector<16xi1>
    %masked_cumsum3A_357 = tpu.scan <sum>, %convert_element_type3A_354 masked %broadcast_in_dim3A_356 : vector<16xi32>, vector<16xi1> -> vector<16xi32>
    %sub3A_358 = arith.subi %masked_cumsum3A_357, %convert_element_type3A_354 : vector<16xi32>
    %mul3A_359 = arith.muli %convert_element_type3A_354, %sub3A_358 : vector<16xi32>
    %add3A_360 = arith.addi %add3A_350, %mul3A_359 : vector<16xi32>
    %broadcast_in_dim3A_361 = arith.constant 2 : i32
    %broadcast_in_dim3A_362 = vector.broadcast %broadcast_in_dim3A_361 : i32 to vector<16xi32>
    %eq3A_363 = arith.cmpi eq, %select_n3A_338, %broadcast_in_dim3A_362 : vector<16xi32>
    %convert_element_type3A_364 = arith.extui %eq3A_363 : vector<16xi1> to vector<16xi32>
    %broadcast_in_dim3A_365 = arith.constant true
    %broadcast_in_dim3A_366 = vector.broadcast %broadcast_in_dim3A_365 : i1 to vector<16xi1>
    %masked_cumsum3A_367 = tpu.scan <sum>, %convert_element_type3A_364 masked %broadcast_in_dim3A_366 : vector<16xi32>, vector<16xi1> -> vector<16xi32>
    %sub3A_368 = arith.subi %masked_cumsum3A_367, %convert_element_type3A_364 : vector<16xi32>
    %mul3A_369 = arith.muli %convert_element_type3A_364, %sub3A_368 : vector<16xi32>
    %add3A_370 = arith.addi %add3A_360, %mul3A_369 : vector<16xi32>
    %broadcast_in_dim3A_371 = arith.constant 3 : i32
    %broadcast_in_dim3A_372 = vector.broadcast %broadcast_in_dim3A_371 : i32 to vector<16xi32>
    %eq3A_373 = arith.cmpi eq, %select_n3A_338, %broadcast_in_dim3A_372 : vector<16xi32>
    %convert_element_type3A_374 = arith.extui %eq3A_373 : vector<16xi1> to vector<16xi32>
    %broadcast_in_dim3A_375 = arith.constant true
    %broadcast_in_dim3A_376 = vector.broadcast %broadcast_in_dim3A_375 : i1 to vector<16xi1>
    %masked_cumsum3A_377 = tpu.scan <sum>, %convert_element_type3A_374 masked %broadcast_in_dim3A_376 : vector<16xi32>, vector<16xi1> -> vector<16xi32>
    %sub3A_378 = arith.subi %masked_cumsum3A_377, %convert_element_type3A_374 : vector<16xi32>
    %mul3A_379 = arith.muli %convert_element_type3A_374, %sub3A_378 : vector<16xi32>
    %add3A_380 = arith.addi %add3A_370, %mul3A_379 : vector<16xi32>
    %broadcast_in_dim3A_381 = arith.constant 4 : i32
    %broadcast_in_dim3A_382 = vector.broadcast %broadcast_in_dim3A_381 : i32 to vector<16xi32>
    %eq3A_383 = arith.cmpi eq, %select_n3A_338, %broadcast_in_dim3A_382 : vector<16xi32>
    %convert_element_type3A_384 = arith.extui %eq3A_383 : vector<16xi1> to vector<16xi32>
    %broadcast_in_dim3A_385 = arith.constant true
    %broadcast_in_dim3A_386 = vector.broadcast %broadcast_in_dim3A_385 : i1 to vector<16xi1>
    %masked_cumsum3A_387 = tpu.scan <sum>, %convert_element_type3A_384 masked %broadcast_in_dim3A_386 : vector<16xi32>, vector<16xi1> -> vector<16xi32>
    %sub3A_388 = arith.subi %masked_cumsum3A_387, %convert_element_type3A_384 : vector<16xi32>
    %mul3A_389 = arith.muli %convert_element_type3A_384, %sub3A_388 : vector<16xi32>
    %add3A_390 = arith.addi %add3A_380, %mul3A_389 : vector<16xi32>
    %broadcast_in_dim3A_391 = arith.constant 5 : i32
    %broadcast_in_dim3A_392 = vector.broadcast %broadcast_in_dim3A_391 : i32 to vector<16xi32>
    %eq3A_393 = arith.cmpi eq, %select_n3A_338, %broadcast_in_dim3A_392 : vector<16xi32>
    %convert_element_type3A_394 = arith.extui %eq3A_393 : vector<16xi1> to vector<16xi32>
    %broadcast_in_dim3A_395 = arith.constant true
    %broadcast_in_dim3A_396 = vector.broadcast %broadcast_in_dim3A_395 : i1 to vector<16xi1>
    %masked_cumsum3A_397 = tpu.scan <sum>, %convert_element_type3A_394 masked %broadcast_in_dim3A_396 : vector<16xi32>, vector<16xi1> -> vector<16xi32>
    %sub3A_398 = arith.subi %masked_cumsum3A_397, %convert_element_type3A_394 : vector<16xi32>
    %mul3A_399 = arith.muli %convert_element_type3A_394, %sub3A_398 : vector<16xi32>
    %add3A_400 = arith.addi %add3A_390, %mul3A_399 : vector<16xi32>
    %broadcast_in_dim3A_401 = arith.constant 6 : i32
    %broadcast_in_dim3A_402 = vector.broadcast %broadcast_in_dim3A_401 : i32 to vector<16xi32>
    %eq3A_403 = arith.cmpi eq, %select_n3A_338, %broadcast_in_dim3A_402 : vector<16xi32>
    %convert_element_type3A_404 = arith.extui %eq3A_403 : vector<16xi1> to vector<16xi32>
    %broadcast_in_dim3A_405 = arith.constant true
    %broadcast_in_dim3A_406 = vector.broadcast %broadcast_in_dim3A_405 : i1 to vector<16xi1>
    %masked_cumsum3A_407 = tpu.scan <sum>, %convert_element_type3A_404 masked %broadcast_in_dim3A_406 : vector<16xi32>, vector<16xi1> -> vector<16xi32>
    %sub3A_408 = arith.subi %masked_cumsum3A_407, %convert_element_type3A_404 : vector<16xi32>
    %mul3A_409 = arith.muli %convert_element_type3A_404, %sub3A_408 : vector<16xi32>
    %add3A_410 = arith.addi %add3A_400, %mul3A_409 : vector<16xi32>
    %broadcast_in_dim3A_411 = arith.constant 7 : i32
    %broadcast_in_dim3A_412 = vector.broadcast %broadcast_in_dim3A_411 : i32 to vector<16xi32>
    %eq3A_413 = arith.cmpi eq, %select_n3A_338, %broadcast_in_dim3A_412 : vector<16xi32>
    %convert_element_type3A_414 = arith.extui %eq3A_413 : vector<16xi1> to vector<16xi32>
    %broadcast_in_dim3A_415 = arith.constant true
    %broadcast_in_dim3A_416 = vector.broadcast %broadcast_in_dim3A_415 : i1 to vector<16xi1>
    %masked_cumsum3A_417 = tpu.scan <sum>, %convert_element_type3A_414 masked %broadcast_in_dim3A_416 : vector<16xi32>, vector<16xi1> -> vector<16xi32>
    %sub3A_418 = arith.subi %masked_cumsum3A_417, %convert_element_type3A_414 : vector<16xi32>
    %mul3A_419 = arith.muli %convert_element_type3A_414, %sub3A_418 : vector<16xi32>
    %add3A_420 = arith.addi %add3A_410, %mul3A_419 : vector<16xi32>
    tpu.vector_store_idx %arg12[%select_n3A_338], %broadcast_in_dim3A_11 {add = true} : memref<16xi32, #tpu.memory_space<vmem>>[vector<16xi32>], vector<16xi32>,
    %swap3A_421 = arith.constant 16 : index
    %swap3A_422 = tpu.vector_load %arg9[%swap3A_421] {strides = array<i32>} : memref<64xi32, #tpu.memory_space<vmem>>, vector<16xi32>,
    tpu.vector_store %arg9[%swap3A_421], %select_n3A_338 {strides = array<i32>} : memref<64xi32, #tpu.memory_space<vmem>>, vector<16xi32>,
    %add3A_423 = arith.addi %gather3A_340, %add3A_420 : vector<16xi32>
    %swap3A_424 = arith.constant 16 : index
    %swap3A_425 = tpu.vector_load %arg10[%swap3A_424] {strides = array<i32>} : memref<64xi32, #tpu.memory_space<vmem>>, vector<16xi32>,
    tpu.vector_store %arg10[%swap3A_424], %add3A_423 {strides = array<i32>} : memref<64xi32, #tpu.memory_space<vmem>>, vector<16xi32>,
    %get3A_426 = arith.constant 0 : i32
    %get3A_427 = arith.index_cast %get3A_426 : i32 to index
    %get3A_428 = arith.constant 32 : index
    %get3A_429 = tpu.vector_load %arg7[%get3A_427, %get3A_428] {strides = array<i32>} : memref<8x64xf32, #tpu.memory_space<vmem>>, vector<16xf32>,
    %get3A_430 = arith.constant 1 : i32
    %get3A_431 = arith.index_cast %get3A_430 : i32 to index
    %get3A_432 = arith.constant 32 : index
    %get3A_433 = tpu.vector_load %arg7[%get3A_431, %get3A_432] {strides = array<i32>} : memref<8x64xf32, #tpu.memory_space<vmem>>, vector<16xf32>,
    %gt3A_434 = arith.cmpf ogt, %get3A_433, %get3A_429 : vector<16xf32>
    %broadcast_in_dim3A_435 = arith.constant 1 : i32
    %broadcast_in_dim3A_436 = vector.broadcast %broadcast_in_dim3A_435 : i32 to vector<16xi32>
    %select_n3A_437 = arith.select %gt3A_434, %broadcast_in_dim3A_436, %broadcast_in_dim3A_9 : vector<16xi1>, vector<16xi32>
    %select_n3A_438 = arith.select %gt3A_434, %get3A_433, %get3A_429 : vector<16xi1>, vector<16xf32>
    %get3A_439 = arith.constant 2 : i32
    %get3A_440 = arith.index_cast %get3A_439 : i32 to index
    %get3A_441 = arith.constant 32 : index
    %get3A_442 = tpu.vector_load %arg7[%get3A_440, %get3A_441] {strides = array<i32>} : memref<8x64xf32, #tpu.memory_space<vmem>>, vector<16xf32>,
    %gt3A_443 = arith.cmpf ogt, %get3A_442, %select_n3A_438 : vector<16xf32>
    %broadcast_in_dim3A_444 = arith.constant 2 : i32
    %broadcast_in_dim3A_445 = vector.broadcast %broadcast_in_dim3A_444 : i32 to vector<16xi32>
    %select_n3A_446 = arith.select %gt3A_443, %broadcast_in_dim3A_445, %select_n3A_437 : vector<16xi1>, vector<16xi32>
    %select_n3A_447 = arith.select %gt3A_443, %get3A_442, %select_n3A_438 : vector<16xi1>, vector<16xf32>
    %get3A_448 = arith.constant 3 : i32
    %get3A_449 = arith.index_cast %get3A_448 : i32 to index
    %get3A_450 = arith.constant 32 : index
    %get3A_451 = tpu.vector_load %arg7[%get3A_449, %get3A_450] {strides = array<i32>} : memref<8x64xf32, #tpu.memory_space<vmem>>, vector<16xf32>,
    %gt3A_452 = arith.cmpf ogt, %get3A_451, %select_n3A_447 : vector<16xf32>
    %broadcast_in_dim3A_453 = arith.constant 3 : i32
    %broadcast_in_dim3A_454 = vector.broadcast %broadcast_in_dim3A_453 : i32 to vector<16xi32>
    %select_n3A_455 = arith.select %gt3A_452, %broadcast_in_dim3A_454, %select_n3A_446 : vector<16xi1>, vector<16xi32>
    %select_n3A_456 = arith.select %gt3A_452, %get3A_451, %select_n3A_447 : vector<16xi1>, vector<16xf32>
    %get3A_457 = arith.constant 4 : i32
    %get3A_458 = arith.index_cast %get3A_457 : i32 to index
    %get3A_459 = arith.constant 32 : index
    %get3A_460 = tpu.vector_load %arg7[%get3A_458, %get3A_459] {strides = array<i32>} : memref<8x64xf32, #tpu.memory_space<vmem>>, vector<16xf32>,
    %gt3A_461 = arith.cmpf ogt, %get3A_460, %select_n3A_456 : vector<16xf32>
    %broadcast_in_dim3A_462 = arith.constant 4 : i32
    %broadcast_in_dim3A_463 = vector.broadcast %broadcast_in_dim3A_462 : i32 to vector<16xi32>
    %select_n3A_464 = arith.select %gt3A_461, %broadcast_in_dim3A_463, %select_n3A_455 : vector<16xi1>, vector<16xi32>
    %select_n3A_465 = arith.select %gt3A_461, %get3A_460, %select_n3A_456 : vector<16xi1>, vector<16xf32>
    %get3A_466 = arith.constant 5 : i32
    %get3A_467 = arith.index_cast %get3A_466 : i32 to index
    %get3A_468 = arith.constant 32 : index
    %get3A_469 = tpu.vector_load %arg7[%get3A_467, %get3A_468] {strides = array<i32>} : memref<8x64xf32, #tpu.memory_space<vmem>>, vector<16xf32>,
    %gt3A_470 = arith.cmpf ogt, %get3A_469, %select_n3A_465 : vector<16xf32>
    %broadcast_in_dim3A_471 = arith.constant 5 : i32
    %broadcast_in_dim3A_472 = vector.broadcast %broadcast_in_dim3A_471 : i32 to vector<16xi32>
    %select_n3A_473 = arith.select %gt3A_470, %broadcast_in_dim3A_472, %select_n3A_464 : vector<16xi1>, vector<16xi32>
    %select_n3A_474 = arith.select %gt3A_470, %get3A_469, %select_n3A_465 : vector<16xi1>, vector<16xf32>
    %get3A_475 = arith.constant 6 : i32
    %get3A_476 = arith.index_cast %get3A_475 : i32 to index
    %get3A_477 = arith.constant 32 : index
    %get3A_478 = tpu.vector_load %arg7[%get3A_476, %get3A_477] {strides = array<i32>} : memref<8x64xf32, #tpu.memory_space<vmem>>, vector<16xf32>,
    %gt3A_479 = arith.cmpf ogt, %get3A_478, %select_n3A_474 : vector<16xf32>
    %broadcast_in_dim3A_480 = arith.constant 6 : i32
    %broadcast_in_dim3A_481 = vector.broadcast %broadcast_in_dim3A_480 : i32 to vector<16xi32>
    %select_n3A_482 = arith.select %gt3A_479, %broadcast_in_dim3A_481, %select_n3A_473 : vector<16xi1>, vector<16xi32>
    %select_n3A_483 = arith.select %gt3A_479, %get3A_478, %select_n3A_474 : vector<16xi1>, vector<16xf32>
    %get3A_484 = arith.constant 7 : i32
    %get3A_485 = arith.index_cast %get3A_484 : i32 to index
    %get3A_486 = arith.constant 32 : index
    %get3A_487 = tpu.vector_load %arg7[%get3A_485, %get3A_486] {strides = array<i32>} : memref<8x64xf32, #tpu.memory_space<vmem>>, vector<16xf32>,
    %gt3A_488 = arith.cmpf ogt, %get3A_487, %select_n3A_483 : vector<16xf32>
    %broadcast_in_dim3A_489 = arith.constant 7 : i32
    %broadcast_in_dim3A_490 = vector.broadcast %broadcast_in_dim3A_489 : i32 to vector<16xi32>
    %select_n3A_491 = arith.select %gt3A_488, %broadcast_in_dim3A_490, %select_n3A_482 : vector<16xi1>, vector<16xi32>
    %select_n3A_492 = arith.select %gt3A_488, %get3A_487, %select_n3A_483 : vector<16xi1>, vector<16xf32>
    %gather3A_493 = tpu.vector_load_idx %arg12[%select_n3A_491] : memref<16xi32, #tpu.memory_space<vmem>>[vector<16xi32>], vector<16xi32>,
    %broadcast_in_dim3A_494 = arith.constant 0 : i32
    %broadcast_in_dim3A_495 = vector.broadcast %broadcast_in_dim3A_494 : i32 to vector<16xi32>
    %eq3A_496 = arith.cmpi eq, %select_n3A_491, %broadcast_in_dim3A_495 : vector<16xi32>
    %convert_element_type3A_497 = arith.extui %eq3A_496 : vector<16xi1> to vector<16xi32>
    %broadcast_in_dim3A_498 = arith.constant true
    %broadcast_in_dim3A_499 = vector.broadcast %broadcast_in_dim3A_498 : i1 to vector<16xi1>
    %masked_cumsum3A_500 = tpu.scan <sum>, %convert_element_type3A_497 masked %broadcast_in_dim3A_499 : vector<16xi32>, vector<16xi1> -> vector<16xi32>
    %sub3A_501 = arith.subi %masked_cumsum3A_500, %convert_element_type3A_497 : vector<16xi32>
    %mul3A_502 = arith.muli %convert_element_type3A_497, %sub3A_501 : vector<16xi32>
    %add3A_503 = arith.addi %broadcast_in_dim3A_9, %mul3A_502 : vector<16xi32>
    %broadcast_in_dim3A_504 = arith.constant 1 : i32
    %broadcast_in_dim3A_505 = vector.broadcast %broadcast_in_dim3A_504 : i32 to vector<16xi32>
    %eq3A_506 = arith.cmpi eq, %select_n3A_491, %broadcast_in_dim3A_505 : vector<16xi32>
    %convert_element_type3A_507 = arith.extui %eq3A_506 : vector<16xi1> to vector<16xi32>
    %broadcast_in_dim3A_508 = arith.constant true
    %broadcast_in_dim3A_509 = vector.broadcast %broadcast_in_dim3A_508 : i1 to vector<16xi1>
    %masked_cumsum3A_510 = tpu.scan <sum>, %convert_element_type3A_507 masked %broadcast_in_dim3A_509 : vector<16xi32>, vector<16xi1> -> vector<16xi32>
    %sub3A_511 = arith.subi %masked_cumsum3A_510, %convert_element_type3A_507 : vector<16xi32>
    %mul3A_512 = arith.muli %convert_element_type3A_507, %sub3A_511 : vector<16xi32>
    %add3A_513 = arith.addi %add3A_503, %mul3A_512 : vector<16xi32>
    %broadcast_in_dim3A_514 = arith.constant 2 : i32
    %broadcast_in_dim3A_515 = vector.broadcast %broadcast_in_dim3A_514 : i32 to vector<16xi32>
    %eq3A_516 = arith.cmpi eq, %select_n3A_491, %broadcast_in_dim3A_515 : vector<16xi32>
    %convert_element_type3A_517 = arith.extui %eq3A_516 : vector<16xi1> to vector<16xi32>
    %broadcast_in_dim3A_518 = arith.constant true
    %broadcast_in_dim3A_519 = vector.broadcast %broadcast_in_dim3A_518 : i1 to vector<16xi1>
    %masked_cumsum3A_520 = tpu.scan <sum>, %convert_element_type3A_517 masked %broadcast_in_dim3A_519 : vector<16xi32>, vector<16xi1> -> vector<16xi32>
    %sub3A_521 = arith.subi %masked_cumsum3A_520, %convert_element_type3A_517 : vector<16xi32>
    %mul3A_522 = arith.muli %convert_element_type3A_517, %sub3A_521 : vector<16xi32>
    %add3A_523 = arith.addi %add3A_513, %mul3A_522 : vector<16xi32>
    %broadcast_in_dim3A_524 = arith.constant 3 : i32
    %broadcast_in_dim3A_525 = vector.broadcast %broadcast_in_dim3A_524 : i32 to vector<16xi32>
    %eq3A_526 = arith.cmpi eq, %select_n3A_491, %broadcast_in_dim3A_525 : vector<16xi32>
    %convert_element_type3A_527 = arith.extui %eq3A_526 : vector<16xi1> to vector<16xi32>
    %broadcast_in_dim3A_528 = arith.constant true
    %broadcast_in_dim3A_529 = vector.broadcast %broadcast_in_dim3A_528 : i1 to vector<16xi1>
    %masked_cumsum3A_530 = tpu.scan <sum>, %convert_element_type3A_527 masked %broadcast_in_dim3A_529 : vector<16xi32>, vector<16xi1> -> vector<16xi32>
    %sub3A_531 = arith.subi %masked_cumsum3A_530, %convert_element_type3A_527 : vector<16xi32>
    %mul3A_532 = arith.muli %convert_element_type3A_527, %sub3A_531 : vector<16xi32>
    %add3A_533 = arith.addi %add3A_523, %mul3A_532 : vector<16xi32>
    %broadcast_in_dim3A_534 = arith.constant 4 : i32
    %broadcast_in_dim3A_535 = vector.broadcast %broadcast_in_dim3A_534 : i32 to vector<16xi32>
    %eq3A_536 = arith.cmpi eq, %select_n3A_491, %broadcast_in_dim3A_535 : vector<16xi32>
    %convert_element_type3A_537 = arith.extui %eq3A_536 : vector<16xi1> to vector<16xi32>
    %broadcast_in_dim3A_538 = arith.constant true
    %broadcast_in_dim3A_539 = vector.broadcast %broadcast_in_dim3A_538 : i1 to vector<16xi1>
    %masked_cumsum3A_540 = tpu.scan <sum>, %convert_element_type3A_537 masked %broadcast_in_dim3A_539 : vector<16xi32>, vector<16xi1> -> vector<16xi32>
    %sub3A_541 = arith.subi %masked_cumsum3A_540, %convert_element_type3A_537 : vector<16xi32>
    %mul3A_542 = arith.muli %convert_element_type3A_537, %sub3A_541 : vector<16xi32>
    %add3A_543 = arith.addi %add3A_533, %mul3A_542 : vector<16xi32>
    %broadcast_in_dim3A_544 = arith.constant 5 : i32
    %broadcast_in_dim3A_545 = vector.broadcast %broadcast_in_dim3A_544 : i32 to vector<16xi32>
    %eq3A_546 = arith.cmpi eq, %select_n3A_491, %broadcast_in_dim3A_545 : vector<16xi32>
    %convert_element_type3A_547 = arith.extui %eq3A_546 : vector<16xi1> to vector<16xi32>
    %broadcast_in_dim3A_548 = arith.constant true
    %broadcast_in_dim3A_549 = vector.broadcast %broadcast_in_dim3A_548 : i1 to vector<16xi1>
    %masked_cumsum3A_550 = tpu.scan <sum>, %convert_element_type3A_547 masked %broadcast_in_dim3A_549 : vector<16xi32>, vector<16xi1> -> vector<16xi32>
    %sub3A_551 = arith.subi %masked_cumsum3A_550, %convert_element_type3A_547 : vector<16xi32>
    %mul3A_552 = arith.muli %convert_element_type3A_547, %sub3A_551 : vector<16xi32>
    %add3A_553 = arith.addi %add3A_543, %mul3A_552 : vector<16xi32>
    %broadcast_in_dim3A_554 = arith.constant 6 : i32
    %broadcast_in_dim3A_555 = vector.broadcast %broadcast_in_dim3A_554 : i32 to vector<16xi32>
    %eq3A_556 = arith.cmpi eq, %select_n3A_491, %broadcast_in_dim3A_555 : vector<16xi32>
    %convert_element_type3A_557 = arith.extui %eq3A_556 : vector<16xi1> to vector<16xi32>
    %broadcast_in_dim3A_558 = arith.constant true
    %broadcast_in_dim3A_559 = vector.broadcast %broadcast_in_dim3A_558 : i1 to vector<16xi1>
    %masked_cumsum3A_560 = tpu.scan <sum>, %convert_element_type3A_557 masked %broadcast_in_dim3A_559 : vector<16xi32>, vector<16xi1> -> vector<16xi32>
    %sub3A_561 = arith.subi %masked_cumsum3A_560, %convert_element_type3A_557 : vector<16xi32>
    %mul3A_562 = arith.muli %convert_element_type3A_557, %sub3A_561 : vector<16xi32>
    %add3A_563 = arith.addi %add3A_553, %mul3A_562 : vector<16xi32>
    %broadcast_in_dim3A_564 = arith.constant 7 : i32
    %broadcast_in_dim3A_565 = vector.broadcast %broadcast_in_dim3A_564 : i32 to vector<16xi32>
    %eq3A_566 = arith.cmpi eq, %select_n3A_491, %broadcast_in_dim3A_565 : vector<16xi32>
    %convert_element_type3A_567 = arith.extui %eq3A_566 : vector<16xi1> to vector<16xi32>
    %broadcast_in_dim3A_568 = arith.constant true
    %broadcast_in_dim3A_569 = vector.broadcast %broadcast_in_dim3A_568 : i1 to vector<16xi1>
    %masked_cumsum3A_570 = tpu.scan <sum>, %convert_element_type3A_567 masked %broadcast_in_dim3A_569 : vector<16xi32>, vector<16xi1> -> vector<16xi32>
    %sub3A_571 = arith.subi %masked_cumsum3A_570, %convert_element_type3A_567 : vector<16xi32>
    %mul3A_572 = arith.muli %convert_element_type3A_567, %sub3A_571 : vector<16xi32>
    %add3A_573 = arith.addi %add3A_563, %mul3A_572 : vector<16xi32>
    tpu.vector_store_idx %arg12[%select_n3A_491], %broadcast_in_dim3A_11 {add = true} : memref<16xi32, #tpu.memory_space<vmem>>[vector<16xi32>], vector<16xi32>,
    %swap3A_574 = arith.constant 32 : index
    %swap3A_575 = tpu.vector_load %arg9[%swap3A_574] {strides = array<i32>} : memref<64xi32, #tpu.memory_space<vmem>>, vector<16xi32>,
    tpu.vector_store %arg9[%swap3A_574], %select_n3A_491 {strides = array<i32>} : memref<64xi32, #tpu.memory_space<vmem>>, vector<16xi32>,
    %add3A_576 = arith.addi %gather3A_493, %add3A_573 : vector<16xi32>
    %swap3A_577 = arith.constant 32 : index
    %swap3A_578 = tpu.vector_load %arg10[%swap3A_577] {strides = array<i32>} : memref<64xi32, #tpu.memory_space<vmem>>, vector<16xi32>,
    tpu.vector_store %arg10[%swap3A_577], %add3A_576 {strides = array<i32>} : memref<64xi32, #tpu.memory_space<vmem>>, vector<16xi32>,
    %get3A_579 = arith.constant 0 : i32
    %get3A_580 = arith.index_cast %get3A_579 : i32 to index
    %get3A_581 = arith.constant 48 : index
    %get3A_582 = tpu.vector_load %arg7[%get3A_580, %get3A_581] {strides = array<i32>} : memref<8x64xf32, #tpu.memory_space<vmem>>, vector<16xf32>,
    %get3A_583 = arith.constant 1 : i32
    %get3A_584 = arith.index_cast %get3A_583 : i32 to index
    %get3A_585 = arith.constant 48 : index
    %get3A_586 = tpu.vector_load %arg7[%get3A_584, %get3A_585] {strides = array<i32>} : memref<8x64xf32, #tpu.memory_space<vmem>>, vector<16xf32>,
    %gt3A_587 = arith.cmpf ogt, %get3A_586, %get3A_582 : vector<16xf32>
    %broadcast_in_dim3A_588 = arith.constant 1 : i32
    %broadcast_in_dim3A_589 = vector.broadcast %broadcast_in_dim3A_588 : i32 to vector<16xi32>
    %select_n3A_590 = arith.select %gt3A_587, %broadcast_in_dim3A_589, %broadcast_in_dim3A_9 : vector<16xi1>, vector<16xi32>
    %select_n3A_591 = arith.select %gt3A_587, %get3A_586, %get3A_582 : vector<16xi1>, vector<16xf32>
    %get3A_592 = arith.constant 2 : i32
    %get3A_593 = arith.index_cast %get3A_592 : i32 to index
    %get3A_594 = arith.constant 48 : index
    %get3A_595 = tpu.vector_load %arg7[%get3A_593, %get3A_594] {strides = array<i32>} : memref<8x64xf32, #tpu.memory_space<vmem>>, vector<16xf32>,
    %gt3A_596 = arith.cmpf ogt, %get3A_595, %select_n3A_591 : vector<16xf32>
    %broadcast_in_dim3A_597 = arith.constant 2 : i32
    %broadcast_in_dim3A_598 = vector.broadcast %broadcast_in_dim3A_597 : i32 to vector<16xi32>
    %select_n3A_599 = arith.select %gt3A_596, %broadcast_in_dim3A_598, %select_n3A_590 : vector<16xi1>, vector<16xi32>
    %select_n3A_600 = arith.select %gt3A_596, %get3A_595, %select_n3A_591 : vector<16xi1>, vector<16xf32>
    %get3A_601 = arith.constant 3 : i32
    %get3A_602 = arith.index_cast %get3A_601 : i32 to index
    %get3A_603 = arith.constant 48 : index
    %get3A_604 = tpu.vector_load %arg7[%get3A_602, %get3A_603] {strides = array<i32>} : memref<8x64xf32, #tpu.memory_space<vmem>>, vector<16xf32>,
    %gt3A_605 = arith.cmpf ogt, %get3A_604, %select_n3A_600 : vector<16xf32>
    %broadcast_in_dim3A_606 = arith.constant 3 : i32
    %broadcast_in_dim3A_607 = vector.broadcast %broadcast_in_dim3A_606 : i32 to vector<16xi32>
    %select_n3A_608 = arith.select %gt3A_605, %broadcast_in_dim3A_607, %select_n3A_599 : vector<16xi1>, vector<16xi32>
    %select_n3A_609 = arith.select %gt3A_605, %get3A_604, %select_n3A_600 : vector<16xi1>, vector<16xf32>
    %get3A_610 = arith.constant 4 : i32
    %get3A_611 = arith.index_cast %get3A_610 : i32 to index
    %get3A_612 = arith.constant 48 : index
    %get3A_613 = tpu.vector_load %arg7[%get3A_611, %get3A_612] {strides = array<i32>} : memref<8x64xf32, #tpu.memory_space<vmem>>, vector<16xf32>,
    %gt3A_614 = arith.cmpf ogt, %get3A_613, %select_n3A_609 : vector<16xf32>
    %broadcast_in_dim3A_615 = arith.constant 4 : i32
    %broadcast_in_dim3A_616 = vector.broadcast %broadcast_in_dim3A_615 : i32 to vector<16xi32>
    %select_n3A_617 = arith.select %gt3A_614, %broadcast_in_dim3A_616, %select_n3A_608 : vector<16xi1>, vector<16xi32>
    %select_n3A_618 = arith.select %gt3A_614, %get3A_613, %select_n3A_609 : vector<16xi1>, vector<16xf32>
    %get3A_619 = arith.constant 5 : i32
    %get3A_620 = arith.index_cast %get3A_619 : i32 to index
    %get3A_621 = arith.constant 48 : index
    %get3A_622 = tpu.vector_load %arg7[%get3A_620, %get3A_621] {strides = array<i32>} : memref<8x64xf32, #tpu.memory_space<vmem>>, vector<16xf32>,
    %gt3A_623 = arith.cmpf ogt, %get3A_622, %select_n3A_618 : vector<16xf32>
    %broadcast_in_dim3A_624 = arith.constant 5 : i32
    %broadcast_in_dim3A_625 = vector.broadcast %broadcast_in_dim3A_624 : i32 to vector<16xi32>
    %select_n3A_626 = arith.select %gt3A_623, %broadcast_in_dim3A_625, %select_n3A_617 : vector<16xi1>, vector<16xi32>
    %select_n3A_627 = arith.select %gt3A_623, %get3A_622, %select_n3A_618 : vector<16xi1>, vector<16xf32>
    %get3A_628 = arith.constant 6 : i32
    %get3A_629 = arith.index_cast %get3A_628 : i32 to index
    %get3A_630 = arith.constant 48 : index
    %get3A_631 = tpu.vector_load %arg7[%get3A_629, %get3A_630] {strides = array<i32>} : memref<8x64xf32, #tpu.memory_space<vmem>>, vector<16xf32>,
    %gt3A_632 = arith.cmpf ogt, %get3A_631, %select_n3A_627 : vector<16xf32>
    %broadcast_in_dim3A_633 = arith.constant 6 : i32
    %broadcast_in_dim3A_634 = vector.broadcast %broadcast_in_dim3A_633 : i32 to vector<16xi32>
    %select_n3A_635 = arith.select %gt3A_632, %broadcast_in_dim3A_634, %select_n3A_626 : vector<16xi1>, vector<16xi32>
    %select_n3A_636 = arith.select %gt3A_632, %get3A_631, %select_n3A_627 : vector<16xi1>, vector<16xf32>
    %get3A_637 = arith.constant 7 : i32
    %get3A_638 = arith.index_cast %get3A_637 : i32 to index
    %get3A_639 = arith.constant 48 : index
    %get3A_640 = tpu.vector_load %arg7[%get3A_638, %get3A_639] {strides = array<i32>} : memref<8x64xf32, #tpu.memory_space<vmem>>, vector<16xf32>,
    %gt3A_641 = arith.cmpf ogt, %get3A_640, %select_n3A_636 : vector<16xf32>
    %broadcast_in_dim3A_642 = arith.constant 7 : i32
    %broadcast_in_dim3A_643 = vector.broadcast %broadcast_in_dim3A_642 : i32 to vector<16xi32>
    %select_n3A_644 = arith.select %gt3A_641, %broadcast_in_dim3A_643, %select_n3A_635 : vector<16xi1>, vector<16xi32>
    %select_n3A_645 = arith.select %gt3A_641, %get3A_640, %select_n3A_636 : vector<16xi1>, vector<16xf32>
    %gather3A_646 = tpu.vector_load_idx %arg12[%select_n3A_644] : memref<16xi32, #tpu.memory_space<vmem>>[vector<16xi32>], vector<16xi32>,
    %broadcast_in_dim3A_647 = arith.constant 0 : i32
    %broadcast_in_dim3A_648 = vector.broadcast %broadcast_in_dim3A_647 : i32 to vector<16xi32>
    %eq3A_649 = arith.cmpi eq, %select_n3A_644, %broadcast_in_dim3A_648 : vector<16xi32>
    %convert_element_type3A_650 = arith.extui %eq3A_649 : vector<16xi1> to vector<16xi32>
    %broadcast_in_dim3A_651 = arith.constant true
    %broadcast_in_dim3A_652 = vector.broadcast %broadcast_in_dim3A_651 : i1 to vector<16xi1>
    %masked_cumsum3A_653 = tpu.scan <sum>, %convert_element_type3A_650 masked %broadcast_in_dim3A_652 : vector<16xi32>, vector<16xi1> -> vector<16xi32>
    %sub3A_654 = arith.subi %masked_cumsum3A_653, %convert_element_type3A_650 : vector<16xi32>
    %mul3A_655 = arith.muli %convert_element_type3A_650, %sub3A_654 : vector<16xi32>
    %add3A_656 = arith.addi %broadcast_in_dim3A_9, %mul3A_655 : vector<16xi32>
    %broadcast_in_dim3A_657 = arith.constant 1 : i32
    %broadcast_in_dim3A_658 = vector.broadcast %broadcast_in_dim3A_657 : i32 to vector<16xi32>
    %eq3A_659 = arith.cmpi eq, %select_n3A_644, %broadcast_in_dim3A_658 : vector<16xi32>
    %convert_element_type3A_660 = arith.extui %eq3A_659 : vector<16xi1> to vector<16xi32>
    %broadcast_in_dim3A_661 = arith.constant true
    %broadcast_in_dim3A_662 = vector.broadcast %broadcast_in_dim3A_661 : i1 to vector<16xi1>
    %masked_cumsum3A_663 = tpu.scan <sum>, %convert_element_type3A_660 masked %broadcast_in_dim3A_662 : vector<16xi32>, vector<16xi1> -> vector<16xi32>
    %sub3A_664 = arith.subi %masked_cumsum3A_663, %convert_element_type3A_660 : vector<16xi32>
    %mul3A_665 = arith.muli %convert_element_type3A_660, %sub3A_664 : vector<16xi32>
    %add3A_666 = arith.addi %add3A_656, %mul3A_665 : vector<16xi32>
    %broadcast_in_dim3A_667 = arith.constant 2 : i32
    %broadcast_in_dim3A_668 = vector.broadcast %broadcast_in_dim3A_667 : i32 to vector<16xi32>
    %eq3A_669 = arith.cmpi eq, %select_n3A_644, %broadcast_in_dim3A_668 : vector<16xi32>
    %convert_element_type3A_670 = arith.extui %eq3A_669 : vector<16xi1> to vector<16xi32>
    %broadcast_in_dim3A_671 = arith.constant true
    %broadcast_in_dim3A_672 = vector.broadcast %broadcast_in_dim3A_671 : i1 to vector<16xi1>
    %masked_cumsum3A_673 = tpu.scan <sum>, %convert_element_type3A_670 masked %broadcast_in_dim3A_672 : vector<16xi32>, vector<16xi1> -> vector<16xi32>
    %sub3A_674 = arith.subi %masked_cumsum3A_673, %convert_element_type3A_670 : vector<16xi32>
    %mul3A_675 = arith.muli %convert_element_type3A_670, %sub3A_674 : vector<16xi32>
    %add3A_676 = arith.addi %add3A_666, %mul3A_675 : vector<16xi32>
    %broadcast_in_dim3A_677 = arith.constant 3 : i32
    %broadcast_in_dim3A_678 = vector.broadcast %broadcast_in_dim3A_677 : i32 to vector<16xi32>
    %eq3A_679 = arith.cmpi eq, %select_n3A_644, %broadcast_in_dim3A_678 : vector<16xi32>
    %convert_element_type3A_680 = arith.extui %eq3A_679 : vector<16xi1> to vector<16xi32>
    %broadcast_in_dim3A_681 = arith.constant true
    %broadcast_in_dim3A_682 = vector.broadcast %broadcast_in_dim3A_681 : i1 to vector<16xi1>
    %masked_cumsum3A_683 = tpu.scan <sum>, %convert_element_type3A_680 masked %broadcast_in_dim3A_682 : vector<16xi32>, vector<16xi1> -> vector<16xi32>
    %sub3A_684 = arith.subi %masked_cumsum3A_683, %convert_element_type3A_680 : vector<16xi32>
    %mul3A_685 = arith.muli %convert_element_type3A_680, %sub3A_684 : vector<16xi32>
    %add3A_686 = arith.addi %add3A_676, %mul3A_685 : vector<16xi32>
    %broadcast_in_dim3A_687 = arith.constant 4 : i32
    %broadcast_in_dim3A_688 = vector.broadcast %broadcast_in_dim3A_687 : i32 to vector<16xi32>
    %eq3A_689 = arith.cmpi eq, %select_n3A_644, %broadcast_in_dim3A_688 : vector<16xi32>
    %convert_element_type3A_690 = arith.extui %eq3A_689 : vector<16xi1> to vector<16xi32>
    %broadcast_in_dim3A_691 = arith.constant true
    %broadcast_in_dim3A_692 = vector.broadcast %broadcast_in_dim3A_691 : i1 to vector<16xi1>
    %masked_cumsum3A_693 = tpu.scan <sum>, %convert_element_type3A_690 masked %broadcast_in_dim3A_692 : vector<16xi32>, vector<16xi1> -> vector<16xi32>
    %sub3A_694 = arith.subi %masked_cumsum3A_693, %convert_element_type3A_690 : vector<16xi32>
    %mul3A_695 = arith.muli %convert_element_type3A_690, %sub3A_694 : vector<16xi32>
    %add3A_696 = arith.addi %add3A_686, %mul3A_695 : vector<16xi32>
    %broadcast_in_dim3A_697 = arith.constant 5 : i32
    %broadcast_in_dim3A_698 = vector.broadcast %broadcast_in_dim3A_697 : i32 to vector<16xi32>
    %eq3A_699 = arith.cmpi eq, %select_n3A_644, %broadcast_in_dim3A_698 : vector<16xi32>
    %convert_element_type3A_700 = arith.extui %eq3A_699 : vector<16xi1> to vector<16xi32>
    %broadcast_in_dim3A_701 = arith.constant true
    %broadcast_in_dim3A_702 = vector.broadcast %broadcast_in_dim3A_701 : i1 to vector<16xi1>
    %masked_cumsum3A_703 = tpu.scan <sum>, %convert_element_type3A_700 masked %broadcast_in_dim3A_702 : vector<16xi32>, vector<16xi1> -> vector<16xi32>
    %sub3A_704 = arith.subi %masked_cumsum3A_703, %convert_element_type3A_700 : vector<16xi32>
    %mul3A_705 = arith.muli %convert_element_type3A_700, %sub3A_704 : vector<16xi32>
    %add3A_706 = arith.addi %add3A_696, %mul3A_705 : vector<16xi32>
    %broadcast_in_dim3A_707 = arith.constant 6 : i32
    %broadcast_in_dim3A_708 = vector.broadcast %broadcast_in_dim3A_707 : i32 to vector<16xi32>
    %eq3A_709 = arith.cmpi eq, %select_n3A_644, %broadcast_in_dim3A_708 : vector<16xi32>
    %convert_element_type3A_710 = arith.extui %eq3A_709 : vector<16xi1> to vector<16xi32>
    %broadcast_in_dim3A_711 = arith.constant true
    %broadcast_in_dim3A_712 = vector.broadcast %broadcast_in_dim3A_711 : i1 to vector<16xi1>
    %masked_cumsum3A_713 = tpu.scan <sum>, %convert_element_type3A_710 masked %broadcast_in_dim3A_712 : vector<16xi32>, vector<16xi1> -> vector<16xi32>
    %sub3A_714 = arith.subi %masked_cumsum3A_713, %convert_element_type3A_710 : vector<16xi32>
    %mul3A_715 = arith.muli %convert_element_type3A_710, %sub3A_714 : vector<16xi32>
    %add3A_716 = arith.addi %add3A_706, %mul3A_715 : vector<16xi32>
    %broadcast_in_dim3A_717 = arith.constant 7 : i32
    %broadcast_in_dim3A_718 = vector.broadcast %broadcast_in_dim3A_717 : i32 to vector<16xi32>
    %eq3A_719 = arith.cmpi eq, %select_n3A_644, %broadcast_in_dim3A_718 : vector<16xi32>
    %convert_element_type3A_720 = arith.extui %eq3A_719 : vector<16xi1> to vector<16xi32>
    %broadcast_in_dim3A_721 = arith.constant true
    %broadcast_in_dim3A_722 = vector.broadcast %broadcast_in_dim3A_721 : i1 to vector<16xi1>
    %masked_cumsum3A_723 = tpu.scan <sum>, %convert_element_type3A_720 masked %broadcast_in_dim3A_722 : vector<16xi32>, vector<16xi1> -> vector<16xi32>
    %sub3A_724 = arith.subi %masked_cumsum3A_723, %convert_element_type3A_720 : vector<16xi32>
    %mul3A_725 = arith.muli %convert_element_type3A_720, %sub3A_724 : vector<16xi32>
    %add3A_726 = arith.addi %add3A_716, %mul3A_725 : vector<16xi32>
    tpu.vector_store_idx %arg12[%select_n3A_644], %broadcast_in_dim3A_11 {add = true} : memref<16xi32, #tpu.memory_space<vmem>>[vector<16xi32>], vector<16xi32>,
    %swap3A_727 = arith.constant 48 : index
    %swap3A_728 = tpu.vector_load %arg9[%swap3A_727] {strides = array<i32>} : memref<64xi32, #tpu.memory_space<vmem>>, vector<16xi32>,
    tpu.vector_store %arg9[%swap3A_727], %select_n3A_644 {strides = array<i32>} : memref<64xi32, #tpu.memory_space<vmem>>, vector<16xi32>,
    %add3A_729 = arith.addi %gather3A_646, %add3A_726 : vector<16xi32>
    %swap3A_730 = arith.constant 48 : index
    %swap3A_731 = tpu.vector_load %arg10[%swap3A_730] {strides = array<i32>} : memref<64xi32, #tpu.memory_space<vmem>>, vector<16xi32>,
    tpu.vector_store %arg10[%swap3A_730], %add3A_729 {strides = array<i32>} : memref<64xi32, #tpu.memory_space<vmem>>, vector<16xi32>,
    %dma_wait3A = arith.constant 0 : i32
    %dma_wait3A_732 = arith.constant 0 : i32
    %dma_wait3A_733 = arith.constant 0 : i32
    %dma_wait3A_734 = tpu.memref_slice %arg8[%dma_wait3A_732, %dma_wait3A_733] : memref<8x64xf32, #tpu.memory_space<vmem>> -> memref<1x64xf32, #tpu.memory_space<vmem>>
    %dma_wait3A_735 = tpu.memref_squeeze %dma_wait3A_734 : memref<1x64xf32, #tpu.memory_space<vmem>> -> memref<64xf32, #tpu.memory_space<vmem>>
    %dma_wait3A_736 = tpu.memref_slice %arg2[%dma_wait3A, %mul3A_8] : memref<8x2048xf32, #tpu.memory_space<hbm>> -> memref<1x64xf32, #tpu.memory_space<hbm>>
    %dma_wait3A_737 = tpu.memref_squeeze %dma_wait3A_736 : memref<1x64xf32, #tpu.memory_space<hbm>> -> memref<64xf32, #tpu.memory_space<hbm>>
    %dma_wait3A_738 = arith.constant 0 : i32
    %dma_wait3A_739 = tpu.memref_slice %arg8[%dma_wait3A_732, %dma_wait3A_738] : memref<8x64xf32, #tpu.memory_space<vmem>> -> memref<1x64xf32, #tpu.memory_space<vmem>>
    %dma_wait3A_740 = tpu.memref_squeeze %dma_wait3A_739 : memref<1x64xf32, #tpu.memory_space<vmem>> -> memref<64xf32, #tpu.memory_space<vmem>>
    %dma_wait3A_741 = tpu.memref_slice %arg2[%dma_wait3A, %mul3A_8] : memref<8x2048xf32, #tpu.memory_space<hbm>> -> memref<1x64xf32, #tpu.memory_space<hbm>>
    %dma_wait3A_742 = tpu.memref_squeeze %dma_wait3A_741 : memref<1x64xf32, #tpu.memory_space<hbm>> -> memref<64xf32, #tpu.memory_space<hbm>>
    tpu.wait_dma2 semaphore(%arg22 : memref<!tpu.dma_semaphore, #tpu.memory_space<semaphore_mem>>) src(%dma_wait3A_742 : memref<64xf32, #tpu.memory_space<hbm>>) dst(%dma_wait3A_740 : memref<64xf32, #tpu.memory_space<vmem>>)
    %dma_wait3A_743 = arith.constant 1 : i32
    %dma_wait3A_744 = arith.constant 1 : i32
    %dma_wait3A_745 = arith.constant 0 : i32
    %dma_wait3A_746 = tpu.memref_slice %arg8[%dma_wait3A_744, %dma_wait3A_745] : memref<8x64xf32, #tpu.memory_space<vmem>> -> memref<1x64xf32, #tpu.memory_space<vmem>>
    %dma_wait3A_747 = tpu.memref_squeeze %dma_wait3A_746 : memref<1x64xf32, #tpu.memory_space<vmem>> -> memref<64xf32, #tpu.memory_space<vmem>>
    %dma_wait3A_748 = tpu.memref_slice %arg2[%dma_wait3A_743, %mul3A_8] : memref<8x2048xf32, #tpu.memory_space<hbm>> -> memref<1x64xf32, #tpu.memory_space<hbm>>
    %dma_wait3A_749 = tpu.memref_squeeze %dma_wait3A_748 : memref<1x64xf32, #tpu.memory_space<hbm>> -> memref<64xf32, #tpu.memory_space<hbm>>
    %dma_wait3A_750 = arith.constant 0 : i32
    %dma_wait3A_751 = tpu.memref_slice %arg8[%dma_wait3A_744, %dma_wait3A_750] : memref<8x64xf32, #tpu.memory_space<vmem>> -> memref<1x64xf32, #tpu.memory_space<vmem>>
    %dma_wait3A_752 = tpu.memref_squeeze %dma_wait3A_751 : memref<1x64xf32, #tpu.memory_space<vmem>> -> memref<64xf32, #tpu.memory_space<vmem>>
    %dma_wait3A_753 = tpu.memref_slice %arg2[%dma_wait3A_743, %mul3A_8] : memref<8x2048xf32, #tpu.memory_space<hbm>> -> memref<1x64xf32, #tpu.memory_space<hbm>>
    %dma_wait3A_754 = tpu.memref_squeeze %dma_wait3A_753 : memref<1x64xf32, #tpu.memory_space<hbm>> -> memref<64xf32, #tpu.memory_space<hbm>>
    tpu.wait_dma2 semaphore(%arg22 : memref<!tpu.dma_semaphore, #tpu.memory_space<semaphore_mem>>) src(%dma_wait3A_754 : memref<64xf32, #tpu.memory_space<hbm>>) dst(%dma_wait3A_752 : memref<64xf32, #tpu.memory_space<vmem>>)
    %dma_wait3A_755 = arith.constant 2 : i32
    %dma_wait3A_756 = arith.constant 2 : i32
    %dma_wait3A_757 = arith.constant 0 : i32
    %dma_wait3A_758 = tpu.memref_slice %arg8[%dma_wait3A_756, %dma_wait3A_757] : memref<8x64xf32, #tpu.memory_space<vmem>> -> memref<1x64xf32, #tpu.memory_space<vmem>>
    %dma_wait3A_759 = tpu.memref_squeeze %dma_wait3A_758 : memref<1x64xf32, #tpu.memory_space<vmem>> -> memref<64xf32, #tpu.memory_space<vmem>>
    %dma_wait3A_760 = tpu.memref_slice %arg2[%dma_wait3A_755, %mul3A_8] : memref<8x2048xf32, #tpu.memory_space<hbm>> -> memref<1x64xf32, #tpu.memory_space<hbm>>
    %dma_wait3A_761 = tpu.memref_squeeze %dma_wait3A_760 : memref<1x64xf32, #tpu.memory_space<hbm>> -> memref<64xf32, #tpu.memory_space<hbm>>
    %dma_wait3A_762 = arith.constant 0 : i32
    %dma_wait3A_763 = tpu.memref_slice %arg8[%dma_wait3A_756, %dma_wait3A_762] : memref<8x64xf32, #tpu.memory_space<vmem>> -> memref<1x64xf32, #tpu.memory_space<vmem>>
    %dma_wait3A_764 = tpu.memref_squeeze %dma_wait3A_763 : memref<1x64xf32, #tpu.memory_space<vmem>> -> memref<64xf32, #tpu.memory_space<vmem>>
    %dma_wait3A_765 = tpu.memref_slice %arg2[%dma_wait3A_755, %mul3A_8] : memref<8x2048xf32, #tpu.memory_space<hbm>> -> memref<1x64xf32, #tpu.memory_space<hbm>>
    %dma_wait3A_766 = tpu.memref_squeeze %dma_wait3A_765 : memref<1x64xf32, #tpu.memory_space<hbm>> -> memref<64xf32, #tpu.memory_space<hbm>>
    tpu.wait_dma2 semaphore(%arg22 : memref<!tpu.dma_semaphore, #tpu.memory_space<semaphore_mem>>) src(%dma_wait3A_766 : memref<64xf32, #tpu.memory_space<hbm>>) dst(%dma_wait3A_764 : memref<64xf32, #tpu.memory_space<vmem>>)
    %dma_wait3A_767 = arith.constant 3 : i32
    %dma_wait3A_768 = arith.constant 3 : i32
    %dma_wait3A_769 = arith.constant 0 : i32
    %dma_wait3A_770 = tpu.memref_slice %arg8[%dma_wait3A_768, %dma_wait3A_769] : memref<8x64xf32, #tpu.memory_space<vmem>> -> memref<1x64xf32, #tpu.memory_space<vmem>>
    %dma_wait3A_771 = tpu.memref_squeeze %dma_wait3A_770 : memref<1x64xf32, #tpu.memory_space<vmem>> -> memref<64xf32, #tpu.memory_space<vmem>>
    %dma_wait3A_772 = tpu.memref_slice %arg2[%dma_wait3A_767, %mul3A_8] : memref<8x2048xf32, #tpu.memory_space<hbm>> -> memref<1x64xf32, #tpu.memory_space<hbm>>
    %dma_wait3A_773 = tpu.memref_squeeze %dma_wait3A_772 : memref<1x64xf32, #tpu.memory_space<hbm>> -> memref<64xf32, #tpu.memory_space<hbm>>
    %dma_wait3A_774 = arith.constant 0 : i32
    %dma_wait3A_775 = tpu.memref_slice %arg8[%dma_wait3A_768, %dma_wait3A_774] : memref<8x64xf32, #tpu.memory_space<vmem>> -> memref<1x64xf32, #tpu.memory_space<vmem>>
    %dma_wait3A_776 = tpu.memref_squeeze %dma_wait3A_775 : memref<1x64xf32, #tpu.memory_space<vmem>> -> memref<64xf32, #tpu.memory_space<vmem>>
    %dma_wait3A_777 = tpu.memref_slice %arg2[%dma_wait3A_767, %mul3A_8] : memref<8x2048xf32, #tpu.memory_space<hbm>> -> memref<1x64xf32, #tpu.memory_space<hbm>>
    %dma_wait3A_778 = tpu.memref_squeeze %dma_wait3A_777 : memref<1x64xf32, #tpu.memory_space<hbm>> -> memref<64xf32, #tpu.memory_space<hbm>>
    tpu.wait_dma2 semaphore(%arg22 : memref<!tpu.dma_semaphore, #tpu.memory_space<semaphore_mem>>) src(%dma_wait3A_778 : memref<64xf32, #tpu.memory_space<hbm>>) dst(%dma_wait3A_776 : memref<64xf32, #tpu.memory_space<vmem>>)
    %dma_wait3A_779 = arith.constant 4 : i32
    %dma_wait3A_780 = arith.constant 4 : i32
    %dma_wait3A_781 = arith.constant 0 : i32
    %dma_wait3A_782 = tpu.memref_slice %arg8[%dma_wait3A_780, %dma_wait3A_781] : memref<8x64xf32, #tpu.memory_space<vmem>> -> memref<1x64xf32, #tpu.memory_space<vmem>>
    %dma_wait3A_783 = tpu.memref_squeeze %dma_wait3A_782 : memref<1x64xf32, #tpu.memory_space<vmem>> -> memref<64xf32, #tpu.memory_space<vmem>>
    %dma_wait3A_784 = tpu.memref_slice %arg2[%dma_wait3A_779, %mul3A_8] : memref<8x2048xf32, #tpu.memory_space<hbm>> -> memref<1x64xf32, #tpu.memory_space<hbm>>
    %dma_wait3A_785 = tpu.memref_squeeze %dma_wait3A_784 : memref<1x64xf32, #tpu.memory_space<hbm>> -> memref<64xf32, #tpu.memory_space<hbm>>
    %dma_wait3A_786 = arith.constant 0 : i32
    %dma_wait3A_787 = tpu.memref_slice %arg8[%dma_wait3A_780, %dma_wait3A_786] : memref<8x64xf32, #tpu.memory_space<vmem>> -> memref<1x64xf32, #tpu.memory_space<vmem>>
    %dma_wait3A_788 = tpu.memref_squeeze %dma_wait3A_787 : memref<1x64xf32, #tpu.memory_space<vmem>> -> memref<64xf32, #tpu.memory_space<vmem>>
    %dma_wait3A_789 = tpu.memref_slice %arg2[%dma_wait3A_779, %mul3A_8] : memref<8x2048xf32, #tpu.memory_space<hbm>> -> memref<1x64xf32, #tpu.memory_space<hbm>>
    %dma_wait3A_790 = tpu.memref_squeeze %dma_wait3A_789 : memref<1x64xf32, #tpu.memory_space<hbm>> -> memref<64xf32, #tpu.memory_space<hbm>>
    tpu.wait_dma2 semaphore(%arg22 : memref<!tpu.dma_semaphore, #tpu.memory_space<semaphore_mem>>) src(%dma_wait3A_790 : memref<64xf32, #tpu.memory_space<hbm>>) dst(%dma_wait3A_788 : memref<64xf32, #tpu.memory_space<vmem>>)
    %dma_wait3A_791 = arith.constant 5 : i32
    %dma_wait3A_792 = arith.constant 5 : i32
    %dma_wait3A_793 = arith.constant 0 : i32
    %dma_wait3A_794 = tpu.memref_slice %arg8[%dma_wait3A_792, %dma_wait3A_793] : memref<8x64xf32, #tpu.memory_space<vmem>> -> memref<1x64xf32, #tpu.memory_space<vmem>>
    %dma_wait3A_795 = tpu.memref_squeeze %dma_wait3A_794 : memref<1x64xf32, #tpu.memory_space<vmem>> -> memref<64xf32, #tpu.memory_space<vmem>>
    %dma_wait3A_796 = tpu.memref_slice %arg2[%dma_wait3A_791, %mul3A_8] : memref<8x2048xf32, #tpu.memory_space<hbm>> -> memref<1x64xf32, #tpu.memory_space<hbm>>
    %dma_wait3A_797 = tpu.memref_squeeze %dma_wait3A_796 : memref<1x64xf32, #tpu.memory_space<hbm>> -> memref<64xf32, #tpu.memory_space<hbm>>
    %dma_wait3A_798 = arith.constant 0 : i32
    %dma_wait3A_799 = tpu.memref_slice %arg8[%dma_wait3A_792, %dma_wait3A_798] : memref<8x64xf32, #tpu.memory_space<vmem>> -> memref<1x64xf32, #tpu.memory_space<vmem>>
    %dma_wait3A_800 = tpu.memref_squeeze %dma_wait3A_799 : memref<1x64xf32, #tpu.memory_space<vmem>> -> memref<64xf32, #tpu.memory_space<vmem>>
    %dma_wait3A_801 = tpu.memref_slice %arg2[%dma_wait3A_791, %mul3A_8] : memref<8x2048xf32, #tpu.memory_space<hbm>> -> memref<1x64xf32, #tpu.memory_space<hbm>>
    %dma_wait3A_802 = tpu.memref_squeeze %dma_wait3A_801 : memref<1x64xf32, #tpu.memory_space<hbm>> -> memref<64xf32, #tpu.memory_space<hbm>>
    tpu.wait_dma2 semaphore(%arg22 : memref<!tpu.dma_semaphore, #tpu.memory_space<semaphore_mem>>) src(%dma_wait3A_802 : memref<64xf32, #tpu.memory_space<hbm>>) dst(%dma_wait3A_800 : memref<64xf32, #tpu.memory_space<vmem>>)
    %dma_wait3A_803 = arith.constant 6 : i32
    %dma_wait3A_804 = arith.constant 6 : i32
    %dma_wait3A_805 = arith.constant 0 : i32
    %dma_wait3A_806 = tpu.memref_slice %arg8[%dma_wait3A_804, %dma_wait3A_805] : memref<8x64xf32, #tpu.memory_space<vmem>> -> memref<1x64xf32, #tpu.memory_space<vmem>>
    %dma_wait3A_807 = tpu.memref_squeeze %dma_wait3A_806 : memref<1x64xf32, #tpu.memory_space<vmem>> -> memref<64xf32, #tpu.memory_space<vmem>>
    %dma_wait3A_808 = tpu.memref_slice %arg2[%dma_wait3A_803, %mul3A_8] : memref<8x2048xf32, #tpu.memory_space<hbm>> -> memref<1x64xf32, #tpu.memory_space<hbm>>
    %dma_wait3A_809 = tpu.memref_squeeze %dma_wait3A_808 : memref<1x64xf32, #tpu.memory_space<hbm>> -> memref<64xf32, #tpu.memory_space<hbm>>
    %dma_wait3A_810 = arith.constant 0 : i32
    %dma_wait3A_811 = tpu.memref_slice %arg8[%dma_wait3A_804, %dma_wait3A_810] : memref<8x64xf32, #tpu.memory_space<vmem>> -> memref<1x64xf32, #tpu.memory_space<vmem>>
    %dma_wait3A_812 = tpu.memref_squeeze %dma_wait3A_811 : memref<1x64xf32, #tpu.memory_space<vmem>> -> memref<64xf32, #tpu.memory_space<vmem>>
    %dma_wait3A_813 = tpu.memref_slice %arg2[%dma_wait3A_803, %mul3A_8] : memref<8x2048xf32, #tpu.memory_space<hbm>> -> memref<1x64xf32, #tpu.memory_space<hbm>>
    %dma_wait3A_814 = tpu.memref_squeeze %dma_wait3A_813 : memref<1x64xf32, #tpu.memory_space<hbm>> -> memref<64xf32, #tpu.memory_space<hbm>>
    tpu.wait_dma2 semaphore(%arg22 : memref<!tpu.dma_semaphore, #tpu.memory_space<semaphore_mem>>) src(%dma_wait3A_814 : memref<64xf32, #tpu.memory_space<hbm>>) dst(%dma_wait3A_812 : memref<64xf32, #tpu.memory_space<vmem>>)
    %dma_wait3A_815 = arith.constant 7 : i32
    %dma_wait3A_816 = arith.constant 7 : i32
    %dma_wait3A_817 = arith.constant 0 : i32
    %dma_wait3A_818 = tpu.memref_slice %arg8[%dma_wait3A_816, %dma_wait3A_817] : memref<8x64xf32, #tpu.memory_space<vmem>> -> memref<1x64xf32, #tpu.memory_space<vmem>>
    %dma_wait3A_819 = tpu.memref_squeeze %dma_wait3A_818 : memref<1x64xf32, #tpu.memory_space<vmem>> -> memref<64xf32, #tpu.memory_space<vmem>>
    %dma_wait3A_820 = tpu.memref_slice %arg2[%dma_wait3A_815, %mul3A_8] : memref<8x2048xf32, #tpu.memory_space<hbm>> -> memref<1x64xf32, #tpu.memory_space<hbm>>
    %dma_wait3A_821 = tpu.memref_squeeze %dma_wait3A_820 : memref<1x64xf32, #tpu.memory_space<hbm>> -> memref<64xf32, #tpu.memory_space<hbm>>
    %dma_wait3A_822 = arith.constant 0 : i32
    %dma_wait3A_823 = tpu.memref_slice %arg8[%dma_wait3A_816, %dma_wait3A_822] : memref<8x64xf32, #tpu.memory_space<vmem>> -> memref<1x64xf32, #tpu.memory_space<vmem>>
    %dma_wait3A_824 = tpu.memref_squeeze %dma_wait3A_823 : memref<1x64xf32, #tpu.memory_space<vmem>> -> memref<64xf32, #tpu.memory_space<vmem>>
    %dma_wait3A_825 = tpu.memref_slice %arg2[%dma_wait3A_815, %mul3A_8] : memref<8x2048xf32, #tpu.memory_space<hbm>> -> memref<1x64xf32, #tpu.memory_space<hbm>>
    %dma_wait3A_826 = tpu.memref_squeeze %dma_wait3A_825 : memref<1x64xf32, #tpu.memory_space<hbm>> -> memref<64xf32, #tpu.memory_space<hbm>>
    tpu.wait_dma2 semaphore(%arg22 : memref<!tpu.dma_semaphore, #tpu.memory_space<semaphore_mem>>) src(%dma_wait3A_826 : memref<64xf32, #tpu.memory_space<hbm>>) dst(%dma_wait3A_824 : memref<64xf32, #tpu.memory_space<vmem>>)
    %swap3A_827 = arith.constant 0 : index
    %swap3A_828 = tpu.vector_load %arg13[%swap3A_827] {strides = array<i32>} : memref<16xi32, #tpu.memory_space<vmem>>, vector<16xi32>,
    tpu.vector_store %arg13[%swap3A_827], %broadcast_in_dim3A_9 {strides = array<i32>} : memref<16xi32, #tpu.memory_space<vmem>>, vector<16xi32>,
    %get3A_829 = arith.constant 0 : i32
    %get3A_830 = arith.index_cast %get3A_829 : i32 to index
    %get3A_831 = arith.constant 0 : index
    %get3A_832 = tpu.vector_load %arg8[%get3A_830, %get3A_831] {strides = array<i32>} : memref<8x64xf32, #tpu.memory_space<vmem>>, vector<16xf32>,
    %get3A_833 = arith.constant 1 : i32
    %get3A_834 = arith.index_cast %get3A_833 : i32 to index
    %get3A_835 = arith.constant 0 : index
    %get3A_836 = tpu.vector_load %arg8[%get3A_834, %get3A_835] {strides = array<i32>} : memref<8x64xf32, #tpu.memory_space<vmem>>, vector<16xf32>,
    %gt3A_837 = arith.cmpf ogt, %get3A_836, %get3A_832 : vector<16xf32>
    %broadcast_in_dim3A_838 = arith.constant 1 : i32
    %broadcast_in_dim3A_839 = vector.broadcast %broadcast_in_dim3A_838 : i32 to vector<16xi32>
    %select_n3A_840 = arith.select %gt3A_837, %broadcast_in_dim3A_839, %broadcast_in_dim3A_9 : vector<16xi1>, vector<16xi32>
    %select_n3A_841 = arith.select %gt3A_837, %get3A_836, %get3A_832 : vector<16xi1>, vector<16xf32>
    %get3A_842 = arith.constant 2 : i32
    %get3A_843 = arith.index_cast %get3A_842 : i32 to index
    %get3A_844 = arith.constant 0 : index
    %get3A_845 = tpu.vector_load %arg8[%get3A_843, %get3A_844] {strides = array<i32>} : memref<8x64xf32, #tpu.memory_space<vmem>>, vector<16xf32>,
    %gt3A_846 = arith.cmpf ogt, %get3A_845, %select_n3A_841 : vector<16xf32>
    %broadcast_in_dim3A_847 = arith.constant 2 : i32
    %broadcast_in_dim3A_848 = vector.broadcast %broadcast_in_dim3A_847 : i32 to vector<16xi32>
    %select_n3A_849 = arith.select %gt3A_846, %broadcast_in_dim3A_848, %select_n3A_840 : vector<16xi1>, vector<16xi32>
    %select_n3A_850 = arith.select %gt3A_846, %get3A_845, %select_n3A_841 : vector<16xi1>, vector<16xf32>
    %get3A_851 = arith.constant 3 : i32
    %get3A_852 = arith.index_cast %get3A_851 : i32 to index
    %get3A_853 = arith.constant 0 : index
    %get3A_854 = tpu.vector_load %arg8[%get3A_852, %get3A_853] {strides = array<i32>} : memref<8x64xf32, #tpu.memory_space<vmem>>, vector<16xf32>,
    %gt3A_855 = arith.cmpf ogt, %get3A_854, %select_n3A_850 : vector<16xf32>
    %broadcast_in_dim3A_856 = arith.constant 3 : i32
    %broadcast_in_dim3A_857 = vector.broadcast %broadcast_in_dim3A_856 : i32 to vector<16xi32>
    %select_n3A_858 = arith.select %gt3A_855, %broadcast_in_dim3A_857, %select_n3A_849 : vector<16xi1>, vector<16xi32>
    %select_n3A_859 = arith.select %gt3A_855, %get3A_854, %select_n3A_850 : vector<16xi1>, vector<16xf32>
    %get3A_860 = arith.constant 4 : i32
    %get3A_861 = arith.index_cast %get3A_860 : i32 to index
    %get3A_862 = arith.constant 0 : index
    %get3A_863 = tpu.vector_load %arg8[%get3A_861, %get3A_862] {strides = array<i32>} : memref<8x64xf32, #tpu.memory_space<vmem>>, vector<16xf32>,
    %gt3A_864 = arith.cmpf ogt, %get3A_863, %select_n3A_859 : vector<16xf32>
    %broadcast_in_dim3A_865 = arith.constant 4 : i32
    %broadcast_in_dim3A_866 = vector.broadcast %broadcast_in_dim3A_865 : i32 to vector<16xi32>
    %select_n3A_867 = arith.select %gt3A_864, %broadcast_in_dim3A_866, %select_n3A_858 : vector<16xi1>, vector<16xi32>
    %select_n3A_868 = arith.select %gt3A_864, %get3A_863, %select_n3A_859 : vector<16xi1>, vector<16xf32>
    %get3A_869 = arith.constant 5 : i32
    %get3A_870 = arith.index_cast %get3A_869 : i32 to index
    %get3A_871 = arith.constant 0 : index
    %get3A_872 = tpu.vector_load %arg8[%get3A_870, %get3A_871] {strides = array<i32>} : memref<8x64xf32, #tpu.memory_space<vmem>>, vector<16xf32>,
    %gt3A_873 = arith.cmpf ogt, %get3A_872, %select_n3A_868 : vector<16xf32>
    %broadcast_in_dim3A_874 = arith.constant 5 : i32
    %broadcast_in_dim3A_875 = vector.broadcast %broadcast_in_dim3A_874 : i32 to vector<16xi32>
    %select_n3A_876 = arith.select %gt3A_873, %broadcast_in_dim3A_875, %select_n3A_867 : vector<16xi1>, vector<16xi32>
    %select_n3A_877 = arith.select %gt3A_873, %get3A_872, %select_n3A_868 : vector<16xi1>, vector<16xf32>
    %get3A_878 = arith.constant 6 : i32
    %get3A_879 = arith.index_cast %get3A_878 : i32 to index
    %get3A_880 = arith.constant 0 : index
    %get3A_881 = tpu.vector_load %arg8[%get3A_879, %get3A_880] {strides = array<i32>} : memref<8x64xf32, #tpu.memory_space<vmem>>, vector<16xf32>,
    %gt3A_882 = arith.cmpf ogt, %get3A_881, %select_n3A_877 : vector<16xf32>
    %broadcast_in_dim3A_883 = arith.constant 6 : i32
    %broadcast_in_dim3A_884 = vector.broadcast %broadcast_in_dim3A_883 : i32 to vector<16xi32>
    %select_n3A_885 = arith.select %gt3A_882, %broadcast_in_dim3A_884, %select_n3A_876 : vector<16xi1>, vector<16xi32>
    %select_n3A_886 = arith.select %gt3A_882, %get3A_881, %select_n3A_877 : vector<16xi1>, vector<16xf32>
    %get3A_887 = arith.constant 7 : i32
    %get3A_888 = arith.index_cast %get3A_887 : i32 to index
    %get3A_889 = arith.constant 0 : index
    %get3A_890 = tpu.vector_load %arg8[%get3A_888, %get3A_889] {strides = array<i32>} : memref<8x64xf32, #tpu.memory_space<vmem>>, vector<16xf32>,
    %gt3A_891 = arith.cmpf ogt, %get3A_890, %select_n3A_886 : vector<16xf32>
    %broadcast_in_dim3A_892 = arith.constant 7 : i32
    %broadcast_in_dim3A_893 = vector.broadcast %broadcast_in_dim3A_892 : i32 to vector<16xi32>
    %select_n3A_894 = arith.select %gt3A_891, %broadcast_in_dim3A_893, %select_n3A_885 : vector<16xi1>, vector<16xi32>
    %select_n3A_895 = arith.select %gt3A_891, %get3A_890, %select_n3A_886 : vector<16xi1>, vector<16xf32>
    tpu.vector_store_idx %arg13[%select_n3A_894], %broadcast_in_dim3A_11 {add = true} : memref<16xi32, #tpu.memory_space<vmem>>[vector<16xi32>], vector<16xi32>,
    %get3A_896 = arith.constant 0 : i32
    %get3A_897 = arith.index_cast %get3A_896 : i32 to index
    %get3A_898 = arith.constant 16 : index
    %get3A_899 = tpu.vector_load %arg8[%get3A_897, %get3A_898] {strides = array<i32>} : memref<8x64xf32, #tpu.memory_space<vmem>>, vector<16xf32>,
    %get3A_900 = arith.constant 1 : i32
    %get3A_901 = arith.index_cast %get3A_900 : i32 to index
    %get3A_902 = arith.constant 16 : index
    %get3A_903 = tpu.vector_load %arg8[%get3A_901, %get3A_902] {strides = array<i32>} : memref<8x64xf32, #tpu.memory_space<vmem>>, vector<16xf32>,
    %gt3A_904 = arith.cmpf ogt, %get3A_903, %get3A_899 : vector<16xf32>
    %broadcast_in_dim3A_905 = arith.constant 1 : i32
    %broadcast_in_dim3A_906 = vector.broadcast %broadcast_in_dim3A_905 : i32 to vector<16xi32>
    %select_n3A_907 = arith.select %gt3A_904, %broadcast_in_dim3A_906, %broadcast_in_dim3A_9 : vector<16xi1>, vector<16xi32>
    %select_n3A_908 = arith.select %gt3A_904, %get3A_903, %get3A_899 : vector<16xi1>, vector<16xf32>
    %get3A_909 = arith.constant 2 : i32
    %get3A_910 = arith.index_cast %get3A_909 : i32 to index
    %get3A_911 = arith.constant 16 : index
    %get3A_912 = tpu.vector_load %arg8[%get3A_910, %get3A_911] {strides = array<i32>} : memref<8x64xf32, #tpu.memory_space<vmem>>, vector<16xf32>,
    %gt3A_913 = arith.cmpf ogt, %get3A_912, %select_n3A_908 : vector<16xf32>
    %broadcast_in_dim3A_914 = arith.constant 2 : i32
    %broadcast_in_dim3A_915 = vector.broadcast %broadcast_in_dim3A_914 : i32 to vector<16xi32>
    %select_n3A_916 = arith.select %gt3A_913, %broadcast_in_dim3A_915, %select_n3A_907 : vector<16xi1>, vector<16xi32>
    %select_n3A_917 = arith.select %gt3A_913, %get3A_912, %select_n3A_908 : vector<16xi1>, vector<16xf32>
    %get3A_918 = arith.constant 3 : i32
    %get3A_919 = arith.index_cast %get3A_918 : i32 to index
    %get3A_920 = arith.constant 16 : index
    %get3A_921 = tpu.vector_load %arg8[%get3A_919, %get3A_920] {strides = array<i32>} : memref<8x64xf32, #tpu.memory_space<vmem>>, vector<16xf32>,
    %gt3A_922 = arith.cmpf ogt, %get3A_921, %select_n3A_917 : vector<16xf32>
    %broadcast_in_dim3A_923 = arith.constant 3 : i32
    %broadcast_in_dim3A_924 = vector.broadcast %broadcast_in_dim3A_923 : i32 to vector<16xi32>
    %select_n3A_925 = arith.select %gt3A_922, %broadcast_in_dim3A_924, %select_n3A_916 : vector<16xi1>, vector<16xi32>
    %select_n3A_926 = arith.select %gt3A_922, %get3A_921, %select_n3A_917 : vector<16xi1>, vector<16xf32>
    %get3A_927 = arith.constant 4 : i32
    %get3A_928 = arith.index_cast %get3A_927 : i32 to index
    %get3A_929 = arith.constant 16 : index
    %get3A_930 = tpu.vector_load %arg8[%get3A_928, %get3A_929] {strides = array<i32>} : memref<8x64xf32, #tpu.memory_space<vmem>>, vector<16xf32>,
    %gt3A_931 = arith.cmpf ogt, %get3A_930, %select_n3A_926 : vector<16xf32>
    %broadcast_in_dim3A_932 = arith.constant 4 : i32
    %broadcast_in_dim3A_933 = vector.broadcast %broadcast_in_dim3A_932 : i32 to vector<16xi32>
    %select_n3A_934 = arith.select %gt3A_931, %broadcast_in_dim3A_933, %select_n3A_925 : vector<16xi1>, vector<16xi32>
    %select_n3A_935 = arith.select %gt3A_931, %get3A_930, %select_n3A_926 : vector<16xi1>, vector<16xf32>
    %get3A_936 = arith.constant 5 : i32
    %get3A_937 = arith.index_cast %get3A_936 : i32 to index
    %get3A_938 = arith.constant 16 : index
    %get3A_939 = tpu.vector_load %arg8[%get3A_937, %get3A_938] {strides = array<i32>} : memref<8x64xf32, #tpu.memory_space<vmem>>, vector<16xf32>,
    %gt3A_940 = arith.cmpf ogt, %get3A_939, %select_n3A_935 : vector<16xf32>
    %broadcast_in_dim3A_941 = arith.constant 5 : i32
    %broadcast_in_dim3A_942 = vector.broadcast %broadcast_in_dim3A_941 : i32 to vector<16xi32>
    %select_n3A_943 = arith.select %gt3A_940, %broadcast_in_dim3A_942, %select_n3A_934 : vector<16xi1>, vector<16xi32>
    %select_n3A_944 = arith.select %gt3A_940, %get3A_939, %select_n3A_935 : vector<16xi1>, vector<16xf32>
    %get3A_945 = arith.constant 6 : i32
    %get3A_946 = arith.index_cast %get3A_945 : i32 to index
    %get3A_947 = arith.constant 16 : index
    %get3A_948 = tpu.vector_load %arg8[%get3A_946, %get3A_947] {strides = array<i32>} : memref<8x64xf32, #tpu.memory_space<vmem>>, vector<16xf32>,
    %gt3A_949 = arith.cmpf ogt, %get3A_948, %select_n3A_944 : vector<16xf32>
    %broadcast_in_dim3A_950 = arith.constant 6 : i32
    %broadcast_in_dim3A_951 = vector.broadcast %broadcast_in_dim3A_950 : i32 to vector<16xi32>
    %select_n3A_952 = arith.select %gt3A_949, %broadcast_in_dim3A_951, %select_n3A_943 : vector<16xi1>, vector<16xi32>
    %select_n3A_953 = arith.select %gt3A_949, %get3A_948, %select_n3A_944 : vector<16xi1>, vector<16xf32>
    %get3A_954 = arith.constant 7 : i32
    %get3A_955 = arith.index_cast %get3A_954 : i32 to index
    %get3A_956 = arith.constant 16 : index
    %get3A_957 = tpu.vector_load %arg8[%get3A_955, %get3A_956] {strides = array<i32>} : memref<8x64xf32, #tpu.memory_space<vmem>>, vector<16xf32>,
    %gt3A_958 = arith.cmpf ogt, %get3A_957, %select_n3A_953 : vector<16xf32>
    %broadcast_in_dim3A_959 = arith.constant 7 : i32
    %broadcast_in_dim3A_960 = vector.broadcast %broadcast_in_dim3A_959 : i32 to vector<16xi32>
    %select_n3A_961 = arith.select %gt3A_958, %broadcast_in_dim3A_960, %select_n3A_952 : vector<16xi1>, vector<16xi32>
    %select_n3A_962 = arith.select %gt3A_958, %get3A_957, %select_n3A_953 : vector<16xi1>, vector<16xf32>
    tpu.vector_store_idx %arg13[%select_n3A_961], %broadcast_in_dim3A_11 {add = true} : memref<16xi32, #tpu.memory_space<vmem>>[vector<16xi32>], vector<16xi32>,
    %get3A_963 = arith.constant 0 : i32
    %get3A_964 = arith.index_cast %get3A_963 : i32 to index
    %get3A_965 = arith.constant 32 : index
    %get3A_966 = tpu.vector_load %arg8[%get3A_964, %get3A_965] {strides = array<i32>} : memref<8x64xf32, #tpu.memory_space<vmem>>, vector<16xf32>,
    %get3A_967 = arith.constant 1 : i32
    %get3A_968 = arith.index_cast %get3A_967 : i32 to index
    %get3A_969 = arith.constant 32 : index
    %get3A_970 = tpu.vector_load %arg8[%get3A_968, %get3A_969] {strides = array<i32>} : memref<8x64xf32, #tpu.memory_space<vmem>>, vector<16xf32>,
    %gt3A_971 = arith.cmpf ogt, %get3A_970, %get3A_966 : vector<16xf32>
    %broadcast_in_dim3A_972 = arith.constant 1 : i32
    %broadcast_in_dim3A_973 = vector.broadcast %broadcast_in_dim3A_972 : i32 to vector<16xi32>
    %select_n3A_974 = arith.select %gt3A_971, %broadcast_in_dim3A_973, %broadcast_in_dim3A_9 : vector<16xi1>, vector<16xi32>
    %select_n3A_975 = arith.select %gt3A_971, %get3A_970, %get3A_966 : vector<16xi1>, vector<16xf32>
    %get3A_976 = arith.constant 2 : i32
    %get3A_977 = arith.index_cast %get3A_976 : i32 to index
    %get3A_978 = arith.constant 32 : index
    %get3A_979 = tpu.vector_load %arg8[%get3A_977, %get3A_978] {strides = array<i32>} : memref<8x64xf32, #tpu.memory_space<vmem>>, vector<16xf32>,
    %gt3A_980 = arith.cmpf ogt, %get3A_979, %select_n3A_975 : vector<16xf32>
    %broadcast_in_dim3A_981 = arith.constant 2 : i32
    %broadcast_in_dim3A_982 = vector.broadcast %broadcast_in_dim3A_981 : i32 to vector<16xi32>
    %select_n3A_983 = arith.select %gt3A_980, %broadcast_in_dim3A_982, %select_n3A_974 : vector<16xi1>, vector<16xi32>
    %select_n3A_984 = arith.select %gt3A_980, %get3A_979, %select_n3A_975 : vector<16xi1>, vector<16xf32>
    %get3A_985 = arith.constant 3 : i32
    %get3A_986 = arith.index_cast %get3A_985 : i32 to index
    %get3A_987 = arith.constant 32 : index
    %get3A_988 = tpu.vector_load %arg8[%get3A_986, %get3A_987] {strides = array<i32>} : memref<8x64xf32, #tpu.memory_space<vmem>>, vector<16xf32>,
    %gt3A_989 = arith.cmpf ogt, %get3A_988, %select_n3A_984 : vector<16xf32>
    %broadcast_in_dim3A_990 = arith.constant 3 : i32
    %broadcast_in_dim3A_991 = vector.broadcast %broadcast_in_dim3A_990 : i32 to vector<16xi32>
    %select_n3A_992 = arith.select %gt3A_989, %broadcast_in_dim3A_991, %select_n3A_983 : vector<16xi1>, vector<16xi32>
    %select_n3A_993 = arith.select %gt3A_989, %get3A_988, %select_n3A_984 : vector<16xi1>, vector<16xf32>
    %get3A_994 = arith.constant 4 : i32
    %get3A_995 = arith.index_cast %get3A_994 : i32 to index
    %get3A_996 = arith.constant 32 : index
    %get3A_997 = tpu.vector_load %arg8[%get3A_995, %get3A_996] {strides = array<i32>} : memref<8x64xf32, #tpu.memory_space<vmem>>, vector<16xf32>,
    %gt3A_998 = arith.cmpf ogt, %get3A_997, %select_n3A_993 : vector<16xf32>
    %broadcast_in_dim3A_999 = arith.constant 4 : i32
    %broadcast_in_dim3A_1000 = vector.broadcast %broadcast_in_dim3A_999 : i32 to vector<16xi32>
    %select_n3A_1001 = arith.select %gt3A_998, %broadcast_in_dim3A_1000, %select_n3A_992 : vector<16xi1>, vector<16xi32>
    %select_n3A_1002 = arith.select %gt3A_998, %get3A_997, %select_n3A_993 : vector<16xi1>, vector<16xf32>
    %get3A_1003 = arith.constant 5 : i32
    %get3A_1004 = arith.index_cast %get3A_1003 : i32 to index
    %get3A_1005 = arith.constant 32 : index
    %get3A_1006 = tpu.vector_load %arg8[%get3A_1004, %get3A_1005] {strides = array<i32>} : memref<8x64xf32, #tpu.memory_space<vmem>>, vector<16xf32>,
    %gt3A_1007 = arith.cmpf ogt, %get3A_1006, %select_n3A_1002 : vector<16xf32>
    %broadcast_in_dim3A_1008 = arith.constant 5 : i32
    %broadcast_in_dim3A_1009 = vector.broadcast %broadcast_in_dim3A_1008 : i32 to vector<16xi32>
    %select_n3A_1010 = arith.select %gt3A_1007, %broadcast_in_dim3A_1009, %select_n3A_1001 : vector<16xi1>, vector<16xi32>
    %select_n3A_1011 = arith.select %gt3A_1007, %get3A_1006, %select_n3A_1002 : vector<16xi1>, vector<16xf32>
    %get3A_1012 = arith.constant 6 : i32
    %get3A_1013 = arith.index_cast %get3A_1012 : i32 to index
    %get3A_1014 = arith.constant 32 : index
    %get3A_1015 = tpu.vector_load %arg8[%get3A_1013, %get3A_1014] {strides = array<i32>} : memref<8x64xf32, #tpu.memory_space<vmem>>, vector<16xf32>,
    %gt3A_1016 = arith.cmpf ogt, %get3A_1015, %select_n3A_1011 : vector<16xf32>
    %broadcast_in_dim3A_1017 = arith.constant 6 : i32
    %broadcast_in_dim3A_1018 = vector.broadcast %broadcast_in_dim3A_1017 : i32 to vector<16xi32>
    %select_n3A_1019 = arith.select %gt3A_1016, %broadcast_in_dim3A_1018, %select_n3A_1010 : vector<16xi1>, vector<16xi32>
    %select_n3A_1020 = arith.select %gt3A_1016, %get3A_1015, %select_n3A_1011 : vector<16xi1>, vector<16xf32>
    %get3A_1021 = arith.constant 7 : i32
    %get3A_1022 = arith.index_cast %get3A_1021 : i32 to index
    %get3A_1023 = arith.constant 32 : index
    %get3A_1024 = tpu.vector_load %arg8[%get3A_1022, %get3A_1023] {strides = array<i32>} : memref<8x64xf32, #tpu.memory_space<vmem>>, vector<16xf32>,
    %gt3A_1025 = arith.cmpf ogt, %get3A_1024, %select_n3A_1020 : vector<16xf32>
    %broadcast_in_dim3A_1026 = arith.constant 7 : i32
    %broadcast_in_dim3A_1027 = vector.broadcast %broadcast_in_dim3A_1026 : i32 to vector<16xi32>
    %select_n3A_1028 = arith.select %gt3A_1025, %broadcast_in_dim3A_1027, %select_n3A_1019 : vector<16xi1>, vector<16xi32>
    %select_n3A_1029 = arith.select %gt3A_1025, %get3A_1024, %select_n3A_1020 : vector<16xi1>, vector<16xf32>
    tpu.vector_store_idx %arg13[%select_n3A_1028], %broadcast_in_dim3A_11 {add = true} : memref<16xi32, #tpu.memory_space<vmem>>[vector<16xi32>], vector<16xi32>,
    %get3A_1030 = arith.constant 0 : i32
    %get3A_1031 = arith.index_cast %get3A_1030 : i32 to index
    %get3A_1032 = arith.constant 48 : index
    %get3A_1033 = tpu.vector_load %arg8[%get3A_1031, %get3A_1032] {strides = array<i32>} : memref<8x64xf32, #tpu.memory_space<vmem>>, vector<16xf32>,
    %get3A_1034 = arith.constant 1 : i32
    %get3A_1035 = arith.index_cast %get3A_1034 : i32 to index
    %get3A_1036 = arith.constant 48 : index
    %get3A_1037 = tpu.vector_load %arg8[%get3A_1035, %get3A_1036] {strides = array<i32>} : memref<8x64xf32, #tpu.memory_space<vmem>>, vector<16xf32>,
    %gt3A_1038 = arith.cmpf ogt, %get3A_1037, %get3A_1033 : vector<16xf32>
    %broadcast_in_dim3A_1039 = arith.constant 1 : i32
    %broadcast_in_dim3A_1040 = vector.broadcast %broadcast_in_dim3A_1039 : i32 to vector<16xi32>
    %select_n3A_1041 = arith.select %gt3A_1038, %broadcast_in_dim3A_1040, %broadcast_in_dim3A_9 : vector<16xi1>, vector<16xi32>
    %select_n3A_1042 = arith.select %gt3A_1038, %get3A_1037, %get3A_1033 : vector<16xi1>, vector<16xf32>
    %get3A_1043 = arith.constant 2 : i32
    %get3A_1044 = arith.index_cast %get3A_1043 : i32 to index
    %get3A_1045 = arith.constant 48 : index
    %get3A_1046 = tpu.vector_load %arg8[%get3A_1044, %get3A_1045] {strides = array<i32>} : memref<8x64xf32, #tpu.memory_space<vmem>>, vector<16xf32>,
    %gt3A_1047 = arith.cmpf ogt, %get3A_1046, %select_n3A_1042 : vector<16xf32>
    %broadcast_in_dim3A_1048 = arith.constant 2 : i32
    %broadcast_in_dim3A_1049 = vector.broadcast %broadcast_in_dim3A_1048 : i32 to vector<16xi32>
    %select_n3A_1050 = arith.select %gt3A_1047, %broadcast_in_dim3A_1049, %select_n3A_1041 : vector<16xi1>, vector<16xi32>
    %select_n3A_1051 = arith.select %gt3A_1047, %get3A_1046, %select_n3A_1042 : vector<16xi1>, vector<16xf32>
    %get3A_1052 = arith.constant 3 : i32
    %get3A_1053 = arith.index_cast %get3A_1052 : i32 to index
    %get3A_1054 = arith.constant 48 : index
    %get3A_1055 = tpu.vector_load %arg8[%get3A_1053, %get3A_1054] {strides = array<i32>} : memref<8x64xf32, #tpu.memory_space<vmem>>, vector<16xf32>,
    %gt3A_1056 = arith.cmpf ogt, %get3A_1055, %select_n3A_1051 : vector<16xf32>
    %broadcast_in_dim3A_1057 = arith.constant 3 : i32
    %broadcast_in_dim3A_1058 = vector.broadcast %broadcast_in_dim3A_1057 : i32 to vector<16xi32>
    %select_n3A_1059 = arith.select %gt3A_1056, %broadcast_in_dim3A_1058, %select_n3A_1050 : vector<16xi1>, vector<16xi32>
    %select_n3A_1060 = arith.select %gt3A_1056, %get3A_1055, %select_n3A_1051 : vector<16xi1>, vector<16xf32>
    %get3A_1061 = arith.constant 4 : i32
    %get3A_1062 = arith.index_cast %get3A_1061 : i32 to index
    %get3A_1063 = arith.constant 48 : index
    %get3A_1064 = tpu.vector_load %arg8[%get3A_1062, %get3A_1063] {strides = array<i32>} : memref<8x64xf32, #tpu.memory_space<vmem>>, vector<16xf32>,
    %gt3A_1065 = arith.cmpf ogt, %get3A_1064, %select_n3A_1060 : vector<16xf32>
    %broadcast_in_dim3A_1066 = arith.constant 4 : i32
    %broadcast_in_dim3A_1067 = vector.broadcast %broadcast_in_dim3A_1066 : i32 to vector<16xi32>
    %select_n3A_1068 = arith.select %gt3A_1065, %broadcast_in_dim3A_1067, %select_n3A_1059 : vector<16xi1>, vector<16xi32>
    %select_n3A_1069 = arith.select %gt3A_1065, %get3A_1064, %select_n3A_1060 : vector<16xi1>, vector<16xf32>
    %get3A_1070 = arith.constant 5 : i32
    %get3A_1071 = arith.index_cast %get3A_1070 : i32 to index
    %get3A_1072 = arith.constant 48 : index
    %get3A_1073 = tpu.vector_load %arg8[%get3A_1071, %get3A_1072] {strides = array<i32>} : memref<8x64xf32, #tpu.memory_space<vmem>>, vector<16xf32>,
    %gt3A_1074 = arith.cmpf ogt, %get3A_1073, %select_n3A_1069 : vector<16xf32>
    %broadcast_in_dim3A_1075 = arith.constant 5 : i32
    %broadcast_in_dim3A_1076 = vector.broadcast %broadcast_in_dim3A_1075 : i32 to vector<16xi32>
    %select_n3A_1077 = arith.select %gt3A_1074, %broadcast_in_dim3A_1076, %select_n3A_1068 : vector<16xi1>, vector<16xi32>
    %select_n3A_1078 = arith.select %gt3A_1074, %get3A_1073, %select_n3A_1069 : vector<16xi1>, vector<16xf32>
    %get3A_1079 = arith.constant 6 : i32
    %get3A_1080 = arith.index_cast %get3A_1079 : i32 to index
    %get3A_1081 = arith.constant 48 : index
    %get3A_1082 = tpu.vector_load %arg8[%get3A_1080, %get3A_1081] {strides = array<i32>} : memref<8x64xf32, #tpu.memory_space<vmem>>, vector<16xf32>,
    %gt3A_1083 = arith.cmpf ogt, %get3A_1082, %select_n3A_1078 : vector<16xf32>
    %broadcast_in_dim3A_1084 = arith.constant 6 : i32
    %broadcast_in_dim3A_1085 = vector.broadcast %broadcast_in_dim3A_1084 : i32 to vector<16xi32>
    %select_n3A_1086 = arith.select %gt3A_1083, %broadcast_in_dim3A_1085, %select_n3A_1077 : vector<16xi1>, vector<16xi32>
    %select_n3A_1087 = arith.select %gt3A_1083, %get3A_1082, %select_n3A_1078 : vector<16xi1>, vector<16xf32>
    %get3A_1088 = arith.constant 7 : i32
    %get3A_1089 = arith.index_cast %get3A_1088 : i32 to index
    %get3A_1090 = arith.constant 48 : index
    %get3A_1091 = tpu.vector_load %arg8[%get3A_1089, %get3A_1090] {strides = array<i32>} : memref<8x64xf32, #tpu.memory_space<vmem>>, vector<16xf32>,
    %gt3A_1092 = arith.cmpf ogt, %get3A_1091, %select_n3A_1087 : vector<16xf32>
    %broadcast_in_dim3A_1093 = arith.constant 7 : i32
    %broadcast_in_dim3A_1094 = vector.broadcast %broadcast_in_dim3A_1093 : i32 to vector<16xi32>
    %select_n3A_1095 = arith.select %gt3A_1092, %broadcast_in_dim3A_1094, %select_n3A_1086 : vector<16xi1>, vector<16xi32>
    %select_n3A_1096 = arith.select %gt3A_1092, %get3A_1091, %select_n3A_1087 : vector<16xi1>, vector<16xf32>
    tpu.vector_store_idx %arg13[%select_n3A_1095], %broadcast_in_dim3A_11 {add = true} : memref<16xi32, #tpu.memory_space<vmem>>[vector<16xi32>], vector<16xi32>,
    %mul3A_1097 = arith.constant 16 : i32
    %mul3A_1098 = arith.muli %add3A, %mul3A_1097 : i32
    "tpu.region"() ({
      %run_scoped3A_1417 = tpu.sem_alloc : memref<!tpu.dma_semaphore, #tpu.memory_space<semaphore_mem>>
      %dma_start3A_1418 = tpu.memref_slice %arg19[%mul3A_1098] : memref<512xi32, #tpu.memory_space<vmem_shared>> -> memref<16xi32, #tpu.memory_space<vmem_shared>>
      %dma_start3A_1419 = tpu.memref_slice %arg19[%mul3A_1098] : memref<512xi32, #tpu.memory_space<vmem_shared>> -> memref<16xi32, #tpu.memory_space<vmem_shared>>
      tpu.enqueue_dma source(%arg12 : memref<16xi32, #tpu.memory_space<vmem>>) target(%dma_start3A_1419 : memref<16xi32, #tpu.memory_space<vmem_shared>>) target_semaphore(%run_scoped3A_1417 : memref<!tpu.dma_semaphore, #tpu.memory_space<semaphore_mem>>)
      %dma_wait3A_1420 = tpu.memref_slice %arg19[%mul3A_1098] : memref<512xi32, #tpu.memory_space<vmem_shared>> -> memref<16xi32, #tpu.memory_space<vmem_shared>>
      %dma_wait3A_1421 = tpu.memref_slice %arg19[%mul3A_1098] : memref<512xi32, #tpu.memory_space<vmem_shared>> -> memref<16xi32, #tpu.memory_space<vmem_shared>>
      tpu.wait_dma2 semaphore(%run_scoped3A_1417 : memref<!tpu.dma_semaphore, #tpu.memory_space<semaphore_mem>>) src(%arg12 : memref<16xi32, #tpu.memory_space<vmem>>) dst(%dma_wait3A_1421 : memref<16xi32, #tpu.memory_space<vmem_shared>>)
      tpu.yield
    }) : () -> ()
    %mul3A_1099 = arith.constant 16 : i32
    %mul3A_1100 = arith.muli %add3A_4, %mul3A_1099 : i32
    "tpu.region"() ({
      %run_scoped3A_1417 = tpu.sem_alloc : memref<!tpu.dma_semaphore, #tpu.memory_space<semaphore_mem>>
      %dma_start3A_1418 = tpu.memref_slice %arg19[%mul3A_1100] : memref<512xi32, #tpu.memory_space<vmem_shared>> -> memref<16xi32, #tpu.memory_space<vmem_shared>>
      %dma_start3A_1419 = tpu.memref_slice %arg19[%mul3A_1100] : memref<512xi32, #tpu.memory_space<vmem_shared>> -> memref<16xi32, #tpu.memory_space<vmem_shared>>
      tpu.enqueue_dma source(%arg13 : memref<16xi32, #tpu.memory_space<vmem>>) target(%dma_start3A_1419 : memref<16xi32, #tpu.memory_space<vmem_shared>>) target_semaphore(%run_scoped3A_1417 : memref<!tpu.dma_semaphore, #tpu.memory_space<semaphore_mem>>)
      %dma_wait3A_1420 = tpu.memref_slice %arg19[%mul3A_1100] : memref<512xi32, #tpu.memory_space<vmem_shared>> -> memref<16xi32, #tpu.memory_space<vmem_shared>>
      %dma_wait3A_1421 = tpu.memref_slice %arg19[%mul3A_1100] : memref<512xi32, #tpu.memory_space<vmem_shared>> -> memref<16xi32, #tpu.memory_space<vmem_shared>>
      tpu.wait_dma2 semaphore(%run_scoped3A_1417 : memref<!tpu.dma_semaphore, #tpu.memory_space<semaphore_mem>>) src(%arg13 : memref<16xi32, #tpu.memory_space<vmem>>) dst(%dma_wait3A_1421 : memref<16xi32, #tpu.memory_space<vmem_shared>>)
      tpu.yield
    }) : () -> ()
    %barrier3A = arith.constant 0 : index
    tpu.barrier barrier_id(%barrier3A)
    "tpu.region"() ({
      %run_scoped3A_1417 = tpu.sem_alloc : memref<!tpu.dma_semaphore, #tpu.memory_space<semaphore_mem>>
      tpu.enqueue_dma source(%arg19 : memref<512xi32, #tpu.memory_space<vmem_shared>>) target(%arg14 : memref<512xi32, #tpu.memory_space<vmem>>) target_semaphore(%run_scoped3A_1417 : memref<!tpu.dma_semaphore, #tpu.memory_space<semaphore_mem>>)
      tpu.wait_dma2 semaphore(%run_scoped3A_1417 : memref<!tpu.dma_semaphore, #tpu.memory_space<semaphore_mem>>) src(%arg19 : memref<512xi32, #tpu.memory_space<vmem_shared>>) dst(%arg14 : memref<512xi32, #tpu.memory_space<vmem>>)
      tpu.yield
    }) : () -> ()
    %broadcast_in_dim3A_1101 = vector.broadcast %add3A : i32 to vector<16xi32>
    %get3A_1102 = arith.constant 0 : index
    %get3A_1103 = tpu.vector_load %arg14[%get3A_1102] {strides = array<i32>} : memref<512xi32, #tpu.memory_space<vmem>>, vector<16xi32>,
    %add3A_1104 = arith.addi %broadcast_in_dim3A_9, %get3A_1103 : vector<16xi32>
    %broadcast_in_dim3A_1105 = arith.constant 0 : i32
    %broadcast_in_dim3A_1106 = vector.broadcast %broadcast_in_dim3A_1105 : i32 to vector<16xi32>
    %lt3A = arith.cmpi slt, %broadcast_in_dim3A_1106, %broadcast_in_dim3A_1101 : vector<16xi32>
    %select_n3A_1107 = arith.select %lt3A, %get3A_1103, %broadcast_in_dim3A_9 : vector<16xi1>, vector<16xi32>
    %add3A_1108 = arith.addi %broadcast_in_dim3A_9, %select_n3A_1107 : vector<16xi32>
    %get3A_1109 = arith.constant 16 : index
    %get3A_1110 = tpu.vector_load %arg14[%get3A_1109] {strides = array<i32>} : memref<512xi32, #tpu.memory_space<vmem>>, vector<16xi32>,
    %add3A_1111 = arith.addi %add3A_1104, %get3A_1110 : vector<16xi32>
    %broadcast_in_dim3A_1112 = arith.constant 1 : i32
    %broadcast_in_dim3A_1113 = vector.broadcast %broadcast_in_dim3A_1112 : i32 to vector<16xi32>
    %lt3A_1114 = arith.cmpi slt, %broadcast_in_dim3A_1113, %broadcast_in_dim3A_1101 : vector<16xi32>
    %select_n3A_1115 = arith.select %lt3A_1114, %get3A_1110, %broadcast_in_dim3A_9 : vector<16xi1>, vector<16xi32>
    %add3A_1116 = arith.addi %add3A_1108, %select_n3A_1115 : vector<16xi32>
    %get3A_1117 = arith.constant 32 : index
    %get3A_1118 = tpu.vector_load %arg14[%get3A_1117] {strides = array<i32>} : memref<512xi32, #tpu.memory_space<vmem>>, vector<16xi32>,
    %add3A_1119 = arith.addi %add3A_1111, %get3A_1118 : vector<16xi32>
    %broadcast_in_dim3A_1120 = arith.constant 2 : i32
    %broadcast_in_dim3A_1121 = vector.broadcast %broadcast_in_dim3A_1120 : i32 to vector<16xi32>
    %lt3A_1122 = arith.cmpi slt, %broadcast_in_dim3A_1121, %broadcast_in_dim3A_1101 : vector<16xi32>
    %select_n3A_1123 = arith.select %lt3A_1122, %get3A_1118, %broadcast_in_dim3A_9 : vector<16xi1>, vector<16xi32>
    %add3A_1124 = arith.addi %add3A_1116, %select_n3A_1123 : vector<16xi32>
    %get3A_1125 = arith.constant 48 : index
    %get3A_1126 = tpu.vector_load %arg14[%get3A_1125] {strides = array<i32>} : memref<512xi32, #tpu.memory_space<vmem>>, vector<16xi32>,
    %add3A_1127 = arith.addi %add3A_1119, %get3A_1126 : vector<16xi32>
    %broadcast_in_dim3A_1128 = arith.constant 3 : i32
    %broadcast_in_dim3A_1129 = vector.broadcast %broadcast_in_dim3A_1128 : i32 to vector<16xi32>
    %lt3A_1130 = arith.cmpi slt, %broadcast_in_dim3A_1129, %broadcast_in_dim3A_1101 : vector<16xi32>
    %select_n3A_1131 = arith.select %lt3A_1130, %get3A_1126, %broadcast_in_dim3A_9 : vector<16xi1>, vector<16xi32>
    %add3A_1132 = arith.addi %add3A_1124, %select_n3A_1131 : vector<16xi32>
    %get3A_1133 = arith.constant 64 : index
    %get3A_1134 = tpu.vector_load %arg14[%get3A_1133] {strides = array<i32>} : memref<512xi32, #tpu.memory_space<vmem>>, vector<16xi32>,
    %add3A_1135 = arith.addi %add3A_1127, %get3A_1134 : vector<16xi32>
    %broadcast_in_dim3A_1136 = arith.constant 4 : i32
    %broadcast_in_dim3A_1137 = vector.broadcast %broadcast_in_dim3A_1136 : i32 to vector<16xi32>
    %lt3A_1138 = arith.cmpi slt, %broadcast_in_dim3A_1137, %broadcast_in_dim3A_1101 : vector<16xi32>
    %select_n3A_1139 = arith.select %lt3A_1138, %get3A_1134, %broadcast_in_dim3A_9 : vector<16xi1>, vector<16xi32>
    %add3A_1140 = arith.addi %add3A_1132, %select_n3A_1139 : vector<16xi32>
    %get3A_1141 = arith.constant 80 : index
    %get3A_1142 = tpu.vector_load %arg14[%get3A_1141] {strides = array<i32>} : memref<512xi32, #tpu.memory_space<vmem>>, vector<16xi32>,
    %add3A_1143 = arith.addi %add3A_1135, %get3A_1142 : vector<16xi32>
    %broadcast_in_dim3A_1144 = arith.constant 5 : i32
    %broadcast_in_dim3A_1145 = vector.broadcast %broadcast_in_dim3A_1144 : i32 to vector<16xi32>
    %lt3A_1146 = arith.cmpi slt, %broadcast_in_dim3A_1145, %broadcast_in_dim3A_1101 : vector<16xi32>
    %select_n3A_1147 = arith.select %lt3A_1146, %get3A_1142, %broadcast_in_dim3A_9 : vector<16xi1>, vector<16xi32>
    %add3A_1148 = arith.addi %add3A_1140, %select_n3A_1147 : vector<16xi32>
    %get3A_1149 = arith.constant 96 : index
    %get3A_1150 = tpu.vector_load %arg14[%get3A_1149] {strides = array<i32>} : memref<512xi32, #tpu.memory_space<vmem>>, vector<16xi32>,
    %add3A_1151 = arith.addi %add3A_1143, %get3A_1150 : vector<16xi32>
    %broadcast_in_dim3A_1152 = arith.constant 6 : i32
    %broadcast_in_dim3A_1153 = vector.broadcast %broadcast_in_dim3A_1152 : i32 to vector<16xi32>
    %lt3A_1154 = arith.cmpi slt, %broadcast_in_dim3A_1153, %broadcast_in_dim3A_1101 : vector<16xi32>
    %select_n3A_1155 = arith.select %lt3A_1154, %get3A_1150, %broadcast_in_dim3A_9 : vector<16xi1>, vector<16xi32>
    %add3A_1156 = arith.addi %add3A_1148, %select_n3A_1155 : vector<16xi32>
    %get3A_1157 = arith.constant 112 : index
    %get3A_1158 = tpu.vector_load %arg14[%get3A_1157] {strides = array<i32>} : memref<512xi32, #tpu.memory_space<vmem>>, vector<16xi32>,
    %add3A_1159 = arith.addi %add3A_1151, %get3A_1158 : vector<16xi32>
    %broadcast_in_dim3A_1160 = arith.constant 7 : i32
    %broadcast_in_dim3A_1161 = vector.broadcast %broadcast_in_dim3A_1160 : i32 to vector<16xi32>
    %lt3A_1162 = arith.cmpi slt, %broadcast_in_dim3A_1161, %broadcast_in_dim3A_1101 : vector<16xi32>
    %select_n3A_1163 = arith.select %lt3A_1162, %get3A_1158, %broadcast_in_dim3A_9 : vector<16xi1>, vector<16xi32>
    %add3A_1164 = arith.addi %add3A_1156, %select_n3A_1163 : vector<16xi32>
    %get3A_1165 = arith.constant 128 : index
    %get3A_1166 = tpu.vector_load %arg14[%get3A_1165] {strides = array<i32>} : memref<512xi32, #tpu.memory_space<vmem>>, vector<16xi32>,
    %add3A_1167 = arith.addi %add3A_1159, %get3A_1166 : vector<16xi32>
    %broadcast_in_dim3A_1168 = arith.constant 8 : i32
    %broadcast_in_dim3A_1169 = vector.broadcast %broadcast_in_dim3A_1168 : i32 to vector<16xi32>
    %lt3A_1170 = arith.cmpi slt, %broadcast_in_dim3A_1169, %broadcast_in_dim3A_1101 : vector<16xi32>
    %select_n3A_1171 = arith.select %lt3A_1170, %get3A_1166, %broadcast_in_dim3A_9 : vector<16xi1>, vector<16xi32>
    %add3A_1172 = arith.addi %add3A_1164, %select_n3A_1171 : vector<16xi32>
    %get3A_1173 = arith.constant 144 : index
    %get3A_1174 = tpu.vector_load %arg14[%get3A_1173] {strides = array<i32>} : memref<512xi32, #tpu.memory_space<vmem>>, vector<16xi32>,
    %add3A_1175 = arith.addi %add3A_1167, %get3A_1174 : vector<16xi32>
    %broadcast_in_dim3A_1176 = arith.constant 9 : i32
    %broadcast_in_dim3A_1177 = vector.broadcast %broadcast_in_dim3A_1176 : i32 to vector<16xi32>
    %lt3A_1178 = arith.cmpi slt, %broadcast_in_dim3A_1177, %broadcast_in_dim3A_1101 : vector<16xi32>
    %select_n3A_1179 = arith.select %lt3A_1178, %get3A_1174, %broadcast_in_dim3A_9 : vector<16xi1>, vector<16xi32>
    %add3A_1180 = arith.addi %add3A_1172, %select_n3A_1179 : vector<16xi32>
    %get3A_1181 = arith.constant 160 : index
    %get3A_1182 = tpu.vector_load %arg14[%get3A_1181] {strides = array<i32>} : memref<512xi32, #tpu.memory_space<vmem>>, vector<16xi32>,
    %add3A_1183 = arith.addi %add3A_1175, %get3A_1182 : vector<16xi32>
    %broadcast_in_dim3A_1184 = arith.constant 10 : i32
    %broadcast_in_dim3A_1185 = vector.broadcast %broadcast_in_dim3A_1184 : i32 to vector<16xi32>
    %lt3A_1186 = arith.cmpi slt, %broadcast_in_dim3A_1185, %broadcast_in_dim3A_1101 : vector<16xi32>
    %select_n3A_1187 = arith.select %lt3A_1186, %get3A_1182, %broadcast_in_dim3A_9 : vector<16xi1>, vector<16xi32>
    %add3A_1188 = arith.addi %add3A_1180, %select_n3A_1187 : vector<16xi32>
    %get3A_1189 = arith.constant 176 : index
    %get3A_1190 = tpu.vector_load %arg14[%get3A_1189] {strides = array<i32>} : memref<512xi32, #tpu.memory_space<vmem>>, vector<16xi32>,
    %add3A_1191 = arith.addi %add3A_1183, %get3A_1190 : vector<16xi32>
    %broadcast_in_dim3A_1192 = arith.constant 11 : i32
    %broadcast_in_dim3A_1193 = vector.broadcast %broadcast_in_dim3A_1192 : i32 to vector<16xi32>
    %lt3A_1194 = arith.cmpi slt, %broadcast_in_dim3A_1193, %broadcast_in_dim3A_1101 : vector<16xi32>
    %select_n3A_1195 = arith.select %lt3A_1194, %get3A_1190, %broadcast_in_dim3A_9 : vector<16xi1>, vector<16xi32>
    %add3A_1196 = arith.addi %add3A_1188, %select_n3A_1195 : vector<16xi32>
    %get3A_1197 = arith.constant 192 : index
    %get3A_1198 = tpu.vector_load %arg14[%get3A_1197] {strides = array<i32>} : memref<512xi32, #tpu.memory_space<vmem>>, vector<16xi32>,
    %add3A_1199 = arith.addi %add3A_1191, %get3A_1198 : vector<16xi32>
    %broadcast_in_dim3A_1200 = arith.constant 12 : i32
    %broadcast_in_dim3A_1201 = vector.broadcast %broadcast_in_dim3A_1200 : i32 to vector<16xi32>
    %lt3A_1202 = arith.cmpi slt, %broadcast_in_dim3A_1201, %broadcast_in_dim3A_1101 : vector<16xi32>
    %select_n3A_1203 = arith.select %lt3A_1202, %get3A_1198, %broadcast_in_dim3A_9 : vector<16xi1>, vector<16xi32>
    %add3A_1204 = arith.addi %add3A_1196, %select_n3A_1203 : vector<16xi32>
    %get3A_1205 = arith.constant 208 : index
    %get3A_1206 = tpu.vector_load %arg14[%get3A_1205] {strides = array<i32>} : memref<512xi32, #tpu.memory_space<vmem>>, vector<16xi32>,
    %add3A_1207 = arith.addi %add3A_1199, %get3A_1206 : vector<16xi32>
    %broadcast_in_dim3A_1208 = arith.constant 13 : i32
    %broadcast_in_dim3A_1209 = vector.broadcast %broadcast_in_dim3A_1208 : i32 to vector<16xi32>
    %lt3A_1210 = arith.cmpi slt, %broadcast_in_dim3A_1209, %broadcast_in_dim3A_1101 : vector<16xi32>
    %select_n3A_1211 = arith.select %lt3A_1210, %get3A_1206, %broadcast_in_dim3A_9 : vector<16xi1>, vector<16xi32>
    %add3A_1212 = arith.addi %add3A_1204, %select_n3A_1211 : vector<16xi32>
    %get3A_1213 = arith.constant 224 : index
    %get3A_1214 = tpu.vector_load %arg14[%get3A_1213] {strides = array<i32>} : memref<512xi32, #tpu.memory_space<vmem>>, vector<16xi32>,
    %add3A_1215 = arith.addi %add3A_1207, %get3A_1214 : vector<16xi32>
    %broadcast_in_dim3A_1216 = arith.constant 14 : i32
    %broadcast_in_dim3A_1217 = vector.broadcast %broadcast_in_dim3A_1216 : i32 to vector<16xi32>
    %lt3A_1218 = arith.cmpi slt, %broadcast_in_dim3A_1217, %broadcast_in_dim3A_1101 : vector<16xi32>
    %select_n3A_1219 = arith.select %lt3A_1218, %get3A_1214, %broadcast_in_dim3A_9 : vector<16xi1>, vector<16xi32>
    %add3A_1220 = arith.addi %add3A_1212, %select_n3A_1219 : vector<16xi32>
    %get3A_1221 = arith.constant 240 : index
    %get3A_1222 = tpu.vector_load %arg14[%get3A_1221] {strides = array<i32>} : memref<512xi32, #tpu.memory_space<vmem>>, vector<16xi32>,
    %add3A_1223 = arith.addi %add3A_1215, %get3A_1222 : vector<16xi32>
    %broadcast_in_dim3A_1224 = arith.constant 15 : i32
    %broadcast_in_dim3A_1225 = vector.broadcast %broadcast_in_dim3A_1224 : i32 to vector<16xi32>
    %lt3A_1226 = arith.cmpi slt, %broadcast_in_dim3A_1225, %broadcast_in_dim3A_1101 : vector<16xi32>
    %select_n3A_1227 = arith.select %lt3A_1226, %get3A_1222, %broadcast_in_dim3A_9 : vector<16xi1>, vector<16xi32>
    %add3A_1228 = arith.addi %add3A_1220, %select_n3A_1227 : vector<16xi32>
    %get3A_1229 = arith.constant 256 : index
    %get3A_1230 = tpu.vector_load %arg14[%get3A_1229] {strides = array<i32>} : memref<512xi32, #tpu.memory_space<vmem>>, vector<16xi32>,
    %add3A_1231 = arith.addi %add3A_1223, %get3A_1230 : vector<16xi32>
    %broadcast_in_dim3A_1232 = arith.constant 16 : i32
    %broadcast_in_dim3A_1233 = vector.broadcast %broadcast_in_dim3A_1232 : i32 to vector<16xi32>
    %lt3A_1234 = arith.cmpi slt, %broadcast_in_dim3A_1233, %broadcast_in_dim3A_1101 : vector<16xi32>
    %select_n3A_1235 = arith.select %lt3A_1234, %get3A_1230, %broadcast_in_dim3A_9 : vector<16xi1>, vector<16xi32>
    %add3A_1236 = arith.addi %add3A_1228, %select_n3A_1235 : vector<16xi32>
    %get3A_1237 = arith.constant 272 : index
    %get3A_1238 = tpu.vector_load %arg14[%get3A_1237] {strides = array<i32>} : memref<512xi32, #tpu.memory_space<vmem>>, vector<16xi32>,
    %add3A_1239 = arith.addi %add3A_1231, %get3A_1238 : vector<16xi32>
    %broadcast_in_dim3A_1240 = arith.constant 17 : i32
    %broadcast_in_dim3A_1241 = vector.broadcast %broadcast_in_dim3A_1240 : i32 to vector<16xi32>
    %lt3A_1242 = arith.cmpi slt, %broadcast_in_dim3A_1241, %broadcast_in_dim3A_1101 : vector<16xi32>
    %select_n3A_1243 = arith.select %lt3A_1242, %get3A_1238, %broadcast_in_dim3A_9 : vector<16xi1>, vector<16xi32>
    %add3A_1244 = arith.addi %add3A_1236, %select_n3A_1243 : vector<16xi32>
    %get3A_1245 = arith.constant 288 : index
    %get3A_1246 = tpu.vector_load %arg14[%get3A_1245] {strides = array<i32>} : memref<512xi32, #tpu.memory_space<vmem>>, vector<16xi32>,
    %add3A_1247 = arith.addi %add3A_1239, %get3A_1246 : vector<16xi32>
    %broadcast_in_dim3A_1248 = arith.constant 18 : i32
    %broadcast_in_dim3A_1249 = vector.broadcast %broadcast_in_dim3A_1248 : i32 to vector<16xi32>
    %lt3A_1250 = arith.cmpi slt, %broadcast_in_dim3A_1249, %broadcast_in_dim3A_1101 : vector<16xi32>
    %select_n3A_1251 = arith.select %lt3A_1250, %get3A_1246, %broadcast_in_dim3A_9 : vector<16xi1>, vector<16xi32>
    %add3A_1252 = arith.addi %add3A_1244, %select_n3A_1251 : vector<16xi32>
    %get3A_1253 = arith.constant 304 : index
    %get3A_1254 = tpu.vector_load %arg14[%get3A_1253] {strides = array<i32>} : memref<512xi32, #tpu.memory_space<vmem>>, vector<16xi32>,
    %add3A_1255 = arith.addi %add3A_1247, %get3A_1254 : vector<16xi32>
    %broadcast_in_dim3A_1256 = arith.constant 19 : i32
    %broadcast_in_dim3A_1257 = vector.broadcast %broadcast_in_dim3A_1256 : i32 to vector<16xi32>
    %lt3A_1258 = arith.cmpi slt, %broadcast_in_dim3A_1257, %broadcast_in_dim3A_1101 : vector<16xi32>
    %select_n3A_1259 = arith.select %lt3A_1258, %get3A_1254, %broadcast_in_dim3A_9 : vector<16xi1>, vector<16xi32>
    %add3A_1260 = arith.addi %add3A_1252, %select_n3A_1259 : vector<16xi32>
    %get3A_1261 = arith.constant 320 : index
    %get3A_1262 = tpu.vector_load %arg14[%get3A_1261] {strides = array<i32>} : memref<512xi32, #tpu.memory_space<vmem>>, vector<16xi32>,
    %add3A_1263 = arith.addi %add3A_1255, %get3A_1262 : vector<16xi32>
    %broadcast_in_dim3A_1264 = arith.constant 20 : i32
    %broadcast_in_dim3A_1265 = vector.broadcast %broadcast_in_dim3A_1264 : i32 to vector<16xi32>
    %lt3A_1266 = arith.cmpi slt, %broadcast_in_dim3A_1265, %broadcast_in_dim3A_1101 : vector<16xi32>
    %select_n3A_1267 = arith.select %lt3A_1266, %get3A_1262, %broadcast_in_dim3A_9 : vector<16xi1>, vector<16xi32>
    %add3A_1268 = arith.addi %add3A_1260, %select_n3A_1267 : vector<16xi32>
    %get3A_1269 = arith.constant 336 : index
    %get3A_1270 = tpu.vector_load %arg14[%get3A_1269] {strides = array<i32>} : memref<512xi32, #tpu.memory_space<vmem>>, vector<16xi32>,
    %add3A_1271 = arith.addi %add3A_1263, %get3A_1270 : vector<16xi32>
    %broadcast_in_dim3A_1272 = arith.constant 21 : i32
    %broadcast_in_dim3A_1273 = vector.broadcast %broadcast_in_dim3A_1272 : i32 to vector<16xi32>
    %lt3A_1274 = arith.cmpi slt, %broadcast_in_dim3A_1273, %broadcast_in_dim3A_1101 : vector<16xi32>
    %select_n3A_1275 = arith.select %lt3A_1274, %get3A_1270, %broadcast_in_dim3A_9 : vector<16xi1>, vector<16xi32>
    %add3A_1276 = arith.addi %add3A_1268, %select_n3A_1275 : vector<16xi32>
    %get3A_1277 = arith.constant 352 : index
    %get3A_1278 = tpu.vector_load %arg14[%get3A_1277] {strides = array<i32>} : memref<512xi32, #tpu.memory_space<vmem>>, vector<16xi32>,
    %add3A_1279 = arith.addi %add3A_1271, %get3A_1278 : vector<16xi32>
    %broadcast_in_dim3A_1280 = arith.constant 22 : i32
    %broadcast_in_dim3A_1281 = vector.broadcast %broadcast_in_dim3A_1280 : i32 to vector<16xi32>
    %lt3A_1282 = arith.cmpi slt, %broadcast_in_dim3A_1281, %broadcast_in_dim3A_1101 : vector<16xi32>
    %select_n3A_1283 = arith.select %lt3A_1282, %get3A_1278, %broadcast_in_dim3A_9 : vector<16xi1>, vector<16xi32>
    %add3A_1284 = arith.addi %add3A_1276, %select_n3A_1283 : vector<16xi32>
    %get3A_1285 = arith.constant 368 : index
    %get3A_1286 = tpu.vector_load %arg14[%get3A_1285] {strides = array<i32>} : memref<512xi32, #tpu.memory_space<vmem>>, vector<16xi32>,
    %add3A_1287 = arith.addi %add3A_1279, %get3A_1286 : vector<16xi32>
    %broadcast_in_dim3A_1288 = arith.constant 23 : i32
    %broadcast_in_dim3A_1289 = vector.broadcast %broadcast_in_dim3A_1288 : i32 to vector<16xi32>
    %lt3A_1290 = arith.cmpi slt, %broadcast_in_dim3A_1289, %broadcast_in_dim3A_1101 : vector<16xi32>
    %select_n3A_1291 = arith.select %lt3A_1290, %get3A_1286, %broadcast_in_dim3A_9 : vector<16xi1>, vector<16xi32>
    %add3A_1292 = arith.addi %add3A_1284, %select_n3A_1291 : vector<16xi32>
    %get3A_1293 = arith.constant 384 : index
    %get3A_1294 = tpu.vector_load %arg14[%get3A_1293] {strides = array<i32>} : memref<512xi32, #tpu.memory_space<vmem>>, vector<16xi32>,
    %add3A_1295 = arith.addi %add3A_1287, %get3A_1294 : vector<16xi32>
    %broadcast_in_dim3A_1296 = arith.constant 24 : i32
    %broadcast_in_dim3A_1297 = vector.broadcast %broadcast_in_dim3A_1296 : i32 to vector<16xi32>
    %lt3A_1298 = arith.cmpi slt, %broadcast_in_dim3A_1297, %broadcast_in_dim3A_1101 : vector<16xi32>
    %select_n3A_1299 = arith.select %lt3A_1298, %get3A_1294, %broadcast_in_dim3A_9 : vector<16xi1>, vector<16xi32>
    %add3A_1300 = arith.addi %add3A_1292, %select_n3A_1299 : vector<16xi32>
    %get3A_1301 = arith.constant 400 : index
    %get3A_1302 = tpu.vector_load %arg14[%get3A_1301] {strides = array<i32>} : memref<512xi32, #tpu.memory_space<vmem>>, vector<16xi32>,
    %add3A_1303 = arith.addi %add3A_1295, %get3A_1302 : vector<16xi32>
    %broadcast_in_dim3A_1304 = arith.constant 25 : i32
    %broadcast_in_dim3A_1305 = vector.broadcast %broadcast_in_dim3A_1304 : i32 to vector<16xi32>
    %lt3A_1306 = arith.cmpi slt, %broadcast_in_dim3A_1305, %broadcast_in_dim3A_1101 : vector<16xi32>
    %select_n3A_1307 = arith.select %lt3A_1306, %get3A_1302, %broadcast_in_dim3A_9 : vector<16xi1>, vector<16xi32>
    %add3A_1308 = arith.addi %add3A_1300, %select_n3A_1307 : vector<16xi32>
    %get3A_1309 = arith.constant 416 : index
    %get3A_1310 = tpu.vector_load %arg14[%get3A_1309] {strides = array<i32>} : memref<512xi32, #tpu.memory_space<vmem>>, vector<16xi32>,
    %add3A_1311 = arith.addi %add3A_1303, %get3A_1310 : vector<16xi32>
    %broadcast_in_dim3A_1312 = arith.constant 26 : i32
    %broadcast_in_dim3A_1313 = vector.broadcast %broadcast_in_dim3A_1312 : i32 to vector<16xi32>
    %lt3A_1314 = arith.cmpi slt, %broadcast_in_dim3A_1313, %broadcast_in_dim3A_1101 : vector<16xi32>
    %select_n3A_1315 = arith.select %lt3A_1314, %get3A_1310, %broadcast_in_dim3A_9 : vector<16xi1>, vector<16xi32>
    %add3A_1316 = arith.addi %add3A_1308, %select_n3A_1315 : vector<16xi32>
    %get3A_1317 = arith.constant 432 : index
    %get3A_1318 = tpu.vector_load %arg14[%get3A_1317] {strides = array<i32>} : memref<512xi32, #tpu.memory_space<vmem>>, vector<16xi32>,
    %add3A_1319 = arith.addi %add3A_1311, %get3A_1318 : vector<16xi32>
    %broadcast_in_dim3A_1320 = arith.constant 27 : i32
    %broadcast_in_dim3A_1321 = vector.broadcast %broadcast_in_dim3A_1320 : i32 to vector<16xi32>
    %lt3A_1322 = arith.cmpi slt, %broadcast_in_dim3A_1321, %broadcast_in_dim3A_1101 : vector<16xi32>
    %select_n3A_1323 = arith.select %lt3A_1322, %get3A_1318, %broadcast_in_dim3A_9 : vector<16xi1>, vector<16xi32>
    %add3A_1324 = arith.addi %add3A_1316, %select_n3A_1323 : vector<16xi32>
    %get3A_1325 = arith.constant 448 : index
    %get3A_1326 = tpu.vector_load %arg14[%get3A_1325] {strides = array<i32>} : memref<512xi32, #tpu.memory_space<vmem>>, vector<16xi32>,
    %add3A_1327 = arith.addi %add3A_1319, %get3A_1326 : vector<16xi32>
    %broadcast_in_dim3A_1328 = arith.constant 28 : i32
    %broadcast_in_dim3A_1329 = vector.broadcast %broadcast_in_dim3A_1328 : i32 to vector<16xi32>
    %lt3A_1330 = arith.cmpi slt, %broadcast_in_dim3A_1329, %broadcast_in_dim3A_1101 : vector<16xi32>
    %select_n3A_1331 = arith.select %lt3A_1330, %get3A_1326, %broadcast_in_dim3A_9 : vector<16xi1>, vector<16xi32>
    %add3A_1332 = arith.addi %add3A_1324, %select_n3A_1331 : vector<16xi32>
    %get3A_1333 = arith.constant 464 : index
    %get3A_1334 = tpu.vector_load %arg14[%get3A_1333] {strides = array<i32>} : memref<512xi32, #tpu.memory_space<vmem>>, vector<16xi32>,
    %add3A_1335 = arith.addi %add3A_1327, %get3A_1334 : vector<16xi32>
    %broadcast_in_dim3A_1336 = arith.constant 29 : i32
    %broadcast_in_dim3A_1337 = vector.broadcast %broadcast_in_dim3A_1336 : i32 to vector<16xi32>
    %lt3A_1338 = arith.cmpi slt, %broadcast_in_dim3A_1337, %broadcast_in_dim3A_1101 : vector<16xi32>
    %select_n3A_1339 = arith.select %lt3A_1338, %get3A_1334, %broadcast_in_dim3A_9 : vector<16xi1>, vector<16xi32>
    %add3A_1340 = arith.addi %add3A_1332, %select_n3A_1339 : vector<16xi32>
    %get3A_1341 = arith.constant 480 : index
    %get3A_1342 = tpu.vector_load %arg14[%get3A_1341] {strides = array<i32>} : memref<512xi32, #tpu.memory_space<vmem>>, vector<16xi32>,
    %add3A_1343 = arith.addi %add3A_1335, %get3A_1342 : vector<16xi32>
    %broadcast_in_dim3A_1344 = arith.constant 30 : i32
    %broadcast_in_dim3A_1345 = vector.broadcast %broadcast_in_dim3A_1344 : i32 to vector<16xi32>
    %lt3A_1346 = arith.cmpi slt, %broadcast_in_dim3A_1345, %broadcast_in_dim3A_1101 : vector<16xi32>
    %select_n3A_1347 = arith.select %lt3A_1346, %get3A_1342, %broadcast_in_dim3A_9 : vector<16xi1>, vector<16xi32>
    %add3A_1348 = arith.addi %add3A_1340, %select_n3A_1347 : vector<16xi32>
    %get3A_1349 = arith.constant 496 : index
    %get3A_1350 = tpu.vector_load %arg14[%get3A_1349] {strides = array<i32>} : memref<512xi32, #tpu.memory_space<vmem>>, vector<16xi32>,
    %add3A_1351 = arith.addi %add3A_1343, %get3A_1350 : vector<16xi32>
    %broadcast_in_dim3A_1352 = arith.constant 31 : i32
    %broadcast_in_dim3A_1353 = vector.broadcast %broadcast_in_dim3A_1352 : i32 to vector<16xi32>
    %lt3A_1354 = arith.cmpi slt, %broadcast_in_dim3A_1353, %broadcast_in_dim3A_1101 : vector<16xi32>
    %select_n3A_1355 = arith.select %lt3A_1354, %get3A_1350, %broadcast_in_dim3A_9 : vector<16xi1>, vector<16xi32>
    %add3A_1356 = arith.addi %add3A_1348, %select_n3A_1355 : vector<16xi32>
    %broadcast_in_dim3A_1357 = arith.constant 127 : i32
    %broadcast_in_dim3A_1358 = vector.broadcast %broadcast_in_dim3A_1357 : i32 to vector<16xi32>
    %add3A_1359 = arith.addi %add3A_1351, %broadcast_in_dim3A_1358 : vector<16xi32>
    %broadcast_in_dim3A_1360 = arith.constant -128 : i32
    %broadcast_in_dim3A_1361 = vector.broadcast %broadcast_in_dim3A_1360 : i32 to vector<16xi32>
    %and3A = arith.andi %add3A_1359, %broadcast_in_dim3A_1361 : vector<16xi32>
    %broadcast_in_dim3A_1362 = arith.constant true
    %broadcast_in_dim3A_1363 = vector.broadcast %broadcast_in_dim3A_1362 : i1 to vector<16xi1>
    %masked_cumsum3A_1364 = tpu.scan <sum>, %and3A masked %broadcast_in_dim3A_1363 : vector<16xi32>, vector<16xi1> -> vector<16xi32>
    %sub3A_1365 = arith.subi %masked_cumsum3A_1364, %and3A : vector<16xi32>
    %add3A_1366 = arith.addi %sub3A_1365, %add3A_1356 : vector<16xi32>
    %swap3A_1367 = arith.constant 0 : index
    %swap3A_1368 = tpu.vector_load %arg15[%swap3A_1367] {strides = array<i32>} : memref<16xi32, #tpu.memory_space<vmem>>, vector<16xi32>,
    tpu.vector_store %arg15[%swap3A_1367], %add3A_1366 {strides = array<i32>} : memref<16xi32, #tpu.memory_space<vmem>>, vector<16xi32>,
    %swap3A_1369 = arith.constant 1 : index
    %swap3A_1370 = tpu.vector_load %arg16[%swap3A_1369] {strides = array<i32>} : memref<32xi32, #tpu.memory_space<vmem>>, vector<16xi32>,
    tpu.vector_store %arg16[%swap3A_1369], %masked_cumsum3A_1364 {strides = array<i32>} : memref<32xi32, #tpu.memory_space<vmem>>, vector<16xi32>,
    %get3A_1371 = arith.constant 0 : index
    %get3A_1372 = tpu.vector_load %arg9[%get3A_1371] {strides = array<i32>} : memref<64xi32, #tpu.memory_space<vmem>>, vector<16xi32>,
    %get3A_1373 = arith.constant 0 : index
    %get3A_1374 = tpu.vector_load %arg10[%get3A_1373] {strides = array<i32>} : memref<64xi32, #tpu.memory_space<vmem>>, vector<16xi32>,
    %gather3A_1375 = tpu.vector_load_idx %arg15[%get3A_1372] : memref<16xi32, #tpu.memory_space<vmem>>[vector<16xi32>], vector<16xi32>,
    %add3A_1376 = arith.addi %get3A_1374, %gather3A_1375 : vector<16xi32>
    %swap3A_1377 = arith.constant 0 : index
    %swap3A_1378 = tpu.vector_load %arg11[%swap3A_1377] {strides = array<i32>} : memref<64xi32, #tpu.memory_space<vmem>>, vector<16xi32>,
    tpu.vector_store %arg11[%swap3A_1377], %add3A_1376 {strides = array<i32>} : memref<64xi32, #tpu.memory_space<vmem>>, vector<16xi32>,
    %get3A_1379 = arith.constant 16 : index
    %get3A_1380 = tpu.vector_load %arg9[%get3A_1379] {strides = array<i32>} : memref<64xi32, #tpu.memory_space<vmem>>, vector<16xi32>,
    %get3A_1381 = arith.constant 16 : index
    %get3A_1382 = tpu.vector_load %arg10[%get3A_1381] {strides = array<i32>} : memref<64xi32, #tpu.memory_space<vmem>>, vector<16xi32>,
    %gather3A_1383 = tpu.vector_load_idx %arg15[%get3A_1380] : memref<16xi32, #tpu.memory_space<vmem>>[vector<16xi32>], vector<16xi32>,
    %add3A_1384 = arith.addi %get3A_1382, %gather3A_1383 : vector<16xi32>
    %swap3A_1385 = arith.constant 16 : index
    %swap3A_1386 = tpu.vector_load %arg11[%swap3A_1385] {strides = array<i32>} : memref<64xi32, #tpu.memory_space<vmem>>, vector<16xi32>,
    tpu.vector_store %arg11[%swap3A_1385], %add3A_1384 {strides = array<i32>} : memref<64xi32, #tpu.memory_space<vmem>>, vector<16xi32>,
    %get3A_1387 = arith.constant 32 : index
    %get3A_1388 = tpu.vector_load %arg9[%get3A_1387] {strides = array<i32>} : memref<64xi32, #tpu.memory_space<vmem>>, vector<16xi32>,
    %get3A_1389 = arith.constant 32 : index
    %get3A_1390 = tpu.vector_load %arg10[%get3A_1389] {strides = array<i32>} : memref<64xi32, #tpu.memory_space<vmem>>, vector<16xi32>,
    %gather3A_1391 = tpu.vector_load_idx %arg15[%get3A_1388] : memref<16xi32, #tpu.memory_space<vmem>>[vector<16xi32>], vector<16xi32>,
    %add3A_1392 = arith.addi %get3A_1390, %gather3A_1391 : vector<16xi32>
    %swap3A_1393 = arith.constant 32 : index
    %swap3A_1394 = tpu.vector_load %arg11[%swap3A_1393] {strides = array<i32>} : memref<64xi32, #tpu.memory_space<vmem>>, vector<16xi32>,
    tpu.vector_store %arg11[%swap3A_1393], %add3A_1392 {strides = array<i32>} : memref<64xi32, #tpu.memory_space<vmem>>, vector<16xi32>,
    %get3A_1395 = arith.constant 48 : index
    %get3A_1396 = tpu.vector_load %arg9[%get3A_1395] {strides = array<i32>} : memref<64xi32, #tpu.memory_space<vmem>>, vector<16xi32>,
    %get3A_1397 = arith.constant 48 : index
    %get3A_1398 = tpu.vector_load %arg10[%get3A_1397] {strides = array<i32>} : memref<64xi32, #tpu.memory_space<vmem>>, vector<16xi32>,
    %gather3A_1399 = tpu.vector_load_idx %arg15[%get3A_1396] : memref<16xi32, #tpu.memory_space<vmem>>[vector<16xi32>], vector<16xi32>,
    %add3A_1400 = arith.addi %get3A_1398, %gather3A_1399 : vector<16xi32>
    %swap3A_1401 = arith.constant 48 : index
    %swap3A_1402 = tpu.vector_load %arg11[%swap3A_1401] {strides = array<i32>} : memref<64xi32, #tpu.memory_space<vmem>>, vector<16xi32>,
    tpu.vector_store %arg11[%swap3A_1401], %add3A_1400 {strides = array<i32>} : memref<64xi32, #tpu.memory_space<vmem>>, vector<16xi32>,
    "tpu.region"() ({
      %run_scoped3A_1417 = tpu.sem_alloc : memref<!tpu.dma_semaphore, #tpu.memory_space<semaphore_mem>>
      %dma_start3A_1418 = tpu.memref_slice %arg5[%mul3A_6] : memref<2048xi32, #tpu.memory_space<hbm>> -> memref<64xi32, #tpu.memory_space<hbm>>
      %dma_start3A_1419 = tpu.memref_slice %arg5[%mul3A_6] : memref<2048xi32, #tpu.memory_space<hbm>> -> memref<64xi32, #tpu.memory_space<hbm>>
      tpu.enqueue_dma source(%arg11 : memref<64xi32, #tpu.memory_space<vmem>>) target(%dma_start3A_1419 : memref<64xi32, #tpu.memory_space<hbm>>) target_semaphore(%run_scoped3A_1417 : memref<!tpu.dma_semaphore, #tpu.memory_space<semaphore_mem>>)
      %dma_wait3A_1420 = tpu.memref_slice %arg5[%mul3A_6] : memref<2048xi32, #tpu.memory_space<hbm>> -> memref<64xi32, #tpu.memory_space<hbm>>
      %dma_wait3A_1421 = tpu.memref_slice %arg5[%mul3A_6] : memref<2048xi32, #tpu.memory_space<hbm>> -> memref<64xi32, #tpu.memory_space<hbm>>
      tpu.wait_dma2 semaphore(%run_scoped3A_1417 : memref<!tpu.dma_semaphore, #tpu.memory_space<semaphore_mem>>) src(%arg11 : memref<64xi32, #tpu.memory_space<vmem>>) dst(%dma_wait3A_1421 : memref<64xi32, #tpu.memory_space<hbm>>)
      tpu.yield
    }) : () -> ()
    %dma_wait3A_1403 = arith.constant 0 : i32
    %dma_wait3A_1404 = tpu.memref_slice %arg3[%mul3A_6, %dma_wait3A_1403] : memref<2048x1024xf32, #tpu.memory_space<hbm>> -> memref<64x1024xf32, #tpu.memory_space<hbm>>
    %dma_wait3A_1405 = arith.constant 0 : i32
    %dma_wait3A_1406 = tpu.memref_slice %arg3[%mul3A_6, %dma_wait3A_1405] : memref<2048x1024xf32, #tpu.memory_space<hbm>> -> memref<64x1024xf32, #tpu.memory_space<hbm>>
    tpu.wait_dma2 semaphore(%arg21 : memref<!tpu.dma_semaphore, #tpu.memory_space<semaphore_mem>>) src(%dma_wait3A_1406 : memref<64x1024xf32, #tpu.memory_space<hbm>>) dst(%arg18 : memref<64x1024xf32, #tpu.memory_space<vmem>>)
    %dma_start3A_1407 = arith.constant 0 : i32
    %dma_start3A_1408 = arith.constant 0 : i32
    %dma_start3A_1409 = tpu.memref_slice %arg4[%dma_start3A_1407, %dma_start3A_1408] : memref<3072x1024xf32, #tpu.memory_space<hbm>> -> memref<3072x1024xf32, #tpu.memory_space<hbm>>
    tpu.enqueue_indirect_dma source(%arg18 : memref<64x1024xf32, #tpu.memory_space<vmem>>) target(%dma_start3A_1409 : memref<3072x1024xf32, #tpu.memory_space<hbm>>) offsets(%arg11 : memref<64xi32, #tpu.memory_space<vmem>>) semaphore(%arg20 : memref<!tpu.dma_semaphore, #tpu.memory_space<semaphore_mem>>)
    %dma_wait3A_1410 = arith.constant 0 : i32
    %dma_wait3A_1411 = arith.constant 0 : i32
    %dma_wait3A_1412 = tpu.memref_slice %arg4[%dma_wait3A_1410, %dma_wait3A_1411] : memref<3072x1024xf32, #tpu.memory_space<hbm>> -> memref<3072x1024xf32, #tpu.memory_space<hbm>>
    tpu.wait_indirect_dma semaphore(%arg20 : memref<!tpu.dma_semaphore, #tpu.memory_space<semaphore_mem>>) src(%arg18 : memref<64x1024xf32, #tpu.memory_space<vmem>>) dst(%dma_wait3A_1412 : memref<3072x1024xf32, #tpu.memory_space<hbm>>)
    %eq3A_1413 = arith.constant 0 : i32
    %eq3A_1414 = arith.cmpi eq, %add3A, %eq3A_1413 : i32
    %convert_element_type3A_1415 = arith.extui %eq3A_1414 : i1 to i32
    %cond3A = arith.constant 0 : i32
    %cond3A_1416 = arith.cmpi ne, %convert_element_type3A_1415, %cond3A : i32
    scf.if %cond3A_1416 {
      %broadcast_in_dim3A_1417 = arith.constant 128 : i32
      %broadcast_in_dim3A_1418 = vector.broadcast %broadcast_in_dim3A_1417 : i32 to vector<16xi32>
      %mul3A_1419 = arith.muli %iota3A, %broadcast_in_dim3A_1418 : vector<16xi32>
      %broadcast_in_dim3A_1420 = arith.constant 16 : i32
      %broadcast_in_dim3A_1421 = vector.broadcast %broadcast_in_dim3A_1420 : i32 to vector<16xi32>
      %add3A_1422 = arith.addi %iota3A, %broadcast_in_dim3A_1421 : vector<16xi32>
      %broadcast_in_dim3A_1423 = arith.constant 128 : i32
      %broadcast_in_dim3A_1424 = vector.broadcast %broadcast_in_dim3A_1423 : i32 to vector<16xi32>
      %mul3A_1425 = arith.muli %add3A_1422, %broadcast_in_dim3A_1424 : vector<16xi32>
      %broadcast_in_dim3A_1426 = arith.constant 1 : i32
      %broadcast_in_dim3A_1427 = vector.broadcast %broadcast_in_dim3A_1426 : i32 to vector<16xi32>
      %gather3A_1428 = tpu.vector_load_idx %arg16[%broadcast_in_dim3A_1427] : memref<32xi32, #tpu.memory_space<vmem>>[vector<16xi32>], vector<16xi32>,
      %ge3A = arith.cmpi sge, %mul3A_1419, %gather3A_1428 : vector<16xi32>
      %convert_element_type3A_1429 = arith.extui %ge3A : vector<16xi1> to vector<16xi32>
      %add3A_1430 = arith.addi %broadcast_in_dim3A_9, %convert_element_type3A_1429 : vector<16xi32>
      %ge3A_1431 = arith.cmpi sge, %mul3A_1425, %gather3A_1428 : vector<16xi32>
      %convert_element_type3A_1432 = arith.extui %ge3A_1431 : vector<16xi1> to vector<16xi32>
      %add3A_1433 = arith.addi %broadcast_in_dim3A_9, %convert_element_type3A_1432 : vector<16xi32>
      %broadcast_in_dim3A_1434 = arith.constant 2 : i32
      %broadcast_in_dim3A_1435 = vector.broadcast %broadcast_in_dim3A_1434 : i32 to vector<16xi32>
      %gather3A_1436 = tpu.vector_load_idx %arg16[%broadcast_in_dim3A_1435] : memref<32xi32, #tpu.memory_space<vmem>>[vector<16xi32>], vector<16xi32>,
      %ge3A_1437 = arith.cmpi sge, %mul3A_1419, %gather3A_1436 : vector<16xi32>
      %convert_element_type3A_1438 = arith.extui %ge3A_1437 : vector<16xi1> to vector<16xi32>
      %add3A_1439 = arith.addi %add3A_1430, %convert_element_type3A_1438 : vector<16xi32>
      %ge3A_1440 = arith.cmpi sge, %mul3A_1425, %gather3A_1436 : vector<16xi32>
      %convert_element_type3A_1441 = arith.extui %ge3A_1440 : vector<16xi1> to vector<16xi32>
      %add3A_1442 = arith.addi %add3A_1433, %convert_element_type3A_1441 : vector<16xi32>
      %broadcast_in_dim3A_1443 = arith.constant 3 : i32
      %broadcast_in_dim3A_1444 = vector.broadcast %broadcast_in_dim3A_1443 : i32 to vector<16xi32>
      %gather3A_1445 = tpu.vector_load_idx %arg16[%broadcast_in_dim3A_1444] : memref<32xi32, #tpu.memory_space<vmem>>[vector<16xi32>], vector<16xi32>,
      %ge3A_1446 = arith.cmpi sge, %mul3A_1419, %gather3A_1445 : vector<16xi32>
      %convert_element_type3A_1447 = arith.extui %ge3A_1446 : vector<16xi1> to vector<16xi32>
      %add3A_1448 = arith.addi %add3A_1439, %convert_element_type3A_1447 : vector<16xi32>
      %ge3A_1449 = arith.cmpi sge, %mul3A_1425, %gather3A_1445 : vector<16xi32>
      %convert_element_type3A_1450 = arith.extui %ge3A_1449 : vector<16xi1> to vector<16xi32>
      %add3A_1451 = arith.addi %add3A_1442, %convert_element_type3A_1450 : vector<16xi32>
      %broadcast_in_dim3A_1452 = arith.constant 4 : i32
      %broadcast_in_dim3A_1453 = vector.broadcast %broadcast_in_dim3A_1452 : i32 to vector<16xi32>
      %gather3A_1454 = tpu.vector_load_idx %arg16[%broadcast_in_dim3A_1453] : memref<32xi32, #tpu.memory_space<vmem>>[vector<16xi32>], vector<16xi32>,
      %ge3A_1455 = arith.cmpi sge, %mul3A_1419, %gather3A_1454 : vector<16xi32>
      %convert_element_type3A_1456 = arith.extui %ge3A_1455 : vector<16xi1> to vector<16xi32>
      %add3A_1457 = arith.addi %add3A_1448, %convert_element_type3A_1456 : vector<16xi32>
      %ge3A_1458 = arith.cmpi sge, %mul3A_1425, %gather3A_1454 : vector<16xi32>
      %convert_element_type3A_1459 = arith.extui %ge3A_1458 : vector<16xi1> to vector<16xi32>
      %add3A_1460 = arith.addi %add3A_1451, %convert_element_type3A_1459 : vector<16xi32>
      %broadcast_in_dim3A_1461 = arith.constant 5 : i32
      %broadcast_in_dim3A_1462 = vector.broadcast %broadcast_in_dim3A_1461 : i32 to vector<16xi32>
      %gather3A_1463 = tpu.vector_load_idx %arg16[%broadcast_in_dim3A_1462] : memref<32xi32, #tpu.memory_space<vmem>>[vector<16xi32>], vector<16xi32>,
      %ge3A_1464 = arith.cmpi sge, %mul3A_1419, %gather3A_1463 : vector<16xi32>
      %convert_element_type3A_1465 = arith.extui %ge3A_1464 : vector<16xi1> to vector<16xi32>
      %add3A_1466 = arith.addi %add3A_1457, %convert_element_type3A_1465 : vector<16xi32>
      %ge3A_1467 = arith.cmpi sge, %mul3A_1425, %gather3A_1463 : vector<16xi32>
      %convert_element_type3A_1468 = arith.extui %ge3A_1467 : vector<16xi1> to vector<16xi32>
      %add3A_1469 = arith.addi %add3A_1460, %convert_element_type3A_1468 : vector<16xi32>
      %broadcast_in_dim3A_1470 = arith.constant 6 : i32
      %broadcast_in_dim3A_1471 = vector.broadcast %broadcast_in_dim3A_1470 : i32 to vector<16xi32>
      %gather3A_1472 = tpu.vector_load_idx %arg16[%broadcast_in_dim3A_1471] : memref<32xi32, #tpu.memory_space<vmem>>[vector<16xi32>], vector<16xi32>,
      %ge3A_1473 = arith.cmpi sge, %mul3A_1419, %gather3A_1472 : vector<16xi32>
      %convert_element_type3A_1474 = arith.extui %ge3A_1473 : vector<16xi1> to vector<16xi32>
      %add3A_1475 = arith.addi %add3A_1466, %convert_element_type3A_1474 : vector<16xi32>
      %ge3A_1476 = arith.cmpi sge, %mul3A_1425, %gather3A_1472 : vector<16xi32>
      %convert_element_type3A_1477 = arith.extui %ge3A_1476 : vector<16xi1> to vector<16xi32>
      %add3A_1478 = arith.addi %add3A_1469, %convert_element_type3A_1477 : vector<16xi32>
      %broadcast_in_dim3A_1479 = arith.constant 7 : i32
      %broadcast_in_dim3A_1480 = vector.broadcast %broadcast_in_dim3A_1479 : i32 to vector<16xi32>
      %gather3A_1481 = tpu.vector_load_idx %arg16[%broadcast_in_dim3A_1480] : memref<32xi32, #tpu.memory_space<vmem>>[vector<16xi32>], vector<16xi32>,
      %ge3A_1482 = arith.cmpi sge, %mul3A_1419, %gather3A_1481 : vector<16xi32>
      %convert_element_type3A_1483 = arith.extui %ge3A_1482 : vector<16xi1> to vector<16xi32>
      %add3A_1484 = arith.addi %add3A_1475, %convert_element_type3A_1483 : vector<16xi32>
      %ge3A_1485 = arith.cmpi sge, %mul3A_1425, %gather3A_1481 : vector<16xi32>
      %convert_element_type3A_1486 = arith.extui %ge3A_1485 : vector<16xi1> to vector<16xi32>
      %add3A_1487 = arith.addi %add3A_1478, %convert_element_type3A_1486 : vector<16xi32>
      %broadcast_in_dim3A_1488 = arith.constant 8 : i32
      %broadcast_in_dim3A_1489 = vector.broadcast %broadcast_in_dim3A_1488 : i32 to vector<16xi32>
      %gather3A_1490 = tpu.vector_load_idx %arg16[%broadcast_in_dim3A_1489] : memref<32xi32, #tpu.memory_space<vmem>>[vector<16xi32>], vector<16xi32>,
      %swap3A_1491 = arith.constant 0 : index
      %swap3A_1492 = tpu.vector_load %arg17[%swap3A_1491] {strides = array<i32>} : memref<48xi32, #tpu.memory_space<vmem>>, vector<16xi32>,
      tpu.vector_store %arg17[%swap3A_1491], %add3A_1484 {strides = array<i32>} : memref<48xi32, #tpu.memory_space<vmem>>, vector<16xi32>,
      %swap3A_1493 = arith.constant 16 : index
      %swap3A_1494 = tpu.vector_load %arg17[%swap3A_1493] {strides = array<i32>} : memref<48xi32, #tpu.memory_space<vmem>>, vector<16xi32>,
      tpu.vector_store %arg17[%swap3A_1493], %add3A_1487 {strides = array<i32>} : memref<48xi32, #tpu.memory_space<vmem>>, vector<16xi32>,
      %eq3A_1495 = arith.cmpi eq, %iota3A, %broadcast_in_dim3A_9 : vector<16xi32>
      %convert_element_type3A_1496 = arith.extui %eq3A_1495 : vector<16xi1> to vector<16xi32>
      %mul3A_1497 = arith.muli %convert_element_type3A_1496, %gather3A_1490 : vector<16xi32>
      %swap3A_1498 = arith.constant 32 : index
      %swap3A_1499 = tpu.vector_load %arg17[%swap3A_1498] {strides = array<i32>} : memref<48xi32, #tpu.memory_space<vmem>>, vector<16xi32>,
      tpu.vector_store %arg17[%swap3A_1498], %mul3A_1497 {strides = array<i32>} : memref<48xi32, #tpu.memory_space<vmem>>, vector<16xi32>,
      "tpu.region"() ({
        %run_scoped3A_1500 = tpu.sem_alloc : memref<!tpu.dma_semaphore, #tpu.memory_space<semaphore_mem>>
        tpu.enqueue_dma source(%arg17 : memref<48xi32, #tpu.memory_space<vmem>>) target(%arg6 : memref<48xi32, #tpu.memory_space<hbm>>) target_semaphore(%run_scoped3A_1500 : memref<!tpu.dma_semaphore, #tpu.memory_space<semaphore_mem>>)
        tpu.wait_dma2 semaphore(%run_scoped3A_1500 : memref<!tpu.dma_semaphore, #tpu.memory_space<semaphore_mem>>) src(%arg17 : memref<48xi32, #tpu.memory_space<vmem>>) dst(%arg6 : memref<48xi32, #tpu.memory_space<hbm>>)
        tpu.yield
      }) : () -> ()
    } else {
    }
    return
  }
}

#map = affine_map<(d0, d1) -> (0)>
#map1 = affine_map<(d0, d1) -> (0, 0)>
module attributes {stable_mosaic.version = 14 : i64} {
  func.func @_gather_body(%arg0: i32, %arg1: i32, %arg2: memref<2048xi32, #tpu.memory_space<hbm>>, %arg3: memref<3072x1024xf32, #tpu.memory_space<hbm>>, %arg4: memref<2048x1024xf32, #tpu.memory_space<hbm>>, %arg5: memref<64xi32, #tpu.memory_space<vmem>>, %arg6: memref<64x1024xf32, #tpu.memory_space<vmem>>, %arg7: memref<!tpu.dma_semaphore, #tpu.memory_space<semaphore_mem>>) attributes {dimension_semantics = [#tpu.dimension_semantics<core_parallel>, #tpu.dimension_semantics<subcore_parallel>], iteration_bounds = array<i64: 2, 16>, scalar_prefetch = 0 : i64, scratch_operands = 3 : i64, tpu.core_type = #tpu.core_type<sc_vector_subcore>, window_params = [{transform_indices = #map}, {transform_indices = #map1}, {transform_indices = #map1}]} {
    %mul3A = arith.constant 2 : i32
    %mul3A_0 = arith.muli %arg1, %mul3A : i32
    %add3A = arith.addi %mul3A_0, %arg0 : i32
    %mul3A_1 = arith.constant 64 : i32
    %mul3A_2 = arith.muli %add3A, %mul3A_1 : i32
    "tpu.region"() ({
      %run_scoped3A = tpu.sem_alloc : memref<!tpu.dma_semaphore, #tpu.memory_space<semaphore_mem>>
      %dma_start3A_7 = tpu.memref_slice %arg2[%mul3A_2] : memref<2048xi32, #tpu.memory_space<hbm>> -> memref<64xi32, #tpu.memory_space<hbm>>
      %dma_start3A_8 = tpu.memref_slice %arg2[%mul3A_2] : memref<2048xi32, #tpu.memory_space<hbm>> -> memref<64xi32, #tpu.memory_space<hbm>>
      tpu.enqueue_dma source(%dma_start3A_8 : memref<64xi32, #tpu.memory_space<hbm>>) target(%arg5 : memref<64xi32, #tpu.memory_space<vmem>>) target_semaphore(%run_scoped3A : memref<!tpu.dma_semaphore, #tpu.memory_space<semaphore_mem>>)
      %dma_wait3A_9 = tpu.memref_slice %arg2[%mul3A_2] : memref<2048xi32, #tpu.memory_space<hbm>> -> memref<64xi32, #tpu.memory_space<hbm>>
      %dma_wait3A_10 = tpu.memref_slice %arg2[%mul3A_2] : memref<2048xi32, #tpu.memory_space<hbm>> -> memref<64xi32, #tpu.memory_space<hbm>>
      tpu.wait_dma2 semaphore(%run_scoped3A : memref<!tpu.dma_semaphore, #tpu.memory_space<semaphore_mem>>) src(%dma_wait3A_10 : memref<64xi32, #tpu.memory_space<hbm>>) dst(%arg5 : memref<64xi32, #tpu.memory_space<vmem>>)
      tpu.yield
    }) : () -> ()
    %dma_start3A = arith.constant 0 : i32
    %dma_start3A_3 = arith.constant 0 : i32
    %dma_start3A_4 = tpu.memref_slice %arg3[%dma_start3A, %dma_start3A_3] : memref<3072x1024xf32, #tpu.memory_space<hbm>> -> memref<3072x1024xf32, #tpu.memory_space<hbm>>
    tpu.enqueue_indirect_dma source(%dma_start3A_4 : memref<3072x1024xf32, #tpu.memory_space<hbm>>) target(%arg6 : memref<64x1024xf32, #tpu.memory_space<vmem>>) offsets(%arg5 : memref<64xi32, #tpu.memory_space<vmem>>) semaphore(%arg7 : memref<!tpu.dma_semaphore, #tpu.memory_space<semaphore_mem>>)
    %dma_wait3A = arith.constant 0 : i32
    %dma_wait3A_5 = arith.constant 0 : i32
    %dma_wait3A_6 = tpu.memref_slice %arg3[%dma_wait3A, %dma_wait3A_5] : memref<3072x1024xf32, #tpu.memory_space<hbm>> -> memref<3072x1024xf32, #tpu.memory_space<hbm>>
    tpu.wait_indirect_dma semaphore(%arg7 : memref<!tpu.dma_semaphore, #tpu.memory_space<semaphore_mem>>) src(%dma_wait3A_6 : memref<3072x1024xf32, #tpu.memory_space<hbm>>) dst(%arg6 : memref<64x1024xf32, #tpu.memory_space<vmem>>)
    "tpu.region"() ({
      %run_scoped3A = tpu.sem_alloc : memref<!tpu.dma_semaphore, #tpu.memory_space<semaphore_mem>>
      %dma_start3A_7 = arith.constant 0 : i32
      %dma_start3A_8 = tpu.memref_slice %arg4[%mul3A_2, %dma_start3A_7] : memref<2048x1024xf32, #tpu.memory_space<hbm>> -> memref<64x1024xf32, #tpu.memory_space<hbm>>
      %dma_start3A_9 = arith.constant 0 : i32
      %dma_start3A_10 = tpu.memref_slice %arg4[%mul3A_2, %dma_start3A_9] : memref<2048x1024xf32, #tpu.memory_space<hbm>> -> memref<64x1024xf32, #tpu.memory_space<hbm>>
      tpu.enqueue_dma source(%arg6 : memref<64x1024xf32, #tpu.memory_space<vmem>>) target(%dma_start3A_10 : memref<64x1024xf32, #tpu.memory_space<hbm>>) target_semaphore(%run_scoped3A : memref<!tpu.dma_semaphore, #tpu.memory_space<semaphore_mem>>)
      %dma_wait3A_11 = arith.constant 0 : i32
      %dma_wait3A_12 = tpu.memref_slice %arg4[%mul3A_2, %dma_wait3A_11] : memref<2048x1024xf32, #tpu.memory_space<hbm>> -> memref<64x1024xf32, #tpu.memory_space<hbm>>
      %dma_wait3A_13 = arith.constant 0 : i32
      %dma_wait3A_14 = tpu.memref_slice %arg4[%mul3A_2, %dma_wait3A_13] : memref<2048x1024xf32, #tpu.memory_space<hbm>> -> memref<64x1024xf32, #tpu.memory_space<hbm>>
      tpu.wait_dma2 semaphore(%run_scoped3A : memref<!tpu.dma_semaphore, #tpu.memory_space<semaphore_mem>>) src(%arg6 : memref<64x1024xf32, #tpu.memory_space<vmem>>) dst(%dma_wait3A_14 : memref<64x1024xf32, #tpu.memory_space<hbm>>)
      tpu.yield
    }) : () -> ()
    return
  }
}

module attributes {stable_mosaic.version = 14 : i64} {
  func.func @_mm_body(%arg0: i32, %arg1: memref<32xi32, #tpu.memory_space<smem>>, %arg2: memref<8xi32, #tpu.memory_space<smem>>, %arg3: memref<128x1024xf32, #tpu.memory_space<vmem>>, %arg4: memref<1x1024x1024xf32, #tpu.memory_space<vmem>>, %arg5: memref<1x1x1024xf32, #tpu.memory_space<vmem>>, %arg6: memref<128x1024xf32, #tpu.memory_space<vmem>>) attributes {dimension_semantics = [#tpu.dimension_semantics<arbitrary>], iteration_bounds = array<i64: 24>, scalar_prefetch = 2 : i64, scratch_operands = 0 : i64, tpu.core_type = #tpu.core_type<tc>, window_params = [{transform_indices = @transform_0, window_bounds = array<i64: 128, 1024>}, {transform_indices = @transform_1, window_bounds = array<i64: 1, 1024, 1024>}, {transform_indices = @transform_2, window_bounds = array<i64: 1, 1, 1024>}, {transform_indices = @transform_3, window_bounds = array<i64: 128, 1024>}]} {
    %mul3A = arith.constant 128 : i32
    %mul3A_0 = arith.muli %arg0, %mul3A : i32
    %get3A = arith.constant 0 : index
    %get3A_1 = memref.load %arg2[%get3A] : memref<8xi32, #tpu.memory_space<smem>>
    %lt3A = arith.cmpi slt, %mul3A_0, %get3A_1 : i32
    %convert_element_type3A = arith.extui %lt3A : i1 to i32
    %cond3A = arith.constant 0 : i32
    %cond3A_2 = arith.cmpi ne, %convert_element_type3A, %cond3A : i32
    scf.if %cond3A_2 {
      %get3A_3 = arith.constant 0 : index
      %get3A_4 = arith.constant 0 : index
      %get3A_5 = vector.load %arg3[%get3A_3, %get3A_4] : memref<128x1024xf32, #tpu.memory_space<vmem>>, vector<128x1024xf32>
      %get3A_6 = arith.constant 0 : index
      %get3A_7 = arith.constant 0 : index
      %get3A_8 = arith.constant 0 : index
      %get3A_9 = vector.load %arg4[%get3A_6, %get3A_7, %get3A_8] : memref<1x1024x1024xf32, #tpu.memory_space<vmem>>, vector<1x1024x1024xf32>
      %get3A_10 = vector.shape_cast %get3A_9 : vector<1x1024x1024xf32> to vector<1024x1024xf32>
      %dot_general3A = arith.constant dense<0.000000e+00> : vector<128x1024xf32>
      %dot_general3A_11 = tpu.matmul %get3A_5, %get3A_10, %dot_general3A {dimension_numbers = #tpu.dot_dimension_numbers<[1], [1], [0], [0], [0, 0, 1, 0], [], []>, transpose_lhs_hint = false} : vector<128x1024xf32>, vector<1024x1024xf32>, vector<128x1024xf32> -> vector<128x1024xf32>
      %get3A_12 = arith.constant 0 : index
      %get3A_13 = arith.constant 0 : index
      %get3A_14 = arith.constant 0 : index
      %get3A_15 = vector.load %arg5[%get3A_12, %get3A_13, %get3A_14] : memref<1x1x1024xf32, #tpu.memory_space<vmem>>, vector<1x1x1024xf32>
      %get3A_16 = vector.shape_cast %get3A_15 : vector<1x1x1024xf32> to vector<1x1024xf32>
      %add3A = vector.broadcast %get3A_16 : vector<1x1024xf32> to vector<128x1024xf32>
      %add3A_17 = arith.addf %dot_general3A_11, %add3A : vector<128x1024xf32>
      %max3A = arith.constant 0.000000e+00 : f32
      %max3A_18 = vector.broadcast %max3A : f32 to vector<128x1024xf32>
      %max3A_19 = arith.maximumf %add3A_17, %max3A_18 : vector<128x1024xf32>
      %swap3A = arith.constant 0 : index
      %swap3A_20 = arith.constant 0 : index
      %swap3A_21 = vector.load %arg6[%swap3A, %swap3A_20] : memref<128x1024xf32, #tpu.memory_space<vmem>>, vector<128x1024xf32>
      tpu.vector_store %arg6[%swap3A, %swap3A_20], %max3A_19 {strides = array<i32>} : memref<128x1024xf32, #tpu.memory_space<vmem>>, vector<128x1024xf32>,
    } else {
    }
    return
  }
  func.func @transform_0(%arg0: i32, %arg1: memref<32xi32, #tpu.memory_space<smem>>, %arg2: memref<8xi32, #tpu.memory_space<smem>>) -> (i32, i32) {
    %get3A = arith.constant 0 : index
    %get3A_0 = memref.load %arg2[%get3A] : memref<8xi32, #tpu.memory_space<smem>>
    %add3A = arith.constant 128 : i32
    %add3A_1 = arith.addi %get3A_0, %add3A : i32
    %sub3A = arith.constant 1 : i32
    %sub3A_2 = arith.subi %add3A_1, %sub3A : i32
    %jit3A = arith.constant 128 : i32
    %div3A = arith.divsi %sub3A_2, %jit3A : i32
    %sign3A = arith.constant 0 : i32
    %sign3A_3 = arith.cmpi sgt, %sub3A_2, %sign3A : i32
    %sign3A_4 = arith.extui %sign3A_3 : i1 to i32
    %sign3A_5 = arith.constant 0 : i32
    %sign3A_6 = arith.cmpi slt, %sub3A_2, %sign3A_5 : i32
    %sign3A_7 = arith.extui %sign3A_6 : i1 to i32
    %sign3A_8 = arith.subi %sign3A_4, %sign3A_7 : i32
    %sign3A_9 = arith.constant 0 : i32
    %sign3A_10 = arith.cmpi sgt, %jit3A, %sign3A_9 : i32
    %sign3A_11 = arith.extui %sign3A_10 : i1 to i32
    %sign3A_12 = arith.constant 0 : i32
    %sign3A_13 = arith.cmpi slt, %jit3A, %sign3A_12 : i32
    %sign3A_14 = arith.extui %sign3A_13 : i1 to i32
    %sign3A_15 = arith.subi %sign3A_11, %sign3A_14 : i32
    %ne3A = arith.cmpi ne, %sign3A_8, %sign3A_15 : i32
    %rem3A = arith.remsi %sub3A_2, %jit3A : i32
    %ne3A_16 = arith.constant 0 : i32
    %ne3A_17 = arith.cmpi ne, %rem3A, %ne3A_16 : i32
    %and3A = arith.andi %ne3A, %ne3A_17 : i1
    %sub3A_18 = arith.constant 1 : i32
    %sub3A_19 = arith.subi %div3A, %sub3A_18 : i32
    %select_n3A = arith.select %and3A, %sub3A_19, %div3A : i32
    %sub3A_20 = arith.constant 1 : i32
    %sub3A_21 = arith.subi %select_n3A, %sub3A_20 : i32
    %min3A = arith.minsi %arg0, %sub3A_21 : i32
    %c0_i32 = arith.constant 0 : i32
    %c0_i32_22 = arith.constant 0 : i32
    return %min3A, %c0_i32 : i32, i32
  }
  func.func @transform_1(%arg0: i32, %arg1: memref<32xi32, #tpu.memory_space<smem>>, %arg2: memref<8xi32, #tpu.memory_space<smem>>) -> (i32, i32, i32) {
    %get3A = arith.index_cast %arg0 : i32 to index
    %get3A_0 = memref.load %arg1[%get3A] : memref<32xi32, #tpu.memory_space<smem>>
    %c0_i32 = arith.constant 0 : i32
    %c0_i32_1 = arith.constant 0 : i32
    %c0_i32_2 = arith.constant 0 : i32
    return %get3A_0, %c0_i32, %c0_i32_1 : i32, i32, i32
  }
  func.func @transform_2(%arg0: i32, %arg1: memref<32xi32, #tpu.memory_space<smem>>, %arg2: memref<8xi32, #tpu.memory_space<smem>>) -> (i32, i32, i32) {
    %get3A = arith.index_cast %arg0 : i32 to index
    %get3A_0 = memref.load %arg1[%get3A] : memref<32xi32, #tpu.memory_space<smem>>
    %c0_i32 = arith.constant 0 : i32
    %c0_i32_1 = arith.constant 0 : i32
    %c0_i32_2 = arith.constant 0 : i32
    return %get3A_0, %c0_i32, %c0_i32_1 : i32, i32, i32
  }
  func.func @transform_3(%arg0: i32, %arg1: memref<32xi32, #tpu.memory_space<smem>>, %arg2: memref<8xi32, #tpu.memory_space<smem>>) -> (i32, i32) {
    %get3A = arith.constant 0 : index
    %get3A_0 = memref.load %arg2[%get3A] : memref<8xi32, #tpu.memory_space<smem>>
    %add3A = arith.constant 128 : i32
    %add3A_1 = arith.addi %get3A_0, %add3A : i32
    %sub3A = arith.constant 1 : i32
    %sub3A_2 = arith.subi %add3A_1, %sub3A : i32
    %jit3A = arith.constant 128 : i32
    %div3A = arith.divsi %sub3A_2, %jit3A : i32
    %sign3A = arith.constant 0 : i32
    %sign3A_3 = arith.cmpi sgt, %sub3A_2, %sign3A : i32
    %sign3A_4 = arith.extui %sign3A_3 : i1 to i32
    %sign3A_5 = arith.constant 0 : i32
    %sign3A_6 = arith.cmpi slt, %sub3A_2, %sign3A_5 : i32
    %sign3A_7 = arith.extui %sign3A_6 : i1 to i32
    %sign3A_8 = arith.subi %sign3A_4, %sign3A_7 : i32
    %sign3A_9 = arith.constant 0 : i32
    %sign3A_10 = arith.cmpi sgt, %jit3A, %sign3A_9 : i32
    %sign3A_11 = arith.extui %sign3A_10 : i1 to i32
    %sign3A_12 = arith.constant 0 : i32
    %sign3A_13 = arith.cmpi slt, %jit3A, %sign3A_12 : i32
    %sign3A_14 = arith.extui %sign3A_13 : i1 to i32
    %sign3A_15 = arith.subi %sign3A_11, %sign3A_14 : i32
    %ne3A = arith.cmpi ne, %sign3A_8, %sign3A_15 : i32
    %rem3A = arith.remsi %sub3A_2, %jit3A : i32
    %ne3A_16 = arith.constant 0 : i32
    %ne3A_17 = arith.cmpi ne, %rem3A, %ne3A_16 : i32
    %and3A = arith.andi %ne3A, %ne3A_17 : i1
    %sub3A_18 = arith.constant 1 : i32
    %sub3A_19 = arith.subi %div3A, %sub3A_18 : i32
    %select_n3A = arith.select %and3A, %sub3A_19, %div3A : i32
    %sub3A_20 = arith.constant 1 : i32
    %sub3A_21 = arith.subi %select_n3A, %sub3A_20 : i32
    %min3A = arith.minsi %arg0, %sub3A_21 : i32
    %c0_i32 = arith.constant 0 : i32
    %c0_i32_22 = arith.constant 0 : i32
    return %min3A, %c0_i32 : i32, i32
  }
}

</mosaic_0001>

<sc_bundles>
// kernel: kernel.5.cloned.1.call-start
scs
__scs_entry_jumppad:
0x0: {  	(pc) =	sbr.rel $0x88, $3  }
0x1: {  	(tag) =	ssettag $0x0;
	lr =	simm.s32 $0x1  }
0x2: {  	[smem:$0x3F9D] =	sst lr;
	_ =	strace $0xD0000000  }
0x3: {  	_ = 	snop  }
0x4: {  	_ = 	snop  }
0x5: {  	_ = 	snop  }
0x6: {  	_ = 	snop  }
0x7: {  	_ = 	snop  }
__scs_overlays_trampoline_lowered:
0x8: {  	[smem:$0x3FAC] =	sst s0  }
0x9: {  	[smem:$0x3FAD] =	sst s1  }
0xa: {  	[smem:$0x3FAE] =	sst s2  }
0xb: {  	[smem:$0x3FAF] =	sst s3  }
0xc: {  	[smem:$0x3FB0] =	sst s4  }
0xd: {  	[smem:$0x3FB1] =	sst s5  }
0xe: {  	[smem:$0x3FB2] =	sst s6  }
0xf: {  	[smem:$0x3FB3] =	sst s7  }
0x10: {  	[smem:$0x3FB4] =	sst s8  }
0x11: {  	[smem:$0x3FB5] =	sst s9;
	s0 =	simm.s32 @!p0 $0x0  }
0x12: {  	s1 =	sld [smem:$0x3F9B];
	s0 =	simm.s32 @p0 $0x1  }
0x13: {  	[smem:$0x3FB6] =	sst s0;
	s0 =	simm.s32 @!p1 $0x0  }
0x14: {  	s2 =	sld [smem:$0x3F9A];
	s0 =	simm.s32 @p1 $0x1  }
0x15: {  	[smem:$0x3FB7] =	sst s0;
	s0 =	simm.s32 @!p2 $0x0  }
0x16: {  	s3 =	sld [smem:$0x3FDB];
	s0 =	simm.s32 @p2 $0x1  }
0x17: {  	s4 =	simm.s32 $0x1BF5;
	[smem:$0x3FB9] =	sst s0  }
0x18: {  	s0 =	sld [smem:$0x3F9C];
	_ =	swait.ge [sflag:s4], $0x0  }
0x19: {  	s7 =	sld [smem:$0x3F9D]  }
0x1a: {  	s8 =	sadd.s32 $0xFFFFE003, lr  }
0x1b: {  	s9 =	sadd.s32 $0xFFFFFEF7, lr;
	s5 =	simm.s32 $0xFFFFFFFF;
	p2 =	slt.u32 s8, $0xFFFFF086  }
0x1c: {  	p1 =	slt.u32 s9, $0xF7A;
	s5 =	simm.s32 @!p2 $0x0  }
0x1d: {  	s5 =	simm.s32 @p1 $0x1;
	p0 =	seq.s32 s7, s2  }
0x1e: {  	s7 =	smul.u32 @!p0 $0xF7A, s2;
	p2 =	seq.s32 @!p0 s5, $0x0  }
0x1f: {  	s9 =	smul.u32 $0xF7A, s1;
	s8 =	simm.s32 @!p0 $0x1BF5;
	p2 =	por !p2, p0  }
0x20: {  	[sflag:s8] =	ssyncset.s32 @!p0 $0xFFFFF086;
	s6 =	sadd.s32 @!p0 s3, s7;
	s7 =	simm.s32 @!p0 $0x108  }
0x21: {  	s3 =	sadd.s32 s3, s9;
	s6 =	sadd.s32 @!p0 $0x88, s6;
	s7 =	simm.s32 @p2 $0x1082  }
0x22: {  	[simem:s7], [sflag:s8] =	dma.local @!p0 [hbm:s6], $0xF7A  }
0x23: {  	s9 =	sor.u32 $0xD0000000, s2;
	s6 =	simm.s32 $0x108;
	_ =	swait.ge @!p0 [sflag:s8], $0x0  }
0x24: {  	s3 =	sadd.s32 $0x88, s3;
	s6 =	simm.s32 @!p1 $0x1082;
	[sflag:s4] =	ssyncset.s32 $0xFFFFF086  }
0x25: {  	[simem:s6], [sflag:s4] =	dma.local [hbm:s3], $0xF7A  }
0x26: {  	[smem:$0x3F9D] =	sst s1;
	(tag) =	ssettag s2;
	_ =	strace s9  }
0x27: {  	s1 =	sld [smem:$0x3FAD]  }
0x28: {  	s2 =	sld [smem:$0x3FAE]  }
0x29: {  	s4 =	sld [smem:$0x3FB0]  }
0x2a: {  	p0 =	seq.s32 s5, $0x0;
	s5 =	sld [smem:$0x3FB1]  }
0x2b: {  	s6 =	sld [smem:$0x3FB2]  }
0x2c: {  	s7 =	sld [smem:$0x3FB3]  }
0x2d: {  	s3 =	simm.s32 $0x108;
	s8 =	sld [smem:$0x3FB4]  }
0x2e: {  	s3 =	simm.s32 @!p0 $0x1082;
	s9 =	sld [smem:$0x3FB5]  }
0x2f: {  	lr =	sadd.s32 s0, s3;
	s0 =	sld [smem:$0x3FAC]  }
0x30: {  	s3 =	sld [smem:$0x3FAF]  }
0x31: {  	[smem:$0x3FB8] =	sst s10  }
0x32: {  	s10 =	sld [smem:$0x3FB6];
	_ =	sdelay $0x3  }
0x33: {  	p0 =	seq.s32 s10, $0x1;
	s10 =	sld [smem:$0x3FB8];
	_ =	sdelay $0x3  }
0x34: {  	[smem:$0x3FB8] =	sst s10  }
0x35: {  	s10 =	sld [smem:$0x3FB7];
	_ =	sdelay $0x3  }
0x36: {  	p1 =	seq.s32 s10, $0x1;
	s10 =	sld [smem:$0x3FB8];
	_ =	sdelay $0x3  }
0x37: {  	[smem:$0x3FB8] =	sst s10  }
0x38: {  	s10 =	sld [smem:$0x3FB9]  }
0x39: {  	_ = 	snop;
	(pc) =	sbr.ind lr, $3  }
0x3a: {  	_ = 	snop  }
0x3b: {  	_ = 	snop  }
0x3c: {  	p2 =	seq.s32 s10, $0x1;
	s10 =	sld [smem:$0x3FB8]  }
0x3d: {  	_ =	shalt  }
0x3e: {  	_ =	shalt  }
0x3f: {  	_ =	shalt  }
0x40: {  	_ =	shalt  }
0x41: {  	_ =	shalt  }
0x42: {  	_ =	shalt  }
0x43: {  	_ =	shalt  }
0x44: {  	_ =	shalt  }
0x45: {  	_ =	shalt  }
0x46: {  	_ =	shalt  }
0x47: {  	_ =	shalt  }
0x48: {  	_ =	shalt  }
0x49: {  	_ =	shalt  }
0x4a: {  	_ =	shalt  }
0x4b: {  	_ =	shalt  }
0x4c: {  	_ =	shalt  }
0x4d: {  	_ =	shalt  }
0x4e: {  	_ =	shalt  }
0x4f: {  	_ =	shalt  }
0x50: {  	_ =	shalt  }
0x51: {  	_ =	shalt  }
0x52: {  	_ =	shalt  }
0x53: {  	_ =	shalt  }
0x54: {  	_ =	shalt  }
0x55: {  	_ =	shalt  }
0x56: {  	_ =	shalt  }
0x57: {  	_ =	shalt  }
0x58: {  	_ =	shalt  }
0x59: {  	_ =	shalt  }
0x5a: {  	_ =	shalt  }
0x5b: {  	_ =	shalt  }
0x5c: {  	_ =	shalt  }
0x5d: {  	_ =	shalt  }
0x5e: {  	_ =	shalt  }
0x5f: {  	_ =	shalt  }
0x60: {  	_ =	shalt  }
0x61: {  	_ =	shalt  }
0x62: {  	_ =	shalt  }
0x63: {  	_ =	shalt  }
0x64: {  	_ =	shalt  }
0x65: {  	_ =	shalt  }
0x66: {  	_ =	shalt  }
0x67: {  	_ =	shalt  }
0x68: {  	_ =	shalt  }
0x69: {  	_ =	shalt  }
0x6a: {  	_ =	shalt  }
0x6b: {  	_ =	shalt  }
0x6c: {  	_ =	shalt  }
0x6d: {  	_ =	shalt  }
0x6e: {  	_ =	shalt  }
0x6f: {  	_ =	shalt  }
0x70: {  	_ =	shalt  }
0x71: {  	_ =	shalt  }
0x72: {  	_ =	shalt  }
0x73: {  	_ =	shalt  }
0x74: {  	_ =	shalt  }
0x75: {  	_ =	shalt  }
0x76: {  	_ =	shalt  }
0x77: {  	_ =	shalt  }
0x78: {  	_ =	shalt  }
0x79: {  	_ =	shalt  }
0x7a: {  	_ =	shalt  }
0x7b: {  	_ =	shalt  }
0x7c: {  	_ =	shalt  }
0x7d: {  	_ =	shalt  }
0x7e: {  	_ =	shalt  }
0x7f: {  	_ =	shalt  }
0x80: {  	_ =	shalt  }
0x81: {  	_ =	shalt  }
0x82: {  	_ =	shalt  }
0x83: {  	_ =	shalt  }
0x84: {  	_ =	shalt  }
0x85: {  	_ =	shalt  }
0x86: {  	_ =	shalt  }
0x87: {  	_ =	shalt  }
.Lfunc_end0:
.L_simem_size_0:
called_computation_lowered:
.L_overlay_start_0:
0x88: {  	s2 =	sld [smem:$0x3FD9]  }
0x89: {  	s3 =	sld [smem:$0x3FFE];
	_ =	sdelay $0x1  }
0x8a: {  	s1 =	srdreg.scid  }
0x8b: {  	s0 =	sand.u32 $0x1, s1  }
0x8c: {  	s17 =	sshll.u32 s0, $0xA;
	s2 =	sadd.s32 s3, s2  }
0x8d: {  	s2 =	sadd.s32 s2, s17  }
0x8e: {  	[smem:$0x3FC4] =	sst s2  }
0x8f: {  	_ = 	snop  }
0x90: {  	s2 =	sld [smem:$0x3FC9]  }
0x91: {  	s18 =	sld [smem:$0x3FC8]  }
0x92: {  	s4 =	sld [smem:$0x3FD0];
	(tm) =	ssettm $0x1  }
0x93: {  	s5 =	sld [smem:$0x3FFB];
	_ =	sdelay $0x3  }
0x94: {  	_ =	strace s5  }
0x95: {  	s5 =	sld [smem:$0x3FFC];
	_ =	sdelay $0x3  }
0x96: {  	_ =	strace s5  }
0x97: {  	s5 =	sld [smem:$0x3FFD];
	_ =	sdelay $0x3  }
0x98: {  	_ =	strace s5  }
0x99: {  	_ =	strace $0x8FFFFFFF  }
0x9a: {  	s19 =	sld [smem:$0x3FDB];
	_ =	sdelay $0x1  }
0x9b: {  	s6 =	simm.s32 $_scs_section_size  }
0x9c: {  	s7 =	simm.s32 $_size__tile_overlayer_lowered;
	s8 =	simm.s32 $_tile_overlayer_lowered  }
0x9d: {  	s22 =	simm.s32 $0x1BFF;
	s21 =	sshll.u32 s8, $0x1;
	s5 =	sadd.s32 s6, s19  }
0x9e: {  	s9 =	simm.s32 $0x0;
	s20 =	sshll.u32 s7, $0x1;
	s7 =	sadd.s32 s21, s5  }
0x9f: {  	[timem:s9], [sflag:s22] =	dma.local [hbm:s7], s20  }
0xa0: {  	_ =	swait.ge [sflag:s22], s20  }
0xa1: {  	s6 =	ssub.s32 $0x0, s20;
	[sflag:s22] =	ssyncset.done $0x0  }
0xa2: {  	[sflag:s22] =	ssyncadd.s32 s6;
	_ =	sdelay $0x1  }
0xa3: {  	s23 =	simm.s32 $0x1B8B  }
0xa4: {  	_ =	swait.ge [sflag:s23], $0x1  }
0xa5: {  	[sflag:s23] =	ssyncset.done $0x0  }
0xa6: {  	s25 =	simm.s32 $0x1B8E;
	s24 =	sld [smem:$0x3FFE];
	[sflag:s23] =	ssyncadd.s32 $0xFFFFFFFF  }
0xa7: {  	s26 =	simm.s32 $execute0_lowered;
	[smem:$0x3FD2] =	sst s25  }
0xa8: {  	s7 =	sshll.u32 s26, $0x1;
	_ =	strace $0x80000046;
	[dreg:$0x1] =	wrdreg $0xFFFFFFFF  }
0xa9: {  	s28 =	simm.s32 $_size_execute0_lowered;
	s5 =	sadd.s32 s5, s7;
	[dreg:$0x0] =	wrdreg $0x0  }
0xaa: {  	s7 =	sshll.u32 s28, $0x1;
	[dreg:$0x2] =	wrdreg s5  }
0xab: {  	[dreg:$0x3] =	wrdreg s7  }
0xac: {  	[dreg:$0x4] =	wrdreg $0xC0  }
0xad: {  	_ =	task [dreg:s9], $0x5FFFF  }
0xae: {  	[dreg:$0x1] =	wrdreg $0xFFFFFFFF  }
0xaf: {  	[dreg:$0x0] =	wrdreg $0x60  }
0xb0: {  	[dreg:$0x2] =	wrdreg s18  }
0xb1: {  	[dreg:$0x3] =	wrdreg s2  }
0xb2: {  	[dreg:$0x4] =	wrdreg s24  }
0xb3: {  	[dreg:$0x5] =	wrdreg s4  }
0xb4: {  	[dreg:$0x6] =	wrdreg $0x10E000  }
0xb5: {  	[dreg:$0x7] =	wrdreg $0x9  }
0xb6: {  	_ =	task.clear_ibuf [dreg:s9], $0x8FFFF;
	_ =	strace $0x90000046  }
0xb7: {  	s29 =	simm.s32 $0x9;
	_ =	strace $0x80000048  }
0xb8: {  	_ =	swait.ge [sflag:s29], $0x1  }
0xb9: {  	[sflag:s29] =	ssyncadd.s32 $0xFFFFFFFF  }
0xba: {  	_ =	strace $0x90000048  }
0xbb: {  	_ =	sfence  }
0xbc: {  	s30 =	sld [smem:$0x0];
	_ =	sdelay $0x2  }
0xbd: {  	s31 =	sshll.u32 s1, $0xD;
	s1 =	sshrl.u32 s1, $0x2  }
0xbe: {  	s3 =	sand.u32 $0x4000, s31;
	s1 =	sadd.s32 s1, s30  }
0xbf: {  	s0 =	sor.u32 s3, s0;
	s1 =	sshll.u32 s1, $0x11  }
0xc0: {  	s0 =	sor.u32 s1, s0  }
0xc1: {  	s0 =	sadd.s32 $0x8F2B, s0  }
0xc2: {  	[sflag:s0] =	ssyncadd.remote.s32 $0x1  }
0xc3: {  	_ =	sfence.sel $0xFFFF  }
0xc4: {  	[dreg:$0x0] =	wrdreg $0xFFFFFFFF;
	(pc) =	sbr.abs _section_cstart, $3  }
0xc5: {  	[dreg:$0x1] =	wrdreg $0xFFFFFFFF  }
0xc6: {  	_ =	task.clear_ibuf [dreg:s9], $0x2FFFF;
	_ =	strace $0x9FFFFFFF  }
0xc7: {  	(tm) =	ssettm $0x7FFFFFFF  }
tec
execute0_lowered:
.L_overlay_start_1:
0x0: {  	(tag) =	ssettag $0x1  }
0x1: {  	s1 =	srdreg.scid  }
0x2: {  	s1 =	sand.u32 $0x1, s1  }
0x3: {  	s2 =	rddreg [dreg:$0x0];
	s10 =	stileid.u32;
	s5 =	sshll.u32 s1, $0x4  }
0x4: {  	s4 =	rddreg [dreg:$0x1];
	s7 =	ssub.s32 $0x2, s1;
	s1 =	sor.u32 s10, s5  }
0x5: {  	s0 =	rddreg [dreg:$0x2];
	s3 =	simm.s32 $0x0;
	s21 =	sshll.u32 s1, $0xD;
	v13 =	vmov s1  }
0x6: {  	v0 =	vimm.s32 $0x0;
	[smem:$0x7FF] =	sst s3;
	s4 =	sadd.s32 s4, s21;
	vm0 =	veq.s32 v13, $0x1F  }
0x7: {  	[dreg:$0x6] =	wrdreg s4;
	v0 =	vsel vm0, $0xFFFFFFFF, v0  }
0x8: {  	s11 =	rddreg [dreg:$0x4];
	vm9 =	vgt.u32 v13, $0x1D;
	_ =	strace $0x80000047;
	[tilespmem:$0x1FE40] =	vst v0;
	v0 =	vimm.s32 $0x0  }
0x9: {  	v0 =	vsel vm9, $0xFFFFFFFF, v0  }
0xa: {  	vm10 =	vgt.u32 v13, $0x1C;
	[tilespmem:$0x1FE50] =	vst v0;
	v0 =	vimm.s32 $0x0  }
0xb: {  	v0 =	vsel vm10, $0xFFFFFFFF, v0  }
0xc: {  	vm11 =	vgt.u32 v13, $0x1B;
	[tilespmem:$0x1FE60] =	vst v0;
	v0 =	vimm.s32 $0x0  }
0xd: {  	v0 =	vsel vm11, $0xFFFFFFFF, v0  }
0xe: {  	vm4 =	vgt.u32 v13, $0x1A;
	[tilespmem:$0x1FE70] =	vst v0;
	v0 =	vimm.s32 $0x0  }
0xf: {  	v0 =	vsel vm4, $0xFFFFFFFF, v0  }
0x10: {  	vm5 =	vgt.u32 v13, $0x19;
	[tilespmem:$0x1FE80] =	vst v0;
	v0 =	vimm.s32 $0x0  }
0x11: {  	v0 =	vsel vm5, $0xFFFFFFFF, v0  }
0x12: {  	vm6 =	vgt.u32 v13, $0x18;
	[tilespmem:$0x1FE90] =	vst v0;
	v0 =	vimm.s32 $0x0  }
0x13: {  	v0 =	vsel vm6, $0xFFFFFFFF, v0  }
0x14: {  	vm7 =	vgt.u32 v13, $0x17;
	[tilespmem:$0x1FEA0] =	vst v0;
	v0 =	vimm.s32 $0x0  }
0x15: {  	s8 =	sshll.u32 s10, $0x6;
	s13 =	sadd.s32 $0x10, s2;
	s14 =	sadd.s32 $0x20, s2;
	v0 =	vsel vm7, $0xFFFFFFFF, v0  }
0x16: {  	v1 =	vimm.s32 $0x1;
	s15 =	sadd.s32 $0x30, s2;
	s28 =	sadd.s32 $0x1400, s0;
	s29 =	sadd.s32 $0x1500, s0;
	vm8 =	vgt.u32 v13, $0x16;
	[tilespmem:$0x1FEB0] =	vst v0;
	v0 =	vimm.s32 $0x0  }
0x17: {  	v14 =	vimm.s32 $0x0;
	s23 =	sand.u32 $0x40, s8;
	s6 =	ssub.s32 s10, s5;
	s19 =	sshrl.u32 s7, $0x1;
	v0 =	vsel vm8, $0xFFFFFFFF, v0;
	vm8 =	vgt.u32 v13, $0xE  }
0x18: {  	s6 =	sadd.s32 $0x10, s6;
	s5 =	ssub.s32 s7, s19;
	s16 =	sshll.u32 s1, $0x6;
	vm9 =	vgt.u32 v13, $0x15;
	[tilespmem:$0x1FEC0] =	vst v0;
	v0 =	vimm.s32 $0x0;
	v14 =	vsel vm8, $0xFFFFFFFF, v14  }
0x19: {  	p0 =	sne.s32 s1, $0x0;
	s9 =	sshll.u32 s6, $0x9;
	s17 =	sand.u32 $0x40, s16;
	v0 =	vsel vm9, $0xFFFFFFFF, v0;
	[tilespmem:$0x1FF40] =	vst v14;
	vm9 =	vgt.u32 v13, $0xD;
	v14 =	vimm.s32 $0x0  }
0x1a: {  	s16 =	sshrl.u32 s16, $0x2;
	s30 =	smax.u32 s5, $0x1;
	s20 =	sor.u32 s8, s9;
	vm10 =	vgt.u32 v13, $0x14;
	[tilespmem:$0x1FED0] =	vst v0;
	v0 =	vimm.s32 $0x0;
	v14 =	vsel vm9, $0xFFFFFFFF, v14  }
0x1b: {  	s8 =	smov.u32 s11;
	s7 =	sor.u32 s23, s9;
	s9 =	sshll.u32 s1, $0x9;
	v0 =	vsel vm10, $0xFFFFFFFF, v0;
	[tilespmem:$0x1FF50] =	vst v14;
	vm10 =	vgt.u32 v13, $0xC;
	v14 =	vimm.s32 $0x0  }
0x1c: {  	s10 =	sand.u32 $0x7FFFFC40, s20;
	s7 =	sshrl.u32 s7, $0x3;
	s12 =	sand.u32 $0x3C00, s9;
	vm11 =	vgt.u32 v13, $0x13;
	[tilespmem:$0x1FEE0] =	vst v0;
	v0 =	vimm.s32 $0x0;
	v14 =	vsel vm10, $0xFFFFFFFF, v14  }
0x1d: {  	s4 =	sor.u32 s9, s17;
	s16 =	sadd.s32 s16, s8;
	s22 =	sshrl.u32 s10, $0x3;
	v0 =	vsel vm11, $0xFFFFFFFF, v0;
	[tilespmem:$0x1FF60] =	vst v14;
	vm11 =	vgt.u32 v13, $0xB;
	v14 =	vimm.s32 $0x0  }
0x1e: {  	s25 =	sor.u32 $0x40, s7;
	s26 =	sor.u32 $0x50, s7;
	s4 =	sshrl.u32 s4, $0x3;
	vm4 =	vgt.u32 v13, $0x12;
	[tilespmem:$0x1FEF0] =	vst v0;
	v0 =	vimm.s32 $0x0;
	v14 =	vsel vm11, $0xFFFFFFFF, v14  }
0x1f: {  	s24 =	sadd.s32 s2, s22;
	s18 =	sadd.s32 s22, s13;
	s19 =	sadd.s32 s22, s14;
	v0 =	vsel vm4, $0xFFFFFFFF, v0;
	[tilespmem:$0x1FF70] =	vst v14;
	vm4 =	vgt.u32 v13, $0xA;
	v14 =	vimm.s32 $0x0  }
0x20: {  	s20 =	sadd.s32 s22, s15;
	s21 =	sadd.s32 s2, s25;
	s22 =	sadd.s32 s2, s26;
	vm5 =	vgt.u32 v13, $0x11;
	[tilespmem:$0x1FF00] =	vst v0;
	v0 =	vimm.s32 $0x0;
	v14 =	vsel vm4, $0xFFFFFFFF, v14  }
0x21: {  	s25 =	sor.u32 s17, s12;
	s10 =	smov.u32 s24;
	s24 =	sor.u32 $0x60, s7;
	v0 =	vsel vm5, $0xFFFFFFFF, v0;
	[tilespmem:$0x1FF80] =	vst v14;
	vm5 =	vgt.u32 v13, $0x9;
	v14 =	vimm.s32 $0x0  }
0x22: {  	s11 =	smov.u32 s18;
	s7 =	sor.u32 $0x70, s7;
	s12 =	smov.u32 s19;
	vm6 =	vgt.u32 v13, $0x10;
	[tilespmem:$0x1FF10] =	vst v0;
	v0 =	vimm.s32 $0x0;
	v14 =	vsel vm5, $0xFFFFFFFF, v14  }
0x23: {  	s26 =	sshrl.u32 s25, $0x3;
	s25 =	sor.u32 $0x50, s4;
	s23 =	sadd.s32 s2, s24;
	v0 =	vsel vm6, $0xFFFFFFFF, v0;
	[tilespmem:$0x1FF90] =	vst v14;
	vm6 =	vgt.u32 v13, $0x8;
	v14 =	vimm.s32 $0x0  }
0x24: {  	s24 =	sadd.s32 s2, s7;
	s9 =	sadd.s32 s26, s14;
	s14 =	smov.u32 s21;
	vm7 =	vgt.u32 v13, $0xF;
	[tilespmem:$0x1FF20] =	vst v0;
	v0 =	vimm.s32 $0x0;
	v14 =	vsel vm6, $0xFFFFFFFF, v14  }
0x25: {  	s21 =	sadd.s32 s26, s15;
	s15 =	smov.u32 s22;
	s22 =	sor.u32 $0x40, s4;
	v0 =	vsel vm7, $0xFFFFFFFF, v0;
	[tilespmem:$0x1FFA0] =	vst v14;
	vm7 =	vgt.u32 v13, $0x7;
	v14 =	vimm.s32 $0x0  }
0x26: {  	v2 =	vimm.s32 $0x0;
	v6 =	vimm.s32 $0x2;
	s31 =	sadd.s32 s2, s26;
	s17 =	smov.u32 s23;
	s23 =	sadd.s32 s26, s13;
	v14 =	vsel vm7, $0xFFFFFFFF, v14  }
0x27: {  	v7 =	vimm.s32 $0x3;
	s13 =	smov.u32 s20;
	s26 =	sadd.s32 s2, s22;
	s18 =	smov.u32 s24;
	vm8 =	vgt.u32 v13, $0x6;
	[tilespmem:$0x1FFB0] =	vst v14;
	v14 =	vimm.s32 $0x0  }
0x28: {  	v8 =	vimm.s32 $0x4;
	v9 =	vimm.s32 $0x5;
	s22 =	sadd.s32 s2, s25;
	s19 =	smov.u32 s9;
	s9 =	sor.u32 $0x60, s4;
	v14 =	vsel vm8, $0xFFFFFFFF, v14  }
0x29: {  	v10 =	vimm.s32 $0x6;
	s4 =	sor.u32 $0x70, s4;
	s25 =	sshll.u32 s6, $0x4;
	s20 =	smov.u32 s23;
	vm9 =	vgt.u32 v13, $0x5;
	[tilespmem:$0x1FFC0] =	vst v14;
	v14 =	vimm.s32 $0x0  }
0x2a: {  	v11 =	vimm.s32 $0x7;
	v12 =	vimm.s32 $0x8;
	s23 =	smov.u32 s26;
	s7 =	sadd.s32 s2, s9;
	s24 =	sadd.s32 s2, s4;
	v14 =	vsel vm9, $0xFFFFFFFF, v14  }
.Ltmp0:
0x2b: {  	vm15 =	vmmov $0xffff;
	s26 =	sshll.u32 s1, $0x3;
	s4 =	sand.u32 $0x3FFFFFF0, s25;
	vm10 =	vgt.u32 v13, $0x4;
	[tilespmem:$0x1FFD0] =	vst v14;
	v14 =	vimm.s32 $0x0;
	(pc) =	sbr.rel .LBB2_1-.Ltmp0, $4  }
0x2c: {  	vm12 =	vgt.u32 v13, $0x2;
	vm13 =	vgt.u32 v13, $0x1;
	s25 =	sadd.s32 $0x1200, s0;
	s1 =	simm.s32 $0x980;
	s2 =	simm.s32 $0x3;
	[tilespmem:$0x1FF30] =	vst v0;
	v14 =	vsel vm10, $0xFFFFFFFF, v14  }
0x2d: {  	s6 =	sadd.s32 s26, s0;
	s4 =	sadd.s32 s4, s8;
	s26 =	sadd.s32 $0x1300, s0;
	vm11 =	vgt.u32 v13, $0x3;
	v0 =	vlaneseq.u32;
	[tilespmem:$0x1FFE0] =	vst v14;
	v14 =	vimm.s32 $0x0  }
0x2e: {  	vm14 =	veq.s32 v13, $0x0;
	s5 =	smov.u32 s7;
	s0 =	simm.s32 $0xE00;
	s9 =	sadd.s32 $0x61200, s6;
	v4 =	vshrl.u32 v0, $0x3;
	v14 =	vsel vm11, $0xFFFFFFFF, v14  }
0x2f: {  	s6 =	smov.u32 s16;
	s16 =	simm.s32 $0x4;
	s7 =	smov.u32 s9;
	v3 =	vand.u32 $0x7, v0;
	v5 =	vor.u32 $0x8, v0;
	v4 =	vmul.u32 $0x8, v4;
	[tilespmem:$0x1FFF0] =	vst v14  }
.LBB2_3:
0x30: {  	s30 =	sadd.s32 $0xFFFFFFFF, s30  }
0x31: {  	p1 =	sne.s32 s30, $0x0  }
.Ltmp1:
0x32: {  	_ = 	snop;
	(pc) =	sbr.rel @!p1 .LBB2_4-.Ltmp1, $1  }
0x33: {  	_ =	sdelay $0x3  }
.LBB2_1:
0x34: {  	s9 =	rddreg [dreg:$0x6]  }
0x35: {  	[tilespmem:s0], [sflag:$0x2] =	stream.linear.gather [hbm4b:s9+s3], $0x10000, $0x38;
	[tilespmem:$0x10E20] =	vst v63  }
0x36: {  	s9 =	simm.s32 $0x400  }
0x37: {  	[tilespmem:s9], [sflag:$0x3] =	stream.linear.gather [hbm4b:s10+s3], $0x40, $0x38;
	[tilespmem:$0x10E20] =	vst v63  }
0x38: {  	s9 =	simm.s32 $0x480  }
0x39: {  	[tilespmem:s9], [sflag:$0x3] =	stream.linear.gather [hbm4b:s11+s3], $0x40, $0x38;
	[tilespmem:$0x10E20] =	vst v63  }
0x3a: {  	s9 =	simm.s32 $0x500  }
0x3b: {  	[tilespmem:s9], [sflag:$0x3] =	stream.linear.gather [hbm4b:s12+s3], $0x40, $0x38;
	[tilespmem:$0x10E20] =	vst v63  }
0x3c: {  	s9 =	simm.s32 $0x580  }
0x3d: {  	[tilespmem:s9], [sflag:$0x3] =	stream.linear.gather [hbm4b:s13+s3], $0x40, $0x38;
	[tilespmem:$0x10E20] =	vst v63  }
0x3e: {  	s9 =	simm.s32 $0x600  }
0x3f: {  	[tilespmem:s9], [sflag:$0x3] =	stream.linear.gather [hbm4b:s14+s3], $0x40, $0x38;
	[tilespmem:$0x10E20] =	vst v63  }
0x40: {  	s9 =	simm.s32 $0x680  }
0x41: {  	[tilespmem:s9], [sflag:$0x3] =	stream.linear.gather [hbm4b:s15+s3], $0x40, $0x38;
	[tilespmem:$0x10E20] =	vst v63  }
0x42: {  	s9 =	simm.s32 $0x700  }
0x43: {  	[tilespmem:s9], [sflag:$0x3] =	stream.linear.gather [hbm4b:s17+s3], $0x40, $0x38;
	[tilespmem:$0x10E20] =	vst v63  }
0x44: {  	s9 =	simm.s32 $0x780  }
0x45: {  	[tilespmem:s9], [sflag:$0x3] =	stream.linear.gather [hbm4b:s18+s3], $0x40, $0x38;
	[tilespmem:$0x10E20] =	vst v63  }
0x46: {  	_ = 	snop  }
0x47: {  	[tilespmem:s3], [sflag:$0x4] =	stream.linear.gather [hbm4b:s31+s3], $0x40, $0x38;
	[tilespmem:$0x10E20] =	vst v63  }
0x48: {  	_ =	swait.ge [sflag:s16], $0x40  }
0x49: {  	[sflag:s16] =	ssyncset.done $0x0  }
0x4a: {  	s9 =	simm.s32 $0x80;
	[sflag:s16] =	ssyncadd.s32 $0xFFFFFFC0  }
0x4b: {  	[tilespmem:s9], [sflag:$0x4] =	stream.linear.gather [hbm4b:s20+s3], $0x40, $0x38;
	[tilespmem:$0x10E20] =	vst v63  }
0x4c: {  	_ =	swait.ge [sflag:s16], $0x40  }
0x4d: {  	[sflag:s16] =	ssyncset.done $0x0  }
0x4e: {  	s9 =	simm.s32 $0x100;
	[sflag:s16] =	ssyncadd.s32 $0xFFFFFFC0  }
0x4f: {  	[tilespmem:s9], [sflag:$0x4] =	stream.linear.gather [hbm4b:s19+s3], $0x40, $0x38;
	[tilespmem:$0x10E20] =	vst v63  }
0x50: {  	_ =	swait.ge [sflag:s16], $0x40  }
0x51: {  	[sflag:s16] =	ssyncset.done $0x0  }
0x52: {  	s9 =	simm.s32 $0x180;
	[sflag:s16] =	ssyncadd.s32 $0xFFFFFFC0  }
0x53: {  	[tilespmem:s9], [sflag:$0x4] =	stream.linear.gather [hbm4b:s21+s3], $0x40, $0x38;
	[tilespmem:$0x10E20] =	vst v63  }
0x54: {  	_ =	swait.ge [sflag:s16], $0x40  }
0x55: {  	[sflag:s16] =	ssyncset.done $0x0  }
0x56: {  	s9 =	simm.s32 $0x200;
	[sflag:s16] =	ssyncadd.s32 $0xFFFFFFC0  }
0x57: {  	[tilespmem:s9], [sflag:$0x4] =	stream.linear.gather [hbm4b:s23+s3], $0x40, $0x38;
	[tilespmem:$0x10E20] =	vst v63  }
0x58: {  	_ =	swait.ge [sflag:s16], $0x40  }
0x59: {  	[sflag:s16] =	ssyncset.done $0x0  }
0x5a: {  	s9 =	simm.s32 $0x280;
	[sflag:s16] =	ssyncadd.s32 $0xFFFFFFC0  }
0x5b: {  	[tilespmem:s9], [sflag:$0x4] =	stream.linear.gather [hbm4b:s22+s3], $0x40, $0x38;
	[tilespmem:$0x10E20] =	vst v63  }
0x5c: {  	_ =	swait.ge [sflag:s16], $0x40  }
0x5d: {  	[sflag:s16] =	ssyncset.done $0x0  }
0x5e: {  	s9 =	simm.s32 $0x300;
	[sflag:s16] =	ssyncadd.s32 $0xFFFFFFC0  }
0x5f: {  	[tilespmem:s9], [sflag:$0x4] =	stream.linear.gather [hbm4b:s5+s3], $0x40, $0x38;
	[tilespmem:$0x10E20] =	vst v63  }
0x60: {  	_ =	swait.ge [sflag:s16], $0x40  }
0x61: {  	[sflag:s16] =	ssyncset.done $0x0  }
0x62: {  	s9 =	simm.s32 $0x380;
	[sflag:s16] =	ssyncadd.s32 $0xFFFFFFC0  }
0x63: {  	[tilespmem:s9], [sflag:$0x4] =	stream.linear.gather [hbm4b:s24+s3], $0x40, $0x38;
	[tilespmem:$0x10E20] =	vst v63  }
0x64: {  	_ =	swait.ge [sflag:s16], $0x40  }
0x65: {  	[sflag:s16] =	ssyncset.done $0x0  }
0x66: {  	[sflag:s16] =	ssyncadd.s32 $0xFFFFFFC0  }
0x67: {  	v13 =	vld [tilespmem:$0x0]  }
0x68: {  	v14 =	vld [tilespmem:$0x80];
	_ =	sdelay $0x1  }
0x69: {  	v15 =	vld [tilespmem:$0x100];
	_ =	sdelay $0x1  }
0x6a: {  	v16 =	vld [tilespmem:$0x180]  }
0x6b: {  	vm0 =	vgt.f32 v14, v13  }
0x6c: {  	v13 =	vsel vm0, v14, v13;
	v14 =	vld [tilespmem:$0x200]  }
0x6d: {  	vm1 =	vgt.f32 v15, v13  }
0x6e: {  	v13 =	vsel vm1, v15, v13;
	v15 =	vld [tilespmem:$0x280]  }
0x6f: {  	vm2 =	vgt.f32 v16, v13  }
0x70: {  	v38 =	vld [tilespmem:$0x300];
	v13 =	vsel vm2, v16, v13  }
0x71: {  	vm3 =	vgt.f32 v14, v13  }
0x72: {  	v17 =	vsel vm0, $0x1, v2;
	v13 =	vsel vm3, v14, v13;
	v14 =	vld [tilespmem:$0x380]  }
0x73: {  	v17 =	vsel vm1, $0x2, v17;
	vm9 =	vgt.f32 v15, v13  }
0x74: {  	v17 =	vsel vm2, $0x3, v17;
	v13 =	vsel vm9, v15, v13  }
0x75: {  	v15 =	vsel vm3, $0x4, v17;
	vm7 =	vgt.f32 v38, v13  }
0x76: {  	v15 =	vsel vm9, $0x5, v15;
	v13 =	vsel vm7, v38, v13  }
0x77: {  	v15 =	vsel vm7, $0x6, v15;
	vm0 =	vgt.f32 v14, v13  }
0x78: {  	v13 =	vsel vm0, $0x7, v15;
	_ =	sdelay $0x2  }
0x79: {  	vm6 =	veq.s32 v13, $0x0  }
0x7a: {  	[tilespmem:$0x980] =	vst v2;
	vm4 =	veq.s32 v13, $0x1;
	v14 =	vsel vm6, $0x1, v2  }
0x7b: {  	vm5 =	veq.s32 v13, $0x2;
	v39 =	vsel vm4, $0x1, v2;
	(xrf0) =	vadd.scan.msk.s32 $0xffff, v14;
	v15 =	vld.idx.msk [tilespmem:v13+s1+$0x0], $0xffff  }
0x7c: {  	v40 =	vsel vm5, $0x1, v2;
	(xrf0) =	vadd.scan.msk.s32 $0xffff, v39;
	[tilespmem:v13+s1+$0x0] =	vst.idx.add.s32.msk $0xffff, v1  }
0x7d: {  	vm3 =	veq.s32 v13, $0x3;
	(xrf0) =	vadd.scan.msk.s32 $0xffff, v40;
	v19 =	vld [tilespmem:$0x10]  }
0x7e: {  	vm1 =	veq.s32 v13, $0x4;
	v18 =	vsel vm3, $0x1, v2;
	v21 =	vld [tilespmem:$0x90]  }
0x7f: {  	vm8 =	vmneg vm0;
	vm2 =	veq.s32 v13, $0x5;
	v20 =	vsel vm1, $0x1, v2;
	(xrf0) =	vadd.scan.msk.s32 $0xffff, v18  }
0x80: {  	vm7 =	vmand vm8, vm7;
	v22 =	vsel vm2, $0x1, v2;
	v24 =	vld [tilespmem:$0x110];
	(xrf0) =	vadd.scan.msk.s32 $0xffff, v20  }
0x81: {  	v23 =	vsel vm7, $0x1, v2;
	(xrf0) =	vadd.scan.msk.s32 $0xffff, v22;
	v25, _, _ =	vpop (xrf0)  }
0x82: {  	v27 =	vsel vm0, $0x1, v2;
	v28 =	vld [tilespmem:$0x190];
	(xrf0) =	vadd.scan.msk.s32 $0xffff, v23;
	v26, _, _ =	vpop (xrf0)  }
0x83: {  	v29, _, _ =	vpop (xrf0);
	(xrf0) =	vadd.scan.msk.s32 $0xffff, v27;
	vm8 =	vgt.f32 v21, v19  }
0x84: {  	v42 =	vld [tilespmem:$0x210];
	v14 =	vsub.s32 v25, v14;
	v19 =	vsel vm8, v21, v19  }
0x85: {  	v14 =	vnsel vm6, $0x0, v14;
	v41, _, _ =	vpop (xrf0);
	vm10 =	vgt.f32 v24, v19  }
0x86: {  	v44 =	vld [tilespmem:$0x290];
	v16 =	vsub.s32 v26, v39;
	v17 =	vsub.s32 v29, v40;
	v30, _, _ =	vpop (xrf0);
	v19 =	vsel vm10, v24, v19  }
0x87: {  	v16 =	vnsel vm4, $0x0, v16;
	v48 =	vsel vm8, $0x1, v2;
	v43, _, _ =	vpop (xrf0);
	vm11 =	vgt.f32 v28, v19  }
0x88: {  	v46 =	vld [tilespmem:$0x310];
	v17 =	vnsel vm5, $0x0, v17;
	v18 =	vsub.s32 v41, v18;
	v45, _, _ =	vpop (xrf0);
	v19 =	vsel vm11, v28, v19  }
0x89: {  	v18 =	vnsel vm3, $0x0, v18;
	v23 =	vsub.s32 v45, v23;
	v47, _, _ =	vpop (xrf0);
	vm9 =	vgt.f32 v42, v19  }
0x8a: {  	v49 =	vld [tilespmem:$0x390];
	v28 =	vsel vm10, $0x2, v48;
	v27 =	vsub.s32 v47, v27;
	v19 =	vsel vm9, v42, v19  }
0x8b: {  	v23 =	vnsel vm7, $0x0, v23;
	v27 =	vnsel vm0, $0x0, v27;
	vm10 =	vgt.f32 v44, v19  }
0x8c: {  	v50 =	vsel vm11, $0x3, v28;
	v15 =	vadd.s32 v15, v27;
	v19 =	vsel vm10, v44, v19  }
0x8d: {  	v51 =	vsel vm9, $0x4, v50;
	v15 =	vadd.s32 v23, v15;
	vm6 =	vgt.f32 v46, v19  }
0x8e: {  	v52 =	vsel vm10, $0x5, v51;
	v15 =	vadd.s32 v16, v15;
	v19 =	vsel vm6, v46, v19  }
0x8f: {  	v14 =	vadd.s32 v14, v15;
	v15 =	vsel vm6, $0x6, v52;
	vm0 =	vgt.f32 v49, v19  }
0x90: {  	v53 =	vsub.s32 v30, v20;
	v14 =	vadd.s32 v17, v14;
	v15 =	vsel vm0, $0x7, v15  }
0x91: {  	v54 =	vsub.s32 v43, v22;
	v16 =	vnsel vm1, $0x0, v53;
	v14 =	vadd.s32 v18, v14  }
0x92: {  	v17 =	vnsel vm2, $0x0, v54;
	v14 =	vadd.s32 v16, v14  }
0x93: {  	[tilespmem:$0x800] =	vst v13;
	vm7 =	veq.s32 v15, $0x0;
	v13 =	vadd.s32 v17, v14  }
0x94: {  	vm4 =	veq.s32 v15, $0x1;
	[tilespmem:$0x880] =	vst v13;
	v13 =	vsel vm7, $0x1, v2  }
0x95: {  	vm5 =	veq.s32 v15, $0x2;
	v55 =	vsel vm4, $0x1, v2;
	v14 =	vld.idx.msk [tilespmem:v15+s1+$0x0], $0xffff;
	(xrf0) =	vadd.scan.msk.s32 $0xffff, v13  }
0x96: {  	v56 =	vsel vm5, $0x1, v2;
	[tilespmem:v15+s1+$0x0] =	vst.idx.add.s32.msk $0xffff, v1;
	(xrf0) =	vadd.scan.msk.s32 $0xffff, v55  }
0x97: {  	vm3 =	veq.s32 v15, $0x3;
	v58 =	vld [tilespmem:$0x20];
	(xrf0) =	vadd.scan.msk.s32 $0xffff, v56  }
0x98: {  	vm1 =	veq.s32 v15, $0x4;
	v57 =	vsel vm3, $0x1, v2;
	v60 =	vld [tilespmem:$0xA0]  }
0x99: {  	vm8 =	vmneg vm0;
	vm2 =	veq.s32 v15, $0x5;
	v59 =	vsel vm1, $0x1, v2;
	(xrf0) =	vadd.scan.msk.s32 $0xffff, v57  }
0x9a: {  	vm6 =	vmand vm8, vm6;
	v61 =	vsel vm2, $0x1, v2;
	v63 =	vld [tilespmem:$0x120];
	(xrf0) =	vadd.scan.msk.s32 $0xffff, v59  }
0x9b: {  	v62 =	vsel vm6, $0x1, v2;
	(xrf0) =	vadd.scan.msk.s32 $0xffff, v61;
	v32, _, _ =	vpop (xrf0)  }
0x9c: {  	v34 =	vsel vm0, $0x1, v2;
	v35 =	vld [tilespmem:$0x1A0];
	(xrf0) =	vadd.scan.msk.s32 $0xffff, v62;
	v33, _, _ =	vpop (xrf0)  }
0x9d: {  	vm8 =	vgt.f32 v60, v58;
	v36, _, _ =	vpop (xrf0);
	(xrf0) =	vadd.scan.msk.s32 $0xffff, v34  }
0x9e: {  	v38 =	vld [tilespmem:$0x220];
	v19 =	vsel vm8, v60, v58  }
0x9f: {  	v13 =	vsub.s32 v32, v13;
	v45 =	vsel vm8, $0x1, v2;
	vm11 =	vgt.f32 v63, v19;
	v37, _, _ =	vpop (xrf0)  }
0xa0: {  	v41 =	vld [tilespmem:$0x2A0];
	v13 =	vnsel vm7, $0x0, v13;
	v16 =	vsub.s32 v33, v55;
	v19 =	vsel vm11, v63, v19;
	v39, _, _ =	vpop (xrf0)  }
0xa1: {  	v17 =	vsub.s32 v36, v56;
	v16 =	vnsel vm4, $0x0, v16;
	vm9 =	vgt.f32 v35, v19;
	v40, _, _ =	vpop (xrf0)  }
0xa2: {  	v43 =	vld [tilespmem:$0x320];
	v28 =	vsel vm11, $0x2, v45;
	v18 =	vsub.s32 v37, v57;
	v19 =	vsel vm9, v35, v19;
	v42, _, _ =	vpop (xrf0)  }
0xa3: {  	v17 =	vnsel vm5, $0x0, v17;
	v18 =	vnsel vm3, $0x0, v18;
	vm10 =	vgt.f32 v38, v19;
	v44, _, _ =	vpop (xrf0)  }
0xa4: {  	v46 =	vld [tilespmem:$0x3A0];
	v47 =	vsel vm9, $0x3, v28;
	v19 =	vsel vm10, v38, v19;
	v27 =	vsub.s32 v44, v34  }
0xa5: {  	v23 =	vsub.s32 v42, v62;
	vm11 =	vgt.f32 v41, v19;
	v27 =	vnsel vm0, $0x0, v27  }
0xa6: {  	v23 =	vnsel vm6, $0x0, v23;
	v19 =	vsel vm11, v41, v19;
	v14 =	vadd.s32 v14, v27  }
0xa7: {  	v48 =	vsel vm10, $0x4, v47;
	vm6 =	vgt.f32 v43, v19;
	v14 =	vadd.s32 v23, v14  }
0xa8: {  	v49 =	vsel vm11, $0x5, v48;
	v19 =	vsel vm6, v43, v19;
	v14 =	vadd.s32 v16, v14  }
0xa9: {  	vm0 =	vgt.f32 v46, v19;
	v13 =	vadd.s32 v13, v14;
	v14 =	vsel vm6, $0x6, v49  }
0xaa: {  	v50 =	vsub.s32 v39, v59;
	v13 =	vadd.s32 v17, v13;
	v14 =	vsel vm0, $0x7, v14  }
0xab: {  	v51 =	vsub.s32 v40, v61;
	v16 =	vnsel vm1, $0x0, v50;
	v13 =	vadd.s32 v18, v13  }
0xac: {  	v17 =	vnsel vm2, $0x0, v51;
	v13 =	vadd.s32 v16, v13  }
0xad: {  	[tilespmem:$0x810] =	vst v15;
	v13 =	vadd.s32 v17, v13  }
0xae: {  	[tilespmem:$0x890] =	vst v13  }
0xaf: {  	v13 =	vld.idx.msk [tilespmem:v14+s1+$0x0], $0xffff  }
0xb0: {  	[tilespmem:v14+s1+$0x0] =	vst.idx.add.s32.msk $0xffff, v1  }
0xb1: {  	v15 =	vld [tilespmem:$0x30]  }
0xb2: {  	v52 =	vld [tilespmem:$0xB0]  }
0xb3: {  	vm7 =	veq.s32 v14, $0x0  }
0xb4: {  	v54 =	vsel vm7, $0x1, v2;
	v53 =	vld [tilespmem:$0x130]  }
0xb5: {  	vm5 =	veq.s32 v14, $0x1;
	(xrf0) =	vadd.scan.msk.s32 $0xffff, v54  }
0xb6: {  	vm8 =	vmneg vm0;
	vm4 =	veq.s32 v14, $0x2;
	v56 =	vsel vm5, $0x1, v2;
	v55 =	vld [tilespmem:$0x1B0]  }
0xb7: {  	vm3 =	veq.s32 v14, $0x3;
	v57 =	vsel vm4, $0x1, v2;
	(xrf0) =	vadd.scan.msk.s32 $0xffff, v56;
	vm9 =	vgt.f32 v52, v15  }
0xb8: {  	vm2 =	veq.s32 v14, $0x4;
	v59 =	vsel vm3, $0x1, v2;
	(xrf0) =	vadd.scan.msk.s32 $0xffff, v57;
	v58 =	vld [tilespmem:$0x230];
	v15 =	vsel vm9, v52, v15  }
0xb9: {  	vm1 =	veq.s32 v14, $0x5;
	v60 =	vsel vm2, $0x1, v2;
	(xrf0) =	vadd.scan.msk.s32 $0xffff, v59;
	vm10 =	vgt.f32 v53, v15  }
0xba: {  	vm6 =	vmand vm8, vm6;
	v62 =	vsel vm1, $0x1, v2;
	v61 =	vld [tilespmem:$0x2B0];
	(xrf0) =	vadd.scan.msk.s32 $0xffff, v60;
	v15 =	vsel vm10, v53, v15  }
0xbb: {  	v63 =	vsel vm6, $0x1, v2;
	(xrf0) =	vadd.scan.msk.s32 $0xffff, v62;
	v34, _, _ =	vpop (xrf0);
	vm8 =	vgt.f32 v55, v15  }
0xbc: {  	v35 =	vsel vm0, $0x1, v2;
	v33 =	vld [tilespmem:$0x330];
	(xrf0) =	vadd.scan.msk.s32 $0xffff, v63;
	v18 =	vsub.s32 v34, v54;
	v15 =	vsel vm8, v55, v15  }
0xbd: {  	v37, _, _ =	vpop (xrf0);
	(xrf0) =	vadd.scan.msk.s32 $0xffff, v35;
	v18 =	vnsel vm7, $0x0, v18;
	vm11 =	vgt.f32 v58, v15  }
0xbe: {  	v38 =	vld [tilespmem:$0x3B0];
	v39, _, _ =	vpop (xrf0);
	v41 =	vsub.s32 v37, v56;
	v36 =	vsel vm9, $0x1, v2;
	v15 =	vsel vm11, v58, v15  }
0xbf: {  	v40, _, _ =	vpop (xrf0);
	v17 =	vnsel vm5, $0x0, v41;
	v28 =	vsel vm10, $0x2, v36;
	vm10 =	vgt.f32 v61, v15  }
0xc0: {  	v44 =	vsub.s32 v39, v57;
	v42, _, _ =	vpop (xrf0);
	v28 =	vsel vm8, $0x3, v28;
	v15 =	vsel vm10, v61, v15  }
0xc1: {  	v22 =	vsub.s32 v40, v59;
	v43, _, _ =	vpop (xrf0);
	v28 =	vsel vm11, $0x4, v28;
	vm9 =	vgt.f32 v33, v15  }
0xc2: {  	v22 =	vnsel vm3, $0x0, v22;
	v45, _, _ =	vpop (xrf0);
	v28 =	vsel vm10, $0x5, v28;
	v15 =	vsel vm9, v33, v15  }
0xc3: {  	v47 =	vsub.s32 v45, v63;
	v48, _, _ =	vpop (xrf0);
	v46 =	vsel vm9, $0x6, v28;
	vm5 =	vgt.f32 v38, v15  }
0xc4: {  	v16 =	vnsel vm6, $0x0, v47;
	v19 =	vsub.s32 v48, v35;
	v49 =	vsel vm5, $0x7, v46  }
0xc5: {  	v19 =	vnsel vm0, $0x0, v19;
	v15 =	vnsel vm4, $0x0, v44;
	vm4 =	veq.s32 v49, $0x0  }
0xc6: {  	v13 =	vadd.s32 v13, v19;
	vm7 =	veq.s32 v49, $0x1;
	v50 =	vsel vm4, $0x1, v2  }
0xc7: {  	v13 =	vadd.s32 v16, v13;
	vm0 =	veq.s32 v49, $0x2;
	v51 =	vsel vm7, $0x1, v2;
	(xrf0) =	vadd.scan.msk.s32 $0xffff, v50  }
0xc8: {  	v13 =	vadd.s32 v17, v13;
	vm6 =	veq.s32 v49, $0x3;
	v52 =	vsel vm0, $0x1, v2;
	(xrf0) =	vadd.scan.msk.s32 $0xffff, v51  }
0xc9: {  	vm10 =	vmneg vm5;
	vm8 =	veq.s32 v49, $0x4;
	v53 =	vsel vm6, $0x1, v2;
	(xrf0) =	vadd.scan.msk.s32 $0xffff, v52  }
0xca: {  	vm10 =	vmand vm10, vm9;
	vm9 =	veq.s32 v49, $0x5;
	v54 =	vsel vm8, $0x1, v2;
	(xrf0) =	vadd.scan.msk.s32 $0xffff, v53  }
0xcb: {  	v20 =	vsub.s32 v42, v60;
	v13 =	vadd.s32 v18, v13;
	v55 =	vsel vm9, $0x1, v2;
	(xrf0) =	vadd.scan.msk.s32 $0xffff, v54  }
0xcc: {  	v20 =	vnsel vm2, $0x0, v20;
	v13 =	vadd.s32 v15, v13;
	v56 =	vsel vm10, $0x1, v2;
	(xrf0) =	vadd.scan.msk.s32 $0xffff, v55  }
0xcd: {  	v24 =	vsub.s32 v43, v62;
	v57 =	vsel vm5, $0x1, v2;
	v13 =	vadd.s32 v22, v13;
	v15, _, _ =	vpop (xrf0);
	(xrf0) =	vadd.scan.msk.s32 $0xffff, v56  }
0xce: {  	v24 =	vnsel vm1, $0x0, v24;
	v13 =	vadd.s32 v20, v13;
	v58, _, _ =	vpop (xrf0);
	(xrf0) =	vadd.scan.msk.s32 $0xffff, v57  }
0xcf: {  	v13 =	vadd.s32 v24, v13;
	v59, _, _ =	vpop (xrf0)  }
0xd0: {  	[tilespmem:$0x820] =	vst v14;
	v60, _, _ =	vpop (xrf0)  }
0xd1: {  	[tilespmem:$0x8A0] =	vst v13;
	v14, _, _ =	vpop (xrf0)  }
0xd2: {  	v61 =	vld.idx.msk [tilespmem:v49+s1+$0x0], $0xffff;
	v13, _, _ =	vpop (xrf0)  }
0xd3: {  	v62, _, _ =	vpop (xrf0)  }
0xd4: {  	v63, _, _ =	vpop (xrf0)  }
0xd5: {  	v23 =	vsub.s32 v63, v57  }
0xd6: {  	v18 =	vsub.s32 v62, v56;
	v23 =	vnsel vm5, $0x0, v23  }
0xd7: {  	v19 =	vsub.s32 v58, v51;
	v18 =	vnsel vm10, $0x0, v18;
	v24 =	vadd.s32 v61, v23  }
0xd8: {  	v15 =	vsub.s32 v15, v50;
	v19 =	vnsel vm7, $0x0, v19;
	v18 =	vadd.s32 v18, v24  }
0xd9: {  	v15 =	vnsel vm4, $0x0, v15;
	v16 =	vsub.s32 v59, v52;
	v18 =	vadd.s32 v19, v18  }
0xda: {  	v16 =	vnsel vm0, $0x0, v16;
	v26 =	vsub.s32 v60, v53;
	v15 =	vadd.s32 v15, v18  }
0xdb: {  	v28 =	vnsel vm6, $0x0, v26;
	v14 =	vsub.s32 v14, v54;
	v15 =	vadd.s32 v16, v15  }
0xdc: {  	v14 =	vnsel vm8, $0x0, v14;
	v13 =	vsub.s32 v13, v55;
	v15 =	vadd.s32 v28, v15  }
0xdd: {  	[tilespmem:v49+s1+$0x0] =	vst.idx.add.s32.msk $0xffff, v1;
	v13 =	vnsel vm9, $0x0, v13;
	v14 =	vadd.s32 v14, v15  }
0xde: {  	[tilespmem:$0x830] =	vst v49;
	v13 =	vadd.s32 v13, v14  }
0xdf: {  	[tilespmem:$0x8B0] =	vst v13  }
0xe0: {  	_ =	swait.ge [sflag:s2], $0x40  }
0xe1: {  	[sflag:s2] =	ssyncset.done $0x0  }
0xe2: {  	[sflag:s2] =	ssyncadd.s32 $0xFFFFFFC0  }
0xe3: {  	_ =	swait.ge [sflag:s2], $0x40  }
0xe4: {  	[sflag:s2] =	ssyncset.done $0x0  }
0xe5: {  	[sflag:s2] =	ssyncadd.s32 $0xFFFFFFC0  }
0xe6: {  	_ =	swait.ge [sflag:s2], $0x40  }
0xe7: {  	[sflag:s2] =	ssyncset.done $0x0  }
0xe8: {  	[sflag:s2] =	ssyncadd.s32 $0xFFFFFFC0  }
0xe9: {  	_ =	swait.ge [sflag:s2], $0x40  }
0xea: {  	[sflag:s2] =	ssyncset.done $0x0  }
0xeb: {  	[sflag:s2] =	ssyncadd.s32 $0xFFFFFFC0  }
0xec: {  	_ =	swait.ge [sflag:s2], $0x40  }
0xed: {  	[sflag:s2] =	ssyncset.done $0x0  }
0xee: {  	[sflag:s2] =	ssyncadd.s32 $0xFFFFFFC0  }
0xef: {  	_ =	swait.ge [sflag:s2], $0x40  }
0xf0: {  	[sflag:s2] =	ssyncset.done $0x0  }
0xf1: {  	[sflag:s2] =	ssyncadd.s32 $0xFFFFFFC0  }
0xf2: {  	_ =	swait.ge [sflag:s2], $0x40  }
0xf3: {  	[sflag:s2] =	ssyncset.done $0x0  }
0xf4: {  	[sflag:s2] =	ssyncadd.s32 $0xFFFFFFC0  }
0xf5: {  	_ =	swait.ge [sflag:s2], $0x40  }
0xf6: {  	[sflag:s2] =	ssyncset.done $0x0  }
0xf7: {  	[sflag:s2] =	ssyncadd.s32 $0xFFFFFFC0  }
0xf8: {  	v13 =	vld [tilespmem:$0x400]  }
0xf9: {  	v14 =	vld [tilespmem:$0x480];
	_ =	sdelay $0x1  }
0xfa: {  	v15 =	vld [tilespmem:$0x500];
	_ =	sdelay $0x1  }
0xfb: {  	v29 =	vld [tilespmem:$0x580]  }
0xfc: {  	vm8 =	vgt.f32 v14, v13  }
0xfd: {  	v13 =	vsel vm8, v14, v13;
	v14 =	vld [tilespmem:$0x600]  }
0xfe: {  	vm9 =	vgt.f32 v15, v13  }
0xff: {  	v13 =	vsel vm9, v15, v13;
	v15 =	vld [tilespmem:$0x680]  }
0x100: {  	vm10 =	vgt.f32 v29, v13  }
0x101: {  	v30 =	vld [tilespmem:$0x700];
	v13 =	vsel vm10, v29, v13  }
0x102: {  	vm11 =	vgt.f32 v14, v13  }
0x103: {  	v31 =	vsel vm8, $0x1, v2;
	v13 =	vsel vm11, v14, v13;
	v14 =	vld [tilespmem:$0x780]  }
0x104: {  	v17 =	vsel vm9, $0x2, v31;
	vm5 =	vgt.f32 v15, v13  }
0x105: {  	v17 =	vsel vm10, $0x3, v17;
	v13 =	vsel vm5, v15, v13  }
0x106: {  	v15 =	vsel vm11, $0x4, v17;
	vm6 =	vgt.f32 v30, v13  }
0x107: {  	v15 =	vsel vm5, $0x5, v15;
	v13 =	vsel vm6, v30, v13  }
0x108: {  	v15 =	vsel vm6, $0x6, v15;
	vm7 =	vgt.f32 v14, v13  }
0x109: {  	v13 =	vsel vm7, $0x7, v15;
	_ =	sdelay $0x3  }
0x10a: {  	s9 =	simm.s32 $0xA00;
	[tilespmem:$0xA00] =	vst v2  }
0x10b: {  	[tilespmem:v13+s9+$0x0] =	vst.idx.add.s32.msk $0xffff, v1  }
0x10c: {  	v13 =	vld [tilespmem:$0x410]  }
0x10d: {  	v14 =	vld [tilespmem:$0x490];
	_ =	sdelay $0x1  }
0x10e: {  	v15 =	vld [tilespmem:$0x510];
	_ =	sdelay $0x1  }
0x10f: {  	v32 =	vld [tilespmem:$0x590]  }
0x110: {  	vm8 =	vgt.f32 v14, v13  }
0x111: {  	v13 =	vsel vm8, v14, v13;
	v14 =	vld [tilespmem:$0x610]  }
0x112: {  	vm9 =	vgt.f32 v15, v13  }
0x113: {  	v13 =	vsel vm9, v15, v13;
	v15 =	vld [tilespmem:$0x690]  }
0x114: {  	vm10 =	vgt.f32 v32, v13  }
0x115: {  	v33 =	vld [tilespmem:$0x710];
	v13 =	vsel vm10, v32, v13  }
0x116: {  	vm11 =	vgt.f32 v14, v13  }
0x117: {  	v34 =	vsel vm8, $0x1, v2;
	v13 =	vsel vm11, v14, v13;
	v14 =	vld [tilespmem:$0x790]  }
0x118: {  	v17 =	vsel vm9, $0x2, v34;
	vm5 =	vgt.f32 v15, v13  }
0x119: {  	v17 =	vsel vm10, $0x3, v17;
	v13 =	vsel vm5, v15, v13  }
0x11a: {  	v15 =	vsel vm11, $0x4, v17;
	vm6 =	vgt.f32 v33, v13  }
0x11b: {  	v15 =	vsel vm5, $0x5, v15;
	v13 =	vsel vm6, v33, v13  }
0x11c: {  	v15 =	vsel vm6, $0x6, v15;
	vm7 =	vgt.f32 v14, v13  }
0x11d: {  	v13 =	vsel vm7, $0x7, v15;
	_ =	sdelay $0x4  }
0x11e: {  	[tilespmem:v13+s9+$0x0] =	vst.idx.add.s32.msk $0xffff, v1  }
0x11f: {  	v13 =	vld [tilespmem:$0x420]  }
0x120: {  	v14 =	vld [tilespmem:$0x4A0];
	_ =	sdelay $0x1  }
0x121: {  	v15 =	vld [tilespmem:$0x520];
	_ =	sdelay $0x1  }
0x122: {  	v35 =	vld [tilespmem:$0x5A0]  }
0x123: {  	vm8 =	vgt.f32 v14, v13  }
0x124: {  	v13 =	vsel vm8, v14, v13;
	v14 =	vld [tilespmem:$0x620]  }
0x125: {  	vm9 =	vgt.f32 v15, v13  }
0x126: {  	v13 =	vsel vm9, v15, v13;
	v15 =	vld [tilespmem:$0x6A0]  }
0x127: {  	vm10 =	vgt.f32 v35, v13  }
0x128: {  	v36 =	vld [tilespmem:$0x720];
	v13 =	vsel vm10, v35, v13  }
0x129: {  	vm11 =	vgt.f32 v14, v13  }
0x12a: {  	v37 =	vsel vm8, $0x1, v2;
	v13 =	vsel vm11, v14, v13;
	v14 =	vld [tilespmem:$0x7A0]  }
0x12b: {  	v17 =	vsel vm9, $0x2, v37;
	vm5 =	vgt.f32 v15, v13  }
0x12c: {  	v17 =	vsel vm10, $0x3, v17;
	v13 =	vsel vm5, v15, v13  }
0x12d: {  	v15 =	vsel vm11, $0x4, v17;
	vm6 =	vgt.f32 v36, v13  }
0x12e: {  	v15 =	vsel vm5, $0x5, v15;
	v13 =	vsel vm6, v36, v13  }
0x12f: {  	v15 =	vsel vm6, $0x6, v15;
	vm7 =	vgt.f32 v14, v13  }
0x130: {  	v13 =	vsel vm7, $0x7, v15;
	_ =	sdelay $0x4  }
0x131: {  	[tilespmem:v13+s9+$0x0] =	vst.idx.add.s32.msk $0xffff, v1  }
0x132: {  	v13 =	vld [tilespmem:$0x430]  }
0x133: {  	v14 =	vld [tilespmem:$0x4B0];
	_ =	sdelay $0x1  }
0x134: {  	v15 =	vld [tilespmem:$0x530];
	_ =	sdelay $0x1  }
0x135: {  	v38 =	vld [tilespmem:$0x5B0]  }
0x136: {  	vm8 =	vgt.f32 v14, v13  }
0x137: {  	v13 =	vsel vm8, v14, v13;
	v14 =	vld [tilespmem:$0x630]  }
0x138: {  	vm9 =	vgt.f32 v15, v13  }
0x139: {  	v13 =	vsel vm9, v15, v13;
	v15 =	vld [tilespmem:$0x6B0]  }
0x13a: {  	vm10 =	vgt.f32 v38, v13  }
0x13b: {  	v39 =	vld [tilespmem:$0x730];
	v13 =	vsel vm10, v38, v13  }
0x13c: {  	vm11 =	vgt.f32 v14, v13  }
0x13d: {  	v40 =	vsel vm8, $0x1, v2;
	v13 =	vsel vm11, v14, v13;
	v14 =	vld [tilespmem:$0x7B0]  }
0x13e: {  	v17 =	vsel vm9, $0x2, v40;
	vm5 =	vgt.f32 v15, v13  }
0x13f: {  	v17 =	vsel vm10, $0x3, v17;
	v13 =	vsel vm5, v15, v13  }
0x140: {  	v15 =	vsel vm11, $0x4, v17;
	vm6 =	vgt.f32 v39, v13  }
0x141: {  	v15 =	vsel vm5, $0x5, v15;
	v13 =	vsel vm6, v39, v13  }
0x142: {  	v15 =	vsel vm6, $0x6, v15;
	vm7 =	vgt.f32 v14, v13  }
0x143: {  	v13 =	vsel vm7, $0x7, v15;
	_ =	sdelay $0x4  }
0x144: {  	[tilespmem:v13+s9+$0x0] =	vst.idx.add.s32.msk $0xffff, v1  }
0x145: {  	[spmem:s6] =	stream.linear.scatter [tilespmem:s1], [sflag:$0x4], $0x10, $0x38;
	[tilespmem:$0x10E20] =	vst v63  }
0x146: {  	_ =	swait.ge [sflag:s16], $0x10  }
0x147: {  	[sflag:s16] =	ssyncset.done $0x0  }
0x148: {  	[sflag:s16] =	ssyncadd.s32 $0xFFFFFFF0  }
0x149: {  	[spmem:s4] =	stream.linear.scatter [tilespmem:s9], [sflag:$0x4], $0x10, $0x38;
	[tilespmem:$0x10E20] =	vst v63  }
0x14a: {  	_ =	swait.ge [sflag:s16], $0x10  }
0x14b: {  	[sflag:s16] =	ssyncset.done $0x0  }
0x14c: {  	[sflag:s16] =	ssyncadd.s32 $0xFFFFFFF0  }
0x14d: {  	s9 =	simm.s32 $0xA80;
	[bflag:$0x0] =	sbarrier.arrive $0xFFFF  }
0x14e: {  	[tilespmem:s9], [sflag:$0x4] =	stream.linear.gather [spmem:s8], $0x200, $0x38;
	[tilespmem:$0x10E20] =	vst v63  }
0x14f: {  	_ =	swait.ge [sflag:s16], $0x200  }
0x150: {  	v54 =	vld [tilespmem:$0x1FFF0]  }
0x151: {  	v55 =	vld [tilespmem:$0x1FFE0]  }
0x152: {  	v57 =	vld [tilespmem:$0x1FFD0]  }
0x153: {  	v59 =	vld [tilespmem:$0x1FFC0]  }
0x154: {  	v61 =	vld [tilespmem:$0x1FFB0]  }
0x155: {  	v63 =	vld [tilespmem:$0x1FFA0]  }
0x156: {  	v33 =	vld [tilespmem:$0x1FF90]  }
0x157: {  	v35 =	vld [tilespmem:$0x1FF80]  }
0x158: {  	[sflag:s16] =	ssyncset.done $0x0;
	v37 =	vld [tilespmem:$0x1FF70]  }
0x159: {  	v39 =	vld [tilespmem:$0x1FF60];
	[sflag:s16] =	ssyncadd.s32 $0xFFFFFE00  }
0x15a: {  	v13 =	vld [tilespmem:$0xA80]  }
0x15b: {  	v14 =	vld [tilespmem:$0xA90]  }
0x15c: {  	v15 =	vld [tilespmem:$0xAA0]  }
0x15d: {  	v41 =	vld [tilespmem:$0xAB0]  }
0x15e: {  	v42 =	vld [tilespmem:$0xAC0]  }
0x15f: {  	v43 =	vld [tilespmem:$0xAD0]  }
0x160: {  	v44 =	vld [tilespmem:$0xAE0]  }
0x161: {  	v46 =	vld [tilespmem:$0xAF0]  }
0x162: {  	v47 =	vld [tilespmem:$0xB00]  }
0x163: {  	v48 =	vld [tilespmem:$0xB10]  }
0x164: {  	v49 =	vld [tilespmem:$0xB20]  }
0x165: {  	v50 =	vld [tilespmem:$0xB30]  }
0x166: {  	v51 =	vld [tilespmem:$0xB40]  }
0x167: {  	v52 =	vld [tilespmem:$0xB50]  }
0x168: {  	v53 =	vld [tilespmem:$0xB60]  }
0x169: {  	v56 =	vld [tilespmem:$0xB90]  }
0x16a: {  	v58 =	vld [tilespmem:$0xBA0];
	vm8 =	vnez.u8 v54;
	vm9 =	vnez.u8 v55;
	vm10 =	vnez.u8 v57  }
0x16b: {  	v60 =	vld [tilespmem:$0xBB0];
	vm11 =	vnez.u8 v59;
	vm4 =	vnez.u8 v61;
	vm5 =	vnez.u8 v63  }
0x16c: {  	v62 =	vld [tilespmem:$0xBC0];
	vm6 =	vnez.u8 v33;
	vm7 =	vnez.u8 v35;
	v45 =	vadd.s32 v14, v13  }
0x16d: {  	v32 =	vld [tilespmem:$0xBD0];
	v13 =	vsel vm14, $0x0, v13;
	v14 =	vnsel vm13, $0x0, v14;
	v16 =	vnsel vm8, $0x0, v41  }
0x16e: {  	v34 =	vld [tilespmem:$0xBE0];
	v17 =	vnsel vm9, $0x0, v42;
	v18 =	vnsel vm10, $0x0, v43;
	v19 =	vnsel vm11, $0x0, v44  }
0x16f: {  	v36 =	vld [tilespmem:$0xBF0];
	v21 =	vnsel vm4, $0x0, v46;
	v22 =	vnsel vm5, $0x0, v47;
	v23 =	vnsel vm6, $0x0, v48  }
0x170: {  	v38 =	vld [tilespmem:$0xC00];
	v20 =	vadd.s32 v15, v45;
	v15 =	vnsel vm12, $0x0, v15;
	v13 =	vadd.s32 v13, v14  }
0x171: {  	v24 =	vnsel vm7, $0x0, v49;
	v45 =	vld [tilespmem:$0x1FF30];
	v20 =	vadd.s32 v41, v20;
	v13 =	vadd.s32 v15, v13  }
0x172: {  	vm8 =	vnez.u8 v37;
	v41 =	vld [tilespmem:$0x1FF50];
	v20 =	vadd.s32 v42, v20;
	v13 =	vadd.s32 v16, v13  }
0x173: {  	v54 =	vld [tilespmem:$0x1FED0];
	vm9 =	vnez.u8 v39;
	v20 =	vadd.s32 v43, v20;
	v13 =	vadd.s32 v17, v13  }
0x174: {  	v25 =	vnsel vm8, $0x0, v50;
	v43 =	vld [tilespmem:$0x1FF40];
	v20 =	vadd.s32 v44, v20;
	v13 =	vadd.s32 v18, v13  }
0x175: {  	v55 =	vld [tilespmem:$0x1FEC0];
	v26 =	vnsel vm9, $0x0, v51;
	v20 =	vadd.s32 v46, v20;
	v13 =	vadd.s32 v19, v13  }
0x176: {  	v14 =	vld [tilespmem:$0xB70];
	vm4 =	vnez.u8 v45;
	v20 =	vadd.s32 v47, v20;
	v13 =	vadd.s32 v21, v13  }
0x177: {  	vm10 =	vnez.u8 v41;
	v47 =	vld [tilespmem:$0x1FF20];
	v20 =	vadd.s32 v48, v20;
	v13 =	vadd.s32 v22, v13  }
0x178: {  	v27 =	vnsel vm10, $0x0, v52;
	v48 =	vld [tilespmem:$0x1FF10];
	vm10 =	vnez.u8 v54;
	v20 =	vadd.s32 v49, v20  }
0x179: {  	v15 =	vld [tilespmem:$0xB80];
	v13 =	vadd.s32 v23, v13;
	vm11 =	vnez.u8 v43;
	v20 =	vadd.s32 v50, v20  }
0x17a: {  	v49 =	vld [tilespmem:$0x1FF00];
	v13 =	vadd.s32 v24, v13;
	v28 =	vnsel vm11, $0x0, v53;
	v20 =	vadd.s32 v51, v20  }
0x17b: {  	v57 =	vld [tilespmem:$0x1FEA0];
	vm11 =	vnez.u8 v55;
	v13 =	vadd.s32 v25, v13;
	v20 =	vadd.s32 v52, v20  }
0x17c: {  	v59 =	vld [tilespmem:$0x1FE80];
	v13 =	vadd.s32 v26, v13;
	vm5 =	vnez.u8 v47;
	v20 =	vadd.s32 v53, v20  }
0x17d: {  	v51 =	vld [tilespmem:$0x1FEF0];
	v13 =	vadd.s32 v27, v13;
	vm6 =	vnez.u8 v48;
	v20 =	vadd.s32 v14, v20  }
0x17e: {  	v40 =	vld [tilespmem:$0xC10];
	v14 =	vnsel vm4, $0x0, v14;
	v13 =	vadd.s32 v28, v13;
	v16 =	vnsel vm6, $0x0, v56  }
0x17f: {  	v53 =	vld [tilespmem:$0x1FEE0];
	vm7 =	vnez.u8 v49;
	v20 =	vadd.s32 v15, v20;
	v15 =	vnsel vm5, $0x0, v15  }
0x180: {  	v61 =	vld [tilespmem:$0x1FE60];
	v13 =	vadd.s32 v14, v13;
	v17 =	vnsel vm7, $0x0, v58;
	vm5 =	vnez.u8 v57  }
0x181: {  	v63 =	vld [tilespmem:$0x1FE50];
	vm7 =	vnez.u8 v59;
	v20 =	vadd.s32 v56, v20;
	v13 =	vadd.s32 v15, v13  }
0x182: {  	v42 =	vld [tilespmem:$0xC20];
	vm8 =	vnez.u8 v51;
	v20 =	vadd.s32 v58, v20;
	v13 =	vadd.s32 v16, v13  }
0x183: {  	v56 =	vld [tilespmem:$0x1FEB0];
	v20 =	vadd.s32 v60, v20;
	v13 =	vadd.s32 v17, v13;
	v17 =	vnsel vm8, $0x0, v60  }
0x184: {  	v44 =	vld [tilespmem:$0xC30];
	vm9 =	vnez.u8 v53;
	v20 =	vadd.s32 v62, v20;
	v13 =	vadd.s32 v17, v13  }
0x185: {  	v58 =	vld [tilespmem:$0x1FE90];
	v17 =	vnsel vm9, $0x0, v62;
	vm9 =	vnez.u8 v61;
	v20 =	vadd.s32 v32, v20  }
0x186: {  	v60 =	vld [tilespmem:$0x1FE70];
	v13 =	vadd.s32 v17, v13;
	v17 =	vnsel vm10, $0x0, v32;
	v20 =	vadd.s32 v34, v20  }
0x187: {  	v46 =	vld [tilespmem:$0xC40];
	vm10 =	vnez.u8 v63;
	v13 =	vadd.s32 v17, v13;
	v20 =	vadd.s32 v36, v20  }
0x188: {  	v14 =	vld [tilespmem:$0xC50];
	v17 =	vnsel vm11, $0x0, v34;
	vm4 =	vnez.u8 v56;
	v20 =	vadd.s32 v38, v20  }
0x189: {  	v15 =	vld [tilespmem:$0xC60];
	v13 =	vadd.s32 v17, v13;
	v17 =	vnsel vm4, $0x0, v36;
	v20 =	vadd.s32 v40, v20  }
0x18a: {  	v50 =	vld [tilespmem:$0xC70];
	vm6 =	vnez.u8 v58;
	v13 =	vadd.s32 v17, v13;
	v20 =	vadd.s32 v42, v20  }
0x18b: {  	v17 =	vnsel vm5, $0x0, v38;
	vm8 =	vnez.u8 v60;
	v52 =	vadd.s32 v44, v20  }
0x18c: {  	v13 =	vadd.s32 v17, v13;
	v17 =	vnsel vm6, $0x0, v40;
	v18 =	vadd.s32 v46, v52  }
0x18d: {  	v13 =	vadd.s32 v17, v13;
	v17 =	vnsel vm7, $0x0, v42;
	v18 =	vadd.s32 v14, v18  }
0x18e: {  	v13 =	vadd.s32 v17, v13;
	v17 =	vnsel vm8, $0x0, v44;
	v18 =	vadd.s32 v15, v18  }
0x18f: {  	v13 =	vadd.s32 v17, v13;
	v16 =	vadd.s32 v50, v18;
	v18 =	vnsel vm9, $0x0, v46  }
0x190: {  	v14 =	vnsel vm10, $0x0, v14;
	v13 =	vadd.s32 v18, v13  }
0x191: {  	v13 =	vadd.s32 v14, v13;
	v14 =	vld [tilespmem:$0x1FE40]  }
0x192: {  	v16 =	vadd.s32 $0x7F, v16  }
0x193: {  	v16 =	vand.u32 $0xFFFFFF80, v16  }
0x194: {  	(xrf0) =	vadd.scan.msk.s32 $0xffff, v16  }
0x195: {  	v62 =	vld [tilespmem:$0x800]  }
0x196: {  	vm11 =	vnez.u8 v14  }
0x197: {  	v14 =	vnsel vm11, $0x0, v15;
	_ =	sdelay $0x1  }
0x198: {  	v13 =	vadd.s32 v14, v13  }
0x199: {  	v13 =	vsub.s32 v13, v16;
	v14, _, _ =	vpop (xrf0)  }
0x19a: {  	v13 =	vadd.s32 v14, v13;
	[tilespmem:$0xD01] =	vst v14;
	v14 =	vld [tilespmem:$0x810]  }
0x19b: {  	s9 =	simm.s32 $0xC80;
	[tilespmem:$0xC80] =	vst v13;
	v13 =	vld [tilespmem:$0x880]  }
0x19c: {  	v15 =	vld.idx.msk [tilespmem:v62+s9+$0x0], $0xffff;
	_ =	sdelay $0x4  }
0x19d: {  	v13 =	vadd.s32 v13, v15;
	v15 =	vld [tilespmem:$0x890]  }
0x19e: {  	[tilespmem:$0x900] =	vst v13;
	v13 =	vld [tilespmem:$0x820]  }
0x19f: {  	v14 =	vld.idx.msk [tilespmem:v14+s9+$0x0], $0xffff;
	_ =	sdelay $0x4  }
0x1a0: {  	v14 =	vadd.s32 v15, v14;
	v15 =	vld [tilespmem:$0x8A0]  }
0x1a1: {  	[tilespmem:$0x910] =	vst v14;
	v14 =	vld [tilespmem:$0x830]  }
0x1a2: {  	v13 =	vld.idx.msk [tilespmem:v13+s9+$0x0], $0xffff;
	_ =	sdelay $0x4  }
0x1a3: {  	v13 =	vadd.s32 v15, v13  }
0x1a4: {  	[tilespmem:$0x920] =	vst v13;
	v13 =	vld [tilespmem:$0x8B0]  }
0x1a5: {  	v14 =	vld.idx.msk [tilespmem:v14+s9+$0x0], $0xffff;
	_ =	sdelay $0x4  }
0x1a6: {  	v13 =	vadd.s32 v13, v14  }
0x1a7: {  	s9 =	simm.s32 $0x900;
	[tilespmem:$0x930] =	vst v13  }
0x1a8: {  	[hbm4b:s7+s3] =	stream.linear.scatter [tilespmem:s9], [sflag:$0x4], $0x40, $0x38;
	[tilespmem:$0x10E20] =	vst v63  }
0x1a9: {  	_ =	swait.ge [sflag:s16], $0x40  }
0x1aa: {  	[sflag:s16] =	ssyncset.done $0x0  }
0x1ab: {  	s9 =	simm.s32 $0x2;
	[sflag:s16] =	ssyncadd.s32 $0xFFFFFFC0  }
0x1ac: {  	_ =	swait.ge [sflag:s9], $0x10000  }
0x1ad: {  	[sflag:s9] =	ssyncset.done $0x0  }
0x1ae: {  	[sflag:s9] =	ssyncadd.s32 $0xFFFF0000  }
0x1af: {  	v13 =	vld [tilespmem:$0x900];
	_ =	sdelay $0x4  }
0x1b0: {  	v14 =	vshll.u32 v13, $0x3  }
0x1b1: {  	v13 =	vand.u32 $0x7, v13;
	v14 =	vand.u32 $0xFFFFFFC0, v14  }
0x1b2: {  	v13 =	vor.u32 v13, v14  }
0x1b3: {  	v14 =	vperm.xlane v13, v3;
	_ =	sdelay $0x1  }
0x1b4: {  	v14 =	vadd.s32 v4, v14;
	_ =	sdelay $0x4  }
0x1b5: {  	[hbm4b:s25+s3] =	stream.indirect_vreg.scatter [tilespmem:s0], [sflag:$0x1], $0x80, v14, vm15, $0xb8;
	[tilespmem:$0x10E20] =	vst v63  }
0x1b6: {  	s9 =	simm.s32 $0x1600;
	v13 =	vperm.xlane v13, v5  }
0x1b7: {  	[hbm4b:s26+s3] =	stream.indirect_vreg.scatter [tilespmem:s9], [sflag:$0x1], $0x80, v14, vm15, $0xb8;
	[tilespmem:$0x10E20] =	vst v63  }
0x1b8: {  	v13 =	vadd.s32 v4, v13;
	s9 =	simm.s32 $0x1E00  }
0x1b9: {  	[hbm4b:s28+s3] =	stream.indirect_vreg.scatter [tilespmem:s9], [sflag:$0x1], $0x80, v14, vm15, $0xb8;
	[tilespmem:$0x10E20] =	vst v63  }
0x1ba: {  	s9 =	simm.s32 $0x2600  }
0x1bb: {  	[hbm4b:s29+s3] =	stream.indirect_vreg.scatter [tilespmem:s9], [sflag:$0x1], $0x80, v14, vm15, $0xb8;
	[tilespmem:$0x10E20] =	vst v63  }
0x1bc: {  	s9 =	simm.s32 $0x2E00  }
0x1bd: {  	[hbm4b:s25+s3] =	stream.indirect_vreg.scatter [tilespmem:s9], [sflag:$0x1], $0x80, v13, vm15, $0xb8;
	[tilespmem:$0x10E20] =	vst v63  }
0x1be: {  	s9 =	simm.s32 $0x3600  }
0x1bf: {  	[hbm4b:s26+s3] =	stream.indirect_vreg.scatter [tilespmem:s9], [sflag:$0x1], $0x80, v13, vm15, $0xb8;
	[tilespmem:$0x10E20] =	vst v63  }
0x1c0: {  	s9 =	simm.s32 $0x3E00  }
0x1c1: {  	[hbm4b:s28+s3] =	stream.indirect_vreg.scatter [tilespmem:s9], [sflag:$0x1], $0x80, v13, vm15, $0xb8;
	[tilespmem:$0x10E20] =	vst v63  }
0x1c2: {  	s9 =	simm.s32 $0x4600  }
0x1c3: {  	[hbm4b:s29+s3] =	stream.indirect_vreg.scatter [tilespmem:s9], [sflag:$0x1], $0x80, v13, vm15, $0xb8;
	[tilespmem:$0x10E20] =	vst v63  }
0x1c4: {  	v13 =	vld [tilespmem:$0x910];
	_ =	sdelay $0x4  }
0x1c5: {  	v14 =	vshll.u32 v13, $0x3  }
0x1c6: {  	v13 =	vand.u32 $0x7, v13;
	v14 =	vand.u32 $0xFFFFFFC0, v14  }
0x1c7: {  	v13 =	vor.u32 v13, v14  }
0x1c8: {  	v14 =	vperm.xlane v13, v3;
	_ =	sdelay $0x1  }
0x1c9: {  	v14 =	vadd.s32 v4, v14;
	_ =	sdelay $0x3  }
0x1ca: {  	s9 =	simm.s32 $0x4E00  }
0x1cb: {  	[hbm4b:s25+s3] =	stream.indirect_vreg.scatter [tilespmem:s9], [sflag:$0x1], $0x80, v14, vm15, $0xb8;
	[tilespmem:$0x10E20] =	vst v63  }
0x1cc: {  	v13 =	vperm.xlane v13, v5;
	s9 =	simm.s32 $0x5600  }
0x1cd: {  	[hbm4b:s26+s3] =	stream.indirect_vreg.scatter [tilespmem:s9], [sflag:$0x1], $0x80, v14, vm15, $0xb8;
	[tilespmem:$0x10E20] =	vst v63  }
0x1ce: {  	v13 =	vadd.s32 v4, v13;
	s9 =	simm.s32 $0x5E00  }
0x1cf: {  	[hbm4b:s28+s3] =	stream.indirect_vreg.scatter [tilespmem:s9], [sflag:$0x1], $0x80, v14, vm15, $0xb8;
	[tilespmem:$0x10E20] =	vst v63  }
0x1d0: {  	s9 =	simm.s32 $0x6600  }
0x1d1: {  	[hbm4b:s29+s3] =	stream.indirect_vreg.scatter [tilespmem:s9], [sflag:$0x1], $0x80, v14, vm15, $0xb8;
	[tilespmem:$0x10E20] =	vst v63  }
0x1d2: {  	s9 =	simm.s32 $0x6E00  }
0x1d3: {  	[hbm4b:s25+s3] =	stream.indirect_vreg.scatter [tilespmem:s9], [sflag:$0x1], $0x80, v13, vm15, $0xb8;
	[tilespmem:$0x10E20] =	vst v63  }
0x1d4: {  	s9 =	simm.s32 $0x7600  }
0x1d5: {  	[hbm4b:s26+s3] =	stream.indirect_vreg.scatter [tilespmem:s9], [sflag:$0x1], $0x80, v13, vm15, $0xb8;
	[tilespmem:$0x10E20] =	vst v63  }
0x1d6: {  	s9 =	simm.s32 $0x7E00  }
0x1d7: {  	[hbm4b:s28+s3] =	stream.indirect_vreg.scatter [tilespmem:s9], [sflag:$0x1], $0x80, v13, vm15, $0xb8;
	[tilespmem:$0x10E20] =	vst v63  }
0x1d8: {  	s9 =	simm.s32 $0x8600  }
0x1d9: {  	[hbm4b:s29+s3] =	stream.indirect_vreg.scatter [tilespmem:s9], [sflag:$0x1], $0x80, v13, vm15, $0xb8;
	[tilespmem:$0x10E20] =	vst v63  }
0x1da: {  	v13 =	vld [tilespmem:$0x920];
	_ =	sdelay $0x4  }
0x1db: {  	v14 =	vshll.u32 v13, $0x3  }
0x1dc: {  	v13 =	vand.u32 $0x7, v13;
	v14 =	vand.u32 $0xFFFFFFC0, v14  }
0x1dd: {  	v13 =	vor.u32 v13, v14  }
0x1de: {  	v14 =	vperm.xlane v13, v3;
	_ =	sdelay $0x1  }
0x1df: {  	v14 =	vadd.s32 v4, v14;
	_ =	sdelay $0x3  }
0x1e0: {  	s9 =	simm.s32 $0x8E00  }
0x1e1: {  	[hbm4b:s25+s3] =	stream.indirect_vreg.scatter [tilespmem:s9], [sflag:$0x1], $0x80, v14, vm15, $0xb8;
	[tilespmem:$0x10E20] =	vst v63  }
0x1e2: {  	v13 =	vperm.xlane v13, v5;
	s9 =	simm.s32 $0x9600  }
0x1e3: {  	[hbm4b:s26+s3] =	stream.indirect_vreg.scatter [tilespmem:s9], [sflag:$0x1], $0x80, v14, vm15, $0xb8;
	[tilespmem:$0x10E20] =	vst v63  }
0x1e4: {  	v13 =	vadd.s32 v4, v13;
	s9 =	simm.s32 $0x9E00  }
0x1e5: {  	[hbm4b:s28+s3] =	stream.indirect_vreg.scatter [tilespmem:s9], [sflag:$0x1], $0x80, v14, vm15, $0xb8;
	[tilespmem:$0x10E20] =	vst v63  }
0x1e6: {  	s9 =	simm.s32 $0xA600  }
0x1e7: {  	[hbm4b:s29+s3] =	stream.indirect_vreg.scatter [tilespmem:s9], [sflag:$0x1], $0x80, v14, vm15, $0xb8;
	[tilespmem:$0x10E20] =	vst v63  }
0x1e8: {  	s9 =	simm.s32 $0xAE00  }
0x1e9: {  	[hbm4b:s25+s3] =	stream.indirect_vreg.scatter [tilespmem:s9], [sflag:$0x1], $0x80, v13, vm15, $0xb8;
	[tilespmem:$0x10E20] =	vst v63  }
0x1ea: {  	s9 =	simm.s32 $0xB600  }
0x1eb: {  	[hbm4b:s26+s3] =	stream.indirect_vreg.scatter [tilespmem:s9], [sflag:$0x1], $0x80, v13, vm15, $0xb8;
	[tilespmem:$0x10E20] =	vst v63  }
0x1ec: {  	s9 =	simm.s32 $0xBE00  }
0x1ed: {  	[hbm4b:s28+s3] =	stream.indirect_vreg.scatter [tilespmem:s9], [sflag:$0x1], $0x80, v13, vm15, $0xb8;
	[tilespmem:$0x10E20] =	vst v63  }
0x1ee: {  	s9 =	simm.s32 $0xC600  }
0x1ef: {  	[hbm4b:s29+s3] =	stream.indirect_vreg.scatter [tilespmem:s9], [sflag:$0x1], $0x80, v13, vm15, $0xb8;
	[tilespmem:$0x10E20] =	vst v63  }
0x1f0: {  	v13 =	vld [tilespmem:$0x930];
	_ =	sdelay $0x4  }
0x1f1: {  	v14 =	vshll.u32 v13, $0x3  }
0x1f2: {  	v13 =	vand.u32 $0x7, v13;
	v14 =	vand.u32 $0xFFFFFFC0, v14  }
0x1f3: {  	v13 =	vor.u32 v13, v14  }
0x1f4: {  	v14 =	vperm.xlane v13, v3;
	_ =	sdelay $0x1  }
0x1f5: {  	v14 =	vadd.s32 v4, v14;
	_ =	sdelay $0x3  }
0x1f6: {  	s9 =	simm.s32 $0xCE00  }
0x1f7: {  	[hbm4b:s25+s3] =	stream.indirect_vreg.scatter [tilespmem:s9], [sflag:$0x1], $0x80, v14, vm15, $0xb8;
	[tilespmem:$0x10E20] =	vst v63  }
0x1f8: {  	v13 =	vperm.xlane v13, v5;
	s9 =	simm.s32 $0xD600  }
0x1f9: {  	[hbm4b:s26+s3] =	stream.indirect_vreg.scatter [tilespmem:s9], [sflag:$0x1], $0x80, v14, vm15, $0xb8;
	[tilespmem:$0x10E20] =	vst v63  }
0x1fa: {  	v13 =	vadd.s32 v4, v13;
	s9 =	simm.s32 $0xDE00  }
0x1fb: {  	[hbm4b:s28+s3] =	stream.indirect_vreg.scatter [tilespmem:s9], [sflag:$0x1], $0x80, v14, vm15, $0xb8;
	[tilespmem:$0x10E20] =	vst v63  }
0x1fc: {  	s9 =	simm.s32 $0xE600  }
0x1fd: {  	[hbm4b:s29+s3] =	stream.indirect_vreg.scatter [tilespmem:s9], [sflag:$0x1], $0x80, v14, vm15, $0xb8;
	[tilespmem:$0x10E20] =	vst v63  }
0x1fe: {  	s9 =	simm.s32 $0xEE00  }
0x1ff: {  	[hbm4b:s25+s3] =	stream.indirect_vreg.scatter [tilespmem:s9], [sflag:$0x1], $0x80, v13, vm15, $0xb8;
	[tilespmem:$0x10E20] =	vst v63  }
0x200: {  	s9 =	simm.s32 $0xF600  }
0x201: {  	[hbm4b:s26+s3] =	stream.indirect_vreg.scatter [tilespmem:s9], [sflag:$0x1], $0x80, v13, vm15, $0xb8;
	[tilespmem:$0x10E20] =	vst v63  }
0x202: {  	s9 =	simm.s32 $0xFE00  }
0x203: {  	[hbm4b:s28+s3] =	stream.indirect_vreg.scatter [tilespmem:s9], [sflag:$0x1], $0x80, v13, vm15, $0xb8;
	[tilespmem:$0x10E20] =	vst v63  }
0x204: {  	s9 =	simm.s32 $0x10600  }
0x205: {  	[hbm4b:s29+s3] =	stream.indirect_vreg.scatter [tilespmem:s9], [sflag:$0x1], $0x80, v13, vm15, $0xb8;
	[tilespmem:$0x10E20] =	vst v63  }
.Ltmp2:
0x206: {  	_ = 	snop;
	(pc) =	sbr.rel @p0 .LBB2_3-.Ltmp2, $4  }
0x207: {  	s9 =	simm.s32 $0x1  }
0x208: {  	_ =	swait.ge [sflag:s9], $0x10000  }
0x209: {  	[sflag:s9] =	ssyncset.done $0x0  }
0x20a: {  	[sflag:s9] =	ssyncadd.s32 $0xFFFF0000  }
0x20b: {  	_ =	sdelay $0x2  }
0x20c: {  	s0 =	simm.s32 $0xD00  }
0x20d: {  	v13 =	vld.idx.msk [tilespmem:v1+s0+$0x0], $0xffff  }
0x20e: {  	v15 =	vld.idx.msk [tilespmem:v6+s0+$0x0], $0xffff  }
0x20f: {  	v16 =	vld.idx.msk [tilespmem:v7+s0+$0x0], $0xffff  }
0x210: {  	v14 =	vmul.u32 $0x80, v0;
	v18 =	vld.idx.msk [tilespmem:v8+s0+$0x0], $0xffff;
	_ =	sdelay $0x1  }
0x211: {  	v17 =	vor.u32 $0x1, v14  }
0x212: {  	v22 =	vld.idx.msk [tilespmem:v10+s0+$0x0], $0xffff;
	v14 =	vor.u32 $0x801, v14;
	vm0 =	vlt.s32 v13, v17  }
0x213: {  	v58 =	vld.idx.msk [tilespmem:v11+s0+$0x0], $0xffff;
	vm7 =	vlt.s32 v13, v14;
	vm8 =	vlt.s32 v15, v17;
	vm1 =	vlt.s32 v15, v14  }
0x214: {  	vm9 =	vlt.s32 v16, v17;
	vm10 =	vlt.s32 v16, v14;
	vm11 =	vlt.s32 v18, v17  }
0x215: {  	vm4 =	vlt.s32 v18, v14;
	v19 =	vsel vm0, $0x1, v2;
	v20 =	vsel vm7, $0x1, v2  }
0x216: {  	v13 =	vld.idx.msk [tilespmem:v9+s0+$0x0], $0xffff;
	v15 =	vsel vm8, $0x1, v2;
	v21 =	vsel vm1, $0x1, v2;
	v23 =	vsel vm9, $0x1, v2  }
0x217: {  	v16 =	vsel vm10, $0x1, v2;
	v24 =	vsel vm11, $0x1, v2;
	v59 =	vsel vm4, $0x1, v2  }
0x218: {  	vm7 =	vlt.s32 v22, v17;
	vm8 =	vlt.s32 v22, v14;
	vm9 =	vlt.s32 v58, v17  }
0x219: {  	vm10 =	vlt.s32 v58, v14;
	vm11 =	vcmask $0x300;
	v15 =	vadd.s32 v19, v15  }
0x21a: {  	v20 =	vadd.s32 v20, v21;
	v61 =	vsel vm7, $0x1, v2;
	v22 =	vsel vm8, $0x1, v2  }
0x21b: {  	s9 =	smov.u32 s8;
	vm5 =	vlt.s32 v13, v17;
	vm6 =	vlt.s32 v13, v14;
	v13 =	vadd.s32 v23, v15  }
0x21c: {  	s8 =	rddreg [dreg:$0x3];
	v62 =	vld.idx.msk [tilespmem:v12+s0+$0x0], $0xffff;
	s0 =	smov.u32 s4;
	s4 =	smov.u32 s7;
	v16 =	vadd.s32 v16, v20;
	v60 =	vsel vm5, $0x1, v2;
	v13 =	vadd.s32 v24, v13  }
0x21d: {  	s7 =	smov.u32 s6;
	s6 =	smov.u32 s5;
	s5 =	smov.u32 s24;
	v16 =	vadd.s32 v59, v16;
	v15 =	vsel vm6, $0x1, v2;
	v13 =	vadd.s32 v60, v13  }
0x21e: {  	s24 =	smov.u32 s23;
	s23 =	smov.u32 s22;
	s22 =	smov.u32 s31;
	v63 =	vsel vm9, $0x1, v2;
	v14 =	vadd.s32 v15, v16;
	v13 =	vadd.s32 v61, v13  }
0x21f: {  	s31 =	smov.u32 s21;
	s21 =	smov.u32 s20;
	s20 =	smov.u32 s19;
	v15 =	vsel vm10, $0x1, v2;
	v14 =	vadd.s32 v22, v14;
	v13 =	vadd.s32 v63, v13  }
0x220: {  	s19 =	smov.u32 s18;
	s18 =	smov.u32 s17;
	s17 =	smov.u32 s15;
	v14 =	vadd.s32 v15, v14;
	[tilespmem:$0xD80] =	vst v13;
	v13 =	vsel vm11, $0xFFFFFFFF, v2  }
0x221: {  	s15 =	smov.u32 s14;
	s14 =	smov.u32 s13;
	s13 =	smov.u32 s12;
	[tilespmem:$0xD90] =	vst v14;
	v13 =	vand.u32 v13, v62  }
0x222: {  	s12 =	smov.u32 s11;
	s11 =	smov.u32 s10;
	s10 =	simm.s32 $0xD80;
	[tilespmem:$0xDA0] =	vst v13  }
0x223: {  	[hbm4b:s8+s3] =	stream.linear.scatter [tilespmem:s10], [sflag:$0x4], $0x80, $0x38;
	[tilespmem:$0x10E20] =	vst v63  }
0x224: {  	s8 =	smov.u32 s9  }
0x225: {  	s10 =	smov.u32 s11;
	s11 =	smov.u32 s12;
	s12 =	smov.u32 s13  }
0x226: {  	s13 =	smov.u32 s14;
	s14 =	smov.u32 s15;
	s15 =	smov.u32 s17  }
0x227: {  	s17 =	smov.u32 s18;
	s18 =	smov.u32 s19;
	s19 =	smov.u32 s20  }
.Ltmp3:
0x228: {  	s20 =	smov.u32 s21;
	s21 =	smov.u32 s31;
	(pc) =	sbr.rel .LBB2_3-.Ltmp3, $4  }
0x229: {  	s31 =	smov.u32 s22;
	s22 =	smov.u32 s23;
	s23 =	smov.u32 s24  }
0x22a: {  	s24 =	smov.u32 s5;
	s5 =	smov.u32 s6;
	_ =	swait.ge [sflag:s16], $0x80  }
0x22b: {  	s6 =	smov.u32 s7;
	s7 =	smov.u32 s4;
	[sflag:s16] =	ssyncset.done $0x0  }
0x22c: {  	s4 =	smov.u32 s0;
	s0 =	simm.s32 $0xE00;
	[sflag:s16] =	ssyncadd.s32 $0xFFFFFF80  }
.LBB2_4:
0x22d: {  	_ =	sfence.sel $0x180000  }
0x22e: {  	[bflag:$0x0] =	sbarrier.arrive $0xFFFF  }
0x22f: {  	_ =	strace $0x90000047  }
0x230: {  	s0 =	stileid.u32;
	[bflag:$0x2] =	sbarrier.arrive $0xFFFF  }
0x231: {  	p0 =	sne.s32 s0, $0x0;
	s0 =	rddreg [dreg:$0x5]  }
0x232: {  	s0 =	sadd.s32 @!p0 $0x100000, s0  }
0x233: {  	[sflag:s0] =	ssyncadd.tile.s32 @!p0 $0x1;
	_ =	shalt  }
.Lfunc_end2:
_tile_overlayer_lowered:
.L_overlay_start_2:
0x234: {  	(tag) =	ssettag $0x2  }
0x235: {  	s0 =	rddreg [dreg:$0x0];
	s2 =	stileid.u32  }
0x236: {  	s1 =	rddreg [dreg:$0x1];
	p0 =	sne.s32 s2, $0x0  }
0x237: {  	s3 =	rddreg [dreg:$0x2];
	[bflag:$0x3] =	sbarrier.arrive $0xFFFF;
	s2 =	simm.s32 @!p0 $0x1C04  }
0x238: {  	[timem:s3], [sflag:s2] =	dma.local @!p0 [hbm:s0], s1  }
0x239: {  	s0 =	simm.s32 @!p0 $0x4  }
0x23a: {  	_ =	swait.ge @!p0 [sflag:s0], s1  }
0x23b: {  	s1 =	ssub.s32 @!p0 $0x0, s1;
	[sflag:s0] =	ssyncset.done @!p0 $0x0  }
0x23c: {  	[sflag:s0] =	ssyncadd.s32 @!p0 s1  }
0x23d: {  	[bflag:$0x3] =	sbarrier.arrive $0xFFFF  }
0x23e: {  	_ =	shalt  }

// kernel: kernel.8.cloned.1.call-start
scs
__scs_entry_jumppad:
0x0: {  	(pc) =	sbr.rel $0x88, $3  }
0x1: {  	(tag) =	ssettag $0x0;
	lr =	simm.s32 $0x1  }
0x2: {  	[smem:$0x3F9D] =	sst lr;
	_ =	strace $0xD0000000  }
0x3: {  	_ = 	snop  }
0x4: {  	_ = 	snop  }
0x5: {  	_ = 	snop  }
0x6: {  	_ = 	snop  }
0x7: {  	_ = 	snop  }
__scs_overlays_trampoline_lowered:
0x8: {  	[smem:$0x3FAC] =	sst s0  }
0x9: {  	[smem:$0x3FAD] =	sst s1  }
0xa: {  	[smem:$0x3FAE] =	sst s2  }
0xb: {  	[smem:$0x3FAF] =	sst s3  }
0xc: {  	[smem:$0x3FB0] =	sst s4  }
0xd: {  	[smem:$0x3FB1] =	sst s5  }
0xe: {  	[smem:$0x3FB2] =	sst s6  }
0xf: {  	[smem:$0x3FB3] =	sst s7  }
0x10: {  	[smem:$0x3FB4] =	sst s8  }
0x11: {  	[smem:$0x3FB5] =	sst s9;
	s0 =	simm.s32 @!p0 $0x0  }
0x12: {  	s1 =	sld [smem:$0x3F9B];
	s0 =	simm.s32 @p0 $0x1  }
0x13: {  	[smem:$0x3FB6] =	sst s0;
	s0 =	simm.s32 @!p1 $0x0  }
0x14: {  	s2 =	sld [smem:$0x3F9A];
	s0 =	simm.s32 @p1 $0x1  }
0x15: {  	[smem:$0x3FB7] =	sst s0;
	s0 =	simm.s32 @!p2 $0x0  }
0x16: {  	s3 =	sld [smem:$0x3FDB];
	s0 =	simm.s32 @p2 $0x1  }
0x17: {  	s4 =	simm.s32 $0x1BF5;
	[smem:$0x3FB9] =	sst s0  }
0x18: {  	s0 =	sld [smem:$0x3F9C];
	_ =	swait.ge [sflag:s4], $0x0  }
0x19: {  	s7 =	sld [smem:$0x3F9D]  }
0x1a: {  	s8 =	sadd.s32 $0xFFFFE003, lr  }
0x1b: {  	s9 =	sadd.s32 $0xFFFFFEF7, lr;
	s5 =	simm.s32 $0xFFFFFFFF;
	p2 =	slt.u32 s8, $0xFFFFF086  }
0x1c: {  	p1 =	slt.u32 s9, $0xF7A;
	s5 =	simm.s32 @!p2 $0x0  }
0x1d: {  	s5 =	simm.s32 @p1 $0x1;
	p0 =	seq.s32 s7, s2  }
0x1e: {  	s7 =	smul.u32 @!p0 $0xF7A, s2;
	p2 =	seq.s32 @!p0 s5, $0x0  }
0x1f: {  	s9 =	smul.u32 $0xF7A, s1;
	s8 =	simm.s32 @!p0 $0x1BF5;
	p2 =	por !p2, p0  }
0x20: {  	[sflag:s8] =	ssyncset.s32 @!p0 $0xFFFFF086;
	s6 =	sadd.s32 @!p0 s3, s7;
	s7 =	simm.s32 @!p0 $0x108  }
0x21: {  	s3 =	sadd.s32 s3, s9;
	s6 =	sadd.s32 @!p0 $0x88, s6;
	s7 =	simm.s32 @p2 $0x1082  }
0x22: {  	[simem:s7], [sflag:s8] =	dma.local @!p0 [hbm:s6], $0xF7A  }
0x23: {  	s9 =	sor.u32 $0xD0000000, s2;
	s6 =	simm.s32 $0x108;
	_ =	swait.ge @!p0 [sflag:s8], $0x0  }
0x24: {  	s3 =	sadd.s32 $0x88, s3;
	s6 =	simm.s32 @!p1 $0x1082;
	[sflag:s4] =	ssyncset.s32 $0xFFFFF086  }
0x25: {  	[simem:s6], [sflag:s4] =	dma.local [hbm:s3], $0xF7A  }
0x26: {  	[smem:$0x3F9D] =	sst s1;
	(tag) =	ssettag s2;
	_ =	strace s9  }
0x27: {  	s1 =	sld [smem:$0x3FAD]  }
0x28: {  	s2 =	sld [smem:$0x3FAE]  }
0x29: {  	s4 =	sld [smem:$0x3FB0]  }
0x2a: {  	p0 =	seq.s32 s5, $0x0;
	s5 =	sld [smem:$0x3FB1]  }
0x2b: {  	s6 =	sld [smem:$0x3FB2]  }
0x2c: {  	s7 =	sld [smem:$0x3FB3]  }
0x2d: {  	s3 =	simm.s32 $0x108;
	s8 =	sld [smem:$0x3FB4]  }
0x2e: {  	s3 =	simm.s32 @!p0 $0x1082;
	s9 =	sld [smem:$0x3FB5]  }
0x2f: {  	lr =	sadd.s32 s0, s3;
	s0 =	sld [smem:$0x3FAC]  }
0x30: {  	s3 =	sld [smem:$0x3FAF]  }
0x31: {  	[smem:$0x3FB8] =	sst s10  }
0x32: {  	s10 =	sld [smem:$0x3FB6];
	_ =	sdelay $0x3  }
0x33: {  	p0 =	seq.s32 s10, $0x1;
	s10 =	sld [smem:$0x3FB8];
	_ =	sdelay $0x3  }
0x34: {  	[smem:$0x3FB8] =	sst s10  }
0x35: {  	s10 =	sld [smem:$0x3FB7];
	_ =	sdelay $0x3  }
0x36: {  	p1 =	seq.s32 s10, $0x1;
	s10 =	sld [smem:$0x3FB8];
	_ =	sdelay $0x3  }
0x37: {  	[smem:$0x3FB8] =	sst s10  }
0x38: {  	s10 =	sld [smem:$0x3FB9]  }
0x39: {  	_ = 	snop;
	(pc) =	sbr.ind lr, $3  }
0x3a: {  	_ = 	snop  }
0x3b: {  	_ = 	snop  }
0x3c: {  	p2 =	seq.s32 s10, $0x1;
	s10 =	sld [smem:$0x3FB8]  }
0x3d: {  	_ =	shalt  }
0x3e: {  	_ =	shalt  }
0x3f: {  	_ =	shalt  }
0x40: {  	_ =	shalt  }
0x41: {  	_ =	shalt  }
0x42: {  	_ =	shalt  }
0x43: {  	_ =	shalt  }
0x44: {  	_ =	shalt  }
0x45: {  	_ =	shalt  }
0x46: {  	_ =	shalt  }
0x47: {  	_ =	shalt  }
0x48: {  	_ =	shalt  }
0x49: {  	_ =	shalt  }
0x4a: {  	_ =	shalt  }
0x4b: {  	_ =	shalt  }
0x4c: {  	_ =	shalt  }
0x4d: {  	_ =	shalt  }
0x4e: {  	_ =	shalt  }
0x4f: {  	_ =	shalt  }
0x50: {  	_ =	shalt  }
0x51: {  	_ =	shalt  }
0x52: {  	_ =	shalt  }
0x53: {  	_ =	shalt  }
0x54: {  	_ =	shalt  }
0x55: {  	_ =	shalt  }
0x56: {  	_ =	shalt  }
0x57: {  	_ =	shalt  }
0x58: {  	_ =	shalt  }
0x59: {  	_ =	shalt  }
0x5a: {  	_ =	shalt  }
0x5b: {  	_ =	shalt  }
0x5c: {  	_ =	shalt  }
0x5d: {  	_ =	shalt  }
0x5e: {  	_ =	shalt  }
0x5f: {  	_ =	shalt  }
0x60: {  	_ =	shalt  }
0x61: {  	_ =	shalt  }
0x62: {  	_ =	shalt  }
0x63: {  	_ =	shalt  }
0x64: {  	_ =	shalt  }
0x65: {  	_ =	shalt  }
0x66: {  	_ =	shalt  }
0x67: {  	_ =	shalt  }
0x68: {  	_ =	shalt  }
0x69: {  	_ =	shalt  }
0x6a: {  	_ =	shalt  }
0x6b: {  	_ =	shalt  }
0x6c: {  	_ =	shalt  }
0x6d: {  	_ =	shalt  }
0x6e: {  	_ =	shalt  }
0x6f: {  	_ =	shalt  }
0x70: {  	_ =	shalt  }
0x71: {  	_ =	shalt  }
0x72: {  	_ =	shalt  }
0x73: {  	_ =	shalt  }
0x74: {  	_ =	shalt  }
0x75: {  	_ =	shalt  }
0x76: {  	_ =	shalt  }
0x77: {  	_ =	shalt  }
0x78: {  	_ =	shalt  }
0x79: {  	_ =	shalt  }
0x7a: {  	_ =	shalt  }
0x7b: {  	_ =	shalt  }
0x7c: {  	_ =	shalt  }
0x7d: {  	_ =	shalt  }
0x7e: {  	_ =	shalt  }
0x7f: {  	_ =	shalt  }
0x80: {  	_ =	shalt  }
0x81: {  	_ =	shalt  }
0x82: {  	_ =	shalt  }
0x83: {  	_ =	shalt  }
0x84: {  	_ =	shalt  }
0x85: {  	_ =	shalt  }
0x86: {  	_ =	shalt  }
0x87: {  	_ =	shalt  }
.Lfunc_end0:
.L_simem_size_0:
called_computation.1_lowered:
.L_overlay_start_0:
0x88: {  	s2 =	sld [smem:$0x3FD9]  }
0x89: {  	s3 =	sld [smem:$0x3FFE];
	_ =	sdelay $0x1  }
0x8a: {  	s1 =	srdreg.scid  }
0x8b: {  	s0 =	sand.u32 $0x1, s1  }
0x8c: {  	s17 =	sshll.u32 s0, $0xA;
	s2 =	sadd.s32 s3, s2  }
0x8d: {  	s2 =	sadd.s32 s2, s17  }
0x8e: {  	[smem:$0x3FC4] =	sst s2  }
0x8f: {  	_ = 	snop  }
0x90: {  	s2 =	sld [smem:$0x3FD0];
	(tm) =	ssettm $0x1  }
0x91: {  	s18 =	sld [smem:$0x3FFB];
	_ =	sdelay $0x3  }
0x92: {  	_ =	strace s18  }
0x93: {  	s3 =	sld [smem:$0x3FFC];
	_ =	sdelay $0x3  }
0x94: {  	_ =	strace s3  }
0x95: {  	s3 =	sld [smem:$0x3FFD];
	_ =	sdelay $0x3  }
0x96: {  	_ =	strace s3  }
0x97: {  	_ =	strace $0x8FFFFFFF  }
0x98: {  	s19 =	sld [smem:$0x3FDB];
	_ =	sdelay $0x1  }
0x99: {  	s4 =	simm.s32 $_scs_section_size  }
0x9a: {  	s5 =	simm.s32 $_size__tile_overlayer_lowered;
	s6 =	simm.s32 $_tile_overlayer_lowered  }
0x9b: {  	s22 =	simm.s32 $0x1BFF;
	s21 =	sshll.u32 s6, $0x1;
	s3 =	sadd.s32 s4, s19  }
0x9c: {  	s7 =	simm.s32 $0x0;
	s20 =	sshll.u32 s5, $0x1;
	s5 =	sadd.s32 s21, s3  }
0x9d: {  	[timem:s7], [sflag:s22] =	dma.local [hbm:s5], s20  }
0x9e: {  	_ =	swait.ge [sflag:s22], s20  }
0x9f: {  	s4 =	ssub.s32 $0x0, s20;
	[sflag:s22] =	ssyncset.done $0x0  }
0xa0: {  	[sflag:s22] =	ssyncadd.s32 s4;
	_ =	sdelay $0x1  }
0xa1: {  	s23 =	simm.s32 $0x1B8B  }
0xa2: {  	_ =	swait.ge [sflag:s23], $0x1  }
0xa3: {  	[sflag:s23] =	ssyncset.done $0x0  }
0xa4: {  	s25 =	simm.s32 $0x1B8E;
	s24 =	sld [smem:$0x3FFE];
	[sflag:s23] =	ssyncadd.s32 $0xFFFFFFFF  }
0xa5: {  	s26 =	simm.s32 $execute0_lowered;
	[smem:$0x3FD2] =	sst s25  }
0xa6: {  	s5 =	sshll.u32 s26, $0x1;
	_ =	strace $0x80000049;
	[dreg:$0x1] =	wrdreg $0xFFFFFFFF  }
0xa7: {  	s28 =	simm.s32 $_size_execute0_lowered;
	s3 =	sadd.s32 s3, s5;
	[dreg:$0x0] =	wrdreg $0x0  }
0xa8: {  	s5 =	sshll.u32 s28, $0x1;
	[dreg:$0x2] =	wrdreg s3  }
0xa9: {  	[dreg:$0x3] =	wrdreg s5  }
0xaa: {  	[dreg:$0x4] =	wrdreg $0xC0  }
0xab: {  	_ =	task [dreg:s7], $0x5FFFF  }
0xac: {  	[dreg:$0x1] =	wrdreg $0xFFFFFFFF  }
0xad: {  	[dreg:$0x0] =	wrdreg $0x60  }
0xae: {  	[dreg:$0x2] =	wrdreg s24  }
0xaf: {  	[dreg:$0x3] =	wrdreg s2  }
0xb0: {  	[dreg:$0x4] =	wrdreg $0x9  }
0xb1: {  	_ =	task.clear_ibuf [dreg:s7], $0x5FFFF;
	_ =	strace $0x90000049  }
0xb2: {  	s29 =	simm.s32 $0x9;
	_ =	strace $0x8000004B  }
0xb3: {  	_ =	swait.ge [sflag:s29], $0x1  }
0xb4: {  	[sflag:s29] =	ssyncadd.s32 $0xFFFFFFFF  }
0xb5: {  	_ =	strace $0x9000004B  }
0xb6: {  	_ =	sfence  }
0xb7: {  	s30 =	sld [smem:$0x0];
	_ =	sdelay $0x2  }
0xb8: {  	s31 =	sshll.u32 s1, $0xD;
	s1 =	sshrl.u32 s1, $0x2  }
0xb9: {  	s3 =	sand.u32 $0x4000, s31;
	s1 =	sadd.s32 s1, s30  }
0xba: {  	s0 =	sor.u32 s3, s0;
	s1 =	sshll.u32 s1, $0x11  }
0xbb: {  	s0 =	sor.u32 s1, s0  }
0xbc: {  	s0 =	sadd.s32 $0x8F2B, s0  }
0xbd: {  	[sflag:s0] =	ssyncadd.remote.s32 $0x1  }
0xbe: {  	_ =	sfence.sel $0xFFFF  }
0xbf: {  	[dreg:$0x0] =	wrdreg $0xFFFFFFFF;
	(pc) =	sbr.abs _section_cstart, $3  }
0xc0: {  	[dreg:$0x1] =	wrdreg $0xFFFFFFFF  }
0xc1: {  	_ =	task.clear_ibuf [dreg:s7], $0x2FFFF;
	_ =	strace $0x9FFFFFFF  }
0xc2: {  	(tm) =	ssettm $0x7FFFFFFF  }
0xc3: {  	_ =	shalt  }
tec
execute0_lowered:
.L_overlay_start_1:
0x0: {  	(tag) =	ssettag $0x1  }
0x1: {  	s1 =	srdreg.scid  }
0x2: {  	s0 =	stileid.u32;
	s6 =	rddreg [dreg:$0x0]  }
0x3: {  	s4 =	rddreg [dreg:$0x1];
	s18 =	simm.s32 $0x880;
	s19 =	simm.s32 $0x1080  }
0x4: {  	s20 =	simm.s32 $0x1880;
	s22 =	simm.s32 $0x2080;
	s23 =	simm.s32 $0x2880  }
0x5: {  	s7 =	simm.s32 $0x3080;
	s24 =	simm.s32 $0x3880;
	s8 =	simm.s32 $0x4080  }
0x6: {  	s25 =	simm.s32 $0x4880;
	s26 =	simm.s32 $0x5080;
	s1 =	sand.u32 $0x1, s1  }
0x7: {  	s9 =	simm.s32 $0x80;
	s2 =	sshll.u32 s0, $0x7;
	s3 =	sshll.u32 s1, $0x6  }
0x8: {  	s11 =	simm.s32 $0x6080;
	s3 =	sor.u32 s3, s2;
	s2 =	simm.s32 $0x0  }
0x9: {  	s12 =	simm.s32 $0x6880;
	s13 =	simm.s32 $0x7080;
	[smem:$0x7FF] =	sst s2  }
0xa: {  	s14 =	simm.s32 $0x7880;
	_ =	strace $0x8000004A;
	[dreg:$0x5] =	wrdreg s18  }
0xb: {  	s15 =	simm.s32 $0x8080;
	s16 =	simm.s32 $0x8880;
	[dreg:$0x6] =	wrdreg s19  }
0xc: {  	s17 =	simm.s32 $0x9080;
	s28 =	simm.s32 $0xE080;
	[dreg:$0x7] =	wrdreg s20  }
0xd: {  	s29 =	simm.s32 $0xE880;
	s30 =	simm.s32 $0xF080;
	[dreg:$0x8] =	wrdreg s22  }
0xe: {  	s31 =	simm.s32 $0xF880;
	s1 =	ssub.s32 $0x2, s1;
	[dreg:$0x9] =	wrdreg s23  }
0xf: {  	s21 =	sshrl.u32 s1, $0x1;
	s5 =	sshrl.u32 s3, $0x3;
	[dreg:$0xa] =	wrdreg s7  }
0x10: {  	s3 =	sshll.u32 s3, $0x7;
	s1 =	ssub.s32 s1, s21;
	[dreg:$0xb] =	wrdreg s24  }
0x11: {  	s21 =	simm.s32 $0xB080;
	s5 =	sadd.s32 s5, s6;
	[dreg:$0xc] =	wrdreg s8  }
0x12: {  	s3 =	sadd.s32 s4, s3;
	s4 =	sadd.s32 $0x1300, s6;
	[dreg:$0xd] =	wrdreg s25  }
0x13: {  	s7 =	smax.u32 s1, $0x1;
	s8 =	simm.s32 $0x2;
	[dreg:$0xe] =	wrdreg s26  }
0x14: {  	s18 =	simm.s32 $0x9880;
	s19 =	simm.s32 $0xA080;
	s20 =	simm.s32 $0xA880  }
0x15: {  	s22 =	simm.s32 $0xB880;
	s23 =	simm.s32 $0xC080;
	s24 =	simm.s32 $0xC880  }
0x16: {  	v2 =	vlaneseq.u32;
	s25 =	simm.s32 $0xD080;
	s26 =	simm.s32 $0xD880;
	s1 =	simm.s32 $0x1  }
0x17: {  	vm0 =	vmmov $0xffff;
	v1 =	vshrl.u32 v2, $0x3;
	s5 =	sadd.s32 $0x61200, s5;
	[dreg:$0x4] =	wrdreg s3;
	s3 =	sadd.s32 $0x1200, s6  }
0x18: {  	v0 =	vand.u32 $0x7, v2;
	v2 =	vor.u32 $0x8, v2;
	v1 =	vmul.u32 $0x8, v1;
	[dreg:$0x3] =	wrdreg s5;
	s5 =	sadd.s32 $0x1400, s6;
	s6 =	sadd.s32 $0x1500, s6  }
.LBB2_1:
0x19: {  	s0 =	rddreg [dreg:$0x3]  }
0x1a: {  	[tilespmem:s2], [sflag:$0x2] =	stream.linear.gather [hbm4b:s0+s2], $0x40, $0x38;
	[tilespmem:$0x10080] =	vst v63  }
0x1b: {  	_ =	swait.ge [sflag:s8], $0x40  }
0x1c: {  	[sflag:s8] =	ssyncset.done $0x0  }
0x1d: {  	[sflag:s8] =	ssyncadd.s32 $0xFFFFFFC0  }
0x1e: {  	v3 =	vld [tilespmem:$0x0];
	_ =	sdelay $0x4  }
0x1f: {  	v4 =	vshll.u32 v3, $0x3  }
0x20: {  	v3 =	vand.u32 $0x7, v3;
	v4 =	vand.u32 $0xFFFFFFC0, v4  }
0x21: {  	v3 =	vor.u32 v3, v4  }
0x22: {  	v4 =	vperm.xlane v3, v0;
	_ =	sdelay $0x1  }
0x23: {  	v4 =	vadd.s32 v1, v4;
	_ =	sdelay $0x4  }
0x24: {  	[tilespmem:s9], [sflag:$0x1] =	stream.indirect_vreg.gather [hbm4b:s3+s2], $0x80, v4, vm0, $0xb8;
	[tilespmem:$0x10080] =	vst v63  }
0x25: {  	s0 =	rddreg [dreg:$0x5];
	v3 =	vperm.xlane v3, v2  }
0x26: {  	[tilespmem:s0], [sflag:$0x1] =	stream.indirect_vreg.gather [hbm4b:s4+s2], $0x80, v4, vm0, $0xb8;
	[tilespmem:$0x10080] =	vst v63  }
0x27: {  	s10 =	rddreg [dreg:$0x6];
	v3 =	vadd.s32 v1, v3  }
0x28: {  	[tilespmem:s10], [sflag:$0x1] =	stream.indirect_vreg.gather [hbm4b:s5+s2], $0x80, v4, vm0, $0xb8;
	[tilespmem:$0x10080] =	vst v63  }
0x29: {  	s0 =	rddreg [dreg:$0x7]  }
0x2a: {  	[tilespmem:s0], [sflag:$0x1] =	stream.indirect_vreg.gather [hbm4b:s6+s2], $0x80, v4, vm0, $0xb8;
	[tilespmem:$0x10080] =	vst v63  }
0x2b: {  	s10 =	rddreg [dreg:$0x8]  }
0x2c: {  	[tilespmem:s10], [sflag:$0x1] =	stream.indirect_vreg.gather [hbm4b:s3+s2], $0x80, v3, vm0, $0xb8;
	[tilespmem:$0x10080] =	vst v63  }
0x2d: {  	s0 =	rddreg [dreg:$0x9]  }
0x2e: {  	[tilespmem:s0], [sflag:$0x1] =	stream.indirect_vreg.gather [hbm4b:s4+s2], $0x80, v3, vm0, $0xb8;
	[tilespmem:$0x10080] =	vst v63  }
0x2f: {  	s10 =	rddreg [dreg:$0xa]  }
0x30: {  	[tilespmem:s10], [sflag:$0x1] =	stream.indirect_vreg.gather [hbm4b:s5+s2], $0x80, v3, vm0, $0xb8;
	[tilespmem:$0x10080] =	vst v63  }
0x31: {  	s0 =	rddreg [dreg:$0xb]  }
0x32: {  	[tilespmem:s0], [sflag:$0x1] =	stream.indirect_vreg.gather [hbm4b:s6+s2], $0x80, v3, vm0, $0xb8;
	[tilespmem:$0x10080] =	vst v63  }
0x33: {  	v3 =	vld [tilespmem:$0x10];
	_ =	sdelay $0x4  }
0x34: {  	v61 =	vshll.u32 v3, $0x3  }
0x35: {  	v3 =	vand.u32 $0x7, v3;
	v4 =	vand.u32 $0xFFFFFFC0, v61  }
0x36: {  	v3 =	vor.u32 v3, v4  }
0x37: {  	v4 =	vperm.xlane v3, v0;
	_ =	sdelay $0x1  }
0x38: {  	v4 =	vadd.s32 v1, v4;
	_ =	sdelay $0x3  }
0x39: {  	s0 =	rddreg [dreg:$0xc]  }
0x3a: {  	[tilespmem:s0], [sflag:$0x1] =	stream.indirect_vreg.gather [hbm4b:s3+s2], $0x80, v4, vm0, $0xb8;
	[tilespmem:$0x10080] =	vst v63  }
0x3b: {  	s10 =	rddreg [dreg:$0xd];
	v3 =	vperm.xlane v3, v2  }
0x3c: {  	[tilespmem:s10], [sflag:$0x1] =	stream.indirect_vreg.gather [hbm4b:s4+s2], $0x80, v4, vm0, $0xb8;
	[tilespmem:$0x10080] =	vst v63  }
0x3d: {  	v3 =	vadd.s32 v1, v3;
	s0 =	rddreg [dreg:$0xe]  }
0x3e: {  	[tilespmem:s0], [sflag:$0x1] =	stream.indirect_vreg.gather [hbm4b:s5+s2], $0x80, v4, vm0, $0xb8;
	[tilespmem:$0x10080] =	vst v63  }
0x3f: {  	s10 =	simm.s32 $0x5880  }
0x40: {  	[tilespmem:s10], [sflag:$0x1] =	stream.indirect_vreg.gather [hbm4b:s6+s2], $0x80, v4, vm0, $0xb8;
	[tilespmem:$0x10080] =	vst v63  }
0x41: {  	_ = 	snop  }
0x42: {  	[tilespmem:s11], [sflag:$0x1] =	stream.indirect_vreg.gather [hbm4b:s3+s2], $0x80, v3, vm0, $0xb8;
	[tilespmem:$0x10080] =	vst v63  }
0x43: {  	_ = 	snop  }
0x44: {  	[tilespmem:s12], [sflag:$0x1] =	stream.indirect_vreg.gather [hbm4b:s4+s2], $0x80, v3, vm0, $0xb8;
	[tilespmem:$0x10080] =	vst v63  }
0x45: {  	_ = 	snop  }
0x46: {  	[tilespmem:s13], [sflag:$0x1] =	stream.indirect_vreg.gather [hbm4b:s5+s2], $0x80, v3, vm0, $0xb8;
	[tilespmem:$0x10080] =	vst v63  }
0x47: {  	_ = 	snop  }
0x48: {  	[tilespmem:s14], [sflag:$0x1] =	stream.indirect_vreg.gather [hbm4b:s6+s2], $0x80, v3, vm0, $0xb8;
	[tilespmem:$0x10080] =	vst v63  }
0x49: {  	v3 =	vld [tilespmem:$0x20];
	_ =	sdelay $0x4  }
0x4a: {  	v62 =	vshll.u32 v3, $0x3  }
0x4b: {  	v3 =	vand.u32 $0x7, v3;
	v4 =	vand.u32 $0xFFFFFFC0, v62  }
0x4c: {  	v3 =	vor.u32 v3, v4  }
0x4d: {  	v4 =	vperm.xlane v3, v0;
	_ =	sdelay $0x1  }
0x4e: {  	v4 =	vadd.s32 v1, v4;
	_ =	sdelay $0x4  }
0x4f: {  	[tilespmem:s15], [sflag:$0x1] =	stream.indirect_vreg.gather [hbm4b:s3+s2], $0x80, v4, vm0, $0xb8;
	[tilespmem:$0x10080] =	vst v63  }
0x50: {  	v3 =	vperm.xlane v3, v2  }
0x51: {  	[tilespmem:s16], [sflag:$0x1] =	stream.indirect_vreg.gather [hbm4b:s4+s2], $0x80, v4, vm0, $0xb8;
	[tilespmem:$0x10080] =	vst v63  }
0x52: {  	v3 =	vadd.s32 v1, v3  }
0x53: {  	[tilespmem:s17], [sflag:$0x1] =	stream.indirect_vreg.gather [hbm4b:s5+s2], $0x80, v4, vm0, $0xb8;
	[tilespmem:$0x10080] =	vst v63  }
0x54: {  	_ = 	snop  }
0x55: {  	[tilespmem:s18], [sflag:$0x1] =	stream.indirect_vreg.gather [hbm4b:s6+s2], $0x80, v4, vm0, $0xb8;
	[tilespmem:$0x10080] =	vst v63  }
0x56: {  	_ = 	snop  }
0x57: {  	[tilespmem:s19], [sflag:$0x1] =	stream.indirect_vreg.gather [hbm4b:s3+s2], $0x80, v3, vm0, $0xb8;
	[tilespmem:$0x10080] =	vst v63  }
0x58: {  	_ = 	snop  }
0x59: {  	[tilespmem:s20], [sflag:$0x1] =	stream.indirect_vreg.gather [hbm4b:s4+s2], $0x80, v3, vm0, $0xb8;
	[tilespmem:$0x10080] =	vst v63  }
0x5a: {  	_ = 	snop  }
0x5b: {  	[tilespmem:s21], [sflag:$0x1] =	stream.indirect_vreg.gather [hbm4b:s5+s2], $0x80, v3, vm0, $0xb8;
	[tilespmem:$0x10080] =	vst v63  }
0x5c: {  	_ = 	snop  }
0x5d: {  	[tilespmem:s22], [sflag:$0x1] =	stream.indirect_vreg.gather [hbm4b:s6+s2], $0x80, v3, vm0, $0xb8;
	[tilespmem:$0x10080] =	vst v63  }
0x5e: {  	v3 =	vld [tilespmem:$0x30];
	_ =	sdelay $0x4  }
0x5f: {  	v63 =	vshll.u32 v3, $0x3  }
0x60: {  	v3 =	vand.u32 $0x7, v3;
	v4 =	vand.u32 $0xFFFFFFC0, v63  }
0x61: {  	v3 =	vor.u32 v3, v4  }
0x62: {  	v4 =	vperm.xlane v3, v0;
	_ =	sdelay $0x1  }
0x63: {  	v4 =	vadd.s32 v1, v4;
	_ =	sdelay $0x4  }
0x64: {  	[tilespmem:s23], [sflag:$0x1] =	stream.indirect_vreg.gather [hbm4b:s3+s2], $0x80, v4, vm0, $0xb8;
	[tilespmem:$0x10080] =	vst v63  }
0x65: {  	v3 =	vperm.xlane v3, v2  }
0x66: {  	[tilespmem:s24], [sflag:$0x1] =	stream.indirect_vreg.gather [hbm4b:s4+s2], $0x80, v4, vm0, $0xb8;
	[tilespmem:$0x10080] =	vst v63  }
0x67: {  	v3 =	vadd.s32 v1, v3  }
0x68: {  	[tilespmem:s25], [sflag:$0x1] =	stream.indirect_vreg.gather [hbm4b:s5+s2], $0x80, v4, vm0, $0xb8;
	[tilespmem:$0x10080] =	vst v63  }
0x69: {  	_ = 	snop  }
0x6a: {  	[tilespmem:s26], [sflag:$0x1] =	stream.indirect_vreg.gather [hbm4b:s6+s2], $0x80, v4, vm0, $0xb8;
	[tilespmem:$0x10080] =	vst v63  }
0x6b: {  	_ = 	snop  }
0x6c: {  	[tilespmem:s28], [sflag:$0x1] =	stream.indirect_vreg.gather [hbm4b:s3+s2], $0x80, v3, vm0, $0xb8;
	[tilespmem:$0x10080] =	vst v63  }
0x6d: {  	_ = 	snop  }
0x6e: {  	[tilespmem:s29], [sflag:$0x1] =	stream.indirect_vreg.gather [hbm4b:s4+s2], $0x80, v3, vm0, $0xb8;
	[tilespmem:$0x10080] =	vst v63  }
0x6f: {  	_ = 	snop  }
0x70: {  	[tilespmem:s30], [sflag:$0x1] =	stream.indirect_vreg.gather [hbm4b:s5+s2], $0x80, v3, vm0, $0xb8;
	[tilespmem:$0x10080] =	vst v63  }
0x71: {  	_ = 	snop  }
0x72: {  	[tilespmem:s31], [sflag:$0x1] =	stream.indirect_vreg.gather [hbm4b:s6+s2], $0x80, v3, vm0, $0xb8;
	[tilespmem:$0x10080] =	vst v63  }
0x73: {  	_ =	swait.ge [sflag:s1], $0x10000  }
0x74: {  	p0 =	sne.s32 s7, $0x1;
	[sflag:s1] =	ssyncset.done $0x0  }
.Ltmp0:
0x75: {  	s10 =	rddreg [dreg:$0x4];
	[sflag:s1] =	ssyncadd.s32 $0xFFFF0000;
	(pc) =	sbr.rel @p0 .LBB2_1-.Ltmp0, $4  }
0x76: {  	[hbm4b:s10+s2] =	stream.linear.scatter [tilespmem:s9], [sflag:$0x2], $0x10000, $0x38;
	[tilespmem:$0x10080] =	vst v63  }
0x77: {  	_ =	swait.ge [sflag:s8], $0x10000  }
0x78: {  	[sflag:s8] =	ssyncset.done $0x0  }
0x79: {  	s7 =	sadd.s32 $0xFFFFFFFF, s7;
	[sflag:s8] =	ssyncadd.s32 $0xFFFF0000  }
0x7a: {  	_ =	sfence.sel $0x180000  }
0x7b: {  	[bflag:$0x0] =	sbarrier.arrive $0xFFFF  }
0x7c: {  	_ =	strace $0x9000004A  }
0x7d: {  	s0 =	stileid.u32;
	[bflag:$0x2] =	sbarrier.arrive $0xFFFF  }
0x7e: {  	p0 =	sne.s32 s0, $0x0;
	s0 =	rddreg [dreg:$0x2]  }
0x7f: {  	s0 =	sadd.s32 @!p0 $0x100000, s0  }
0x80: {  	[sflag:s0] =	ssyncadd.tile.s32 @!p0 $0x1;
	_ =	shalt  }
.Lfunc_end2:
_tile_overlayer_lowered:
.L_overlay_start_2:
0x81: {  	(tag) =	ssettag $0x2  }
0x82: {  	s0 =	rddreg [dreg:$0x0];
	s2 =	stileid.u32  }
0x83: {  	s1 =	rddreg [dreg:$0x1];
	p0 =	sne.s32 s2, $0x0  }
0x84: {  	s3 =	rddreg [dreg:$0x2];
	[bflag:$0x3] =	sbarrier.arrive $0xFFFF;
	s2 =	simm.s32 @!p0 $0x1C02  }
0x85: {  	[timem:s3], [sflag:s2] =	dma.local @!p0 [hbm:s0], s1  }
0x86: {  	s0 =	simm.s32 @!p0 $0x2  }
0x87: {  	_ =	swait.ge @!p0 [sflag:s0], s1  }
0x88: {  	s1 =	ssub.s32 @!p0 $0x0, s1;
	[sflag:s0] =	ssyncset.done @!p0 $0x0  }
0x89: {  	[sflag:s0] =	ssyncadd.s32 @!p0 s1  }
0x8a: {  	[bflag:$0x3] =	sbarrier.arrive $0xFFFF  }
0x8b: {  	_ =	shalt  }

</sc_bundles>
